<compile_context>
chip_gen: v7x
topology: tpu7x:2x2x1
jax: 0.10.2.dev20260603
libtpu: 0.0.44.dev20260713+nightly
codegen_flags: <defaults>
</compile_context>

<pallas_src>
import functools

import jax
import jax.numpy as jnp
from jax import lax
from jax.experimental import pallas as pl
from jax.experimental.pallas import tpu as pltpu
from jax.experimental.pallas import tpu_sc as plsc

B, S, D, H, E = 2, 2048, 1024, 1024, 8
N = B * S
P = 2 * N
TM = 512
NP = P + E * TM
NT = NP // TM

D2 = D // 2
H2 = H // 2

NW = 32
TW = N // NW
CH = 16


def _lane_cumsum(v):
    r = v.shape[0]
    k = 1
    while k < N:
        sh = jnp.concatenate(
            [jnp.zeros((r, k), jnp.int32), v[:, : N - k]], axis=1)
        v = v + sh
        k *= 2
    return v


def _pack_rows(x, half):
    xb = x.astype(jnp.bfloat16).astype(jnp.float32)
    bits = lax.bitcast_convert_type(xb, jnp.int32)
    lo = lax.shift_right_logical(bits[:, :half], 16)
    hi = bits[:, half:]
    return lo | hi


def _unpack_rows(p):
    lo = lax.bitcast_convert_type(lax.shift_left(p, 16), jnp.float32)
    hi = lax.bitcast_convert_type(p & jnp.int32(-65536), jnp.float32)
    return jnp.concatenate([lo, hi], axis=1)


def _route_body(x_ref, gw_ref, gb_ref, w_out, pos_out, te_out, xp_out):
    logits = jnp.dot(x_ref[...], gw_ref[...],
                     preferred_element_type=jnp.float32)
    i8 = (lax.broadcasted_iota(jnp.int32, (E, E), 0)
          == lax.broadcasted_iota(jnp.int32, (E, E), 1)).astype(jnp.float32)
    lt = lax.dot_general(i8, logits, (((1,), (1,)), ((), ())),
                         preferred_element_type=jnp.float32,
                         precision=lax.Precision.HIGHEST)
    lt = lt + gb_ref[...]
    m = jnp.max(lt, axis=0, keepdims=True)
    p = jnp.exp(lt - m)
    p = p / jnp.sum(p, axis=0, keepdims=True)
    si = lax.broadcasted_iota(jnp.int32, (E, N), 0)
    w1 = jnp.max(p, axis=0, keepdims=True)
    e0 = jnp.min(jnp.where(p == w1, si, E), axis=0, keepdims=True)
    p2 = jnp.where(si == e0, -1.0, p)
    w2 = jnp.max(p2, axis=0, keepdims=True)
    e1 = jnp.min(jnp.where(p2 == w2, si, E), axis=0, keepdims=True)
    w_out[0:1, :] = w1
    w_out[1:2, :] = w2

    ind_all = (e0 == si).astype(jnp.int32) + (e1 == si).astype(jnp.int32)
    sexc = _lane_cumsum(ind_all) - ind_all
    totals = jnp.sum(ind_all, axis=1, keepdims=True)
    padded = (totals + TM - 1) // TM * TM
    pos0 = jnp.zeros((1, N), jnp.int32)
    pos1 = jnp.zeros((1, N), jnp.int32)
    po = jnp.zeros((1, 1), jnp.int32)
    po_list = []
    for e in range(E):
        po_list.append(po)
        pos0 = pos0 + jnp.where(e0 == e, sexc[e:e + 1, :] + po, 0)
        pos1 = pos1 + jnp.where(e1 == e, sexc[e:e + 1, :] + po, 0)
        po = po + padded[e:e + 1, :]
    pos_out[0:1, :] = pos0
    pos_out[1:2, :] = pos1

    tiles = lax.broadcasted_iota(jnp.int32, (1, NT), 1) * TM
    te = jnp.zeros((1, NT), jnp.int32)
    for e in range(1, E):
        te = te + (tiles >= po_list[e]).astype(jnp.int32)
    n_active = po // TM
    te_out[...] = jnp.concatenate([te, n_active], axis=1)

    xp_out[...] = _pack_rows(x_ref[...], D2)


def _route(xf, gate_w, gate_b, interpret=False):
    return pl.pallas_call(
        _route_body,
        out_shape=[
            jax.ShapeDtypeStruct((2, N), jnp.float32),
            jax.ShapeDtypeStruct((2, N), jnp.int32),
            jax.ShapeDtypeStruct((1, NT + 1), jnp.int32),
            jax.ShapeDtypeStruct((N, D2), jnp.int32),
        ],
        interpret=interpret,
    )(xf, gate_w, gate_b.reshape(E, 1))


def _gmm_body(te_ref, xs_ref, ew_ref, eb_ref, y_ref):
    t = pl.program_id(0)

    @pl.when(t < te_ref[NT])
    def _():
        p = xs_ref[...]
        lo = lax.bitcast_convert_type(
            lax.shift_left(p, 16), jnp.float32).astype(jnp.bfloat16)
        hi = lax.bitcast_convert_type(
            p & jnp.int32(-65536), jnp.float32).astype(jnp.bfloat16)
        w = ew_ref[0]
        y = jnp.dot(lo, w[:D2], preferred_element_type=jnp.float32)
        y = y + jnp.dot(hi, w[D2:], preferred_element_type=jnp.float32)
        y_ref[...] = y + eb_ref[0]


def _gmm(te, xs, expert_w, expert_b, interpret=False):
    return pl.pallas_call(
        _gmm_body,
        grid_spec=pltpu.PrefetchScalarGridSpec(
            num_scalar_prefetch=1,
            grid=(NT,),
            in_specs=[
                pl.BlockSpec((TM, D2), lambda t, te: (t, 0)),
                pl.BlockSpec((1, D, H), lambda t, te: (te[t], 0, 0)),
                pl.BlockSpec((1, 1, H), lambda t, te: (te[t], 0, 0)),
            ],
            out_specs=pl.BlockSpec((TM, H), lambda t, te: (t, 0)),
        ),
        out_shape=jax.ShapeDtypeStruct((NP, H), jnp.float32),
        interpret=interpret,
    )(te, xs, expert_w.astype(jnp.bfloat16), expert_b.reshape(E, 1, H))


@functools.lru_cache(maxsize=None)
def _sc_kernels():
    mesh = plsc.VectorSubcoreMesh(core_axis_name="c", subcore_axis_name="s")

    NCH = TW // CH

    @functools.partial(
        pl.kernel,
        mesh=mesh,
        out_type=jax.ShapeDtypeStruct((NP, D2), jnp.int32),
        scratch_types=(
            [pltpu.VMEM((TW,), jnp.int32)] * 2
            + [pltpu.VMEM((CH, D2), jnp.int32)] * 4
            + [pltpu.SemaphoreType.DMA] * 8
        ),
    )
    def sc_scatter(x_hbm, pos_hbm, xs_hbm, p0_v, p1_v, *bs):
        bufs, rsem, wsem = bs[:4], bs[4:8], bs[8:12]
        nb = 4
        wid = lax.axis_index("s") * 2 + lax.axis_index("c")
        tbase = wid * TW
        pltpu.sync_copy(pos_hbm.at[0, pl.ds(tbase, TW)], p0_v)
        pltpu.sync_copy(pos_hbm.at[1, pl.ds(tbase, TW)], p1_v)
        reads = [None] * NCH
        writes = [None] * NCH
        reads[0] = pltpu.async_copy(
            x_hbm.at[pl.ds(tbase, CH)], bufs[0], rsem[0])
        for c in range(NCH):
            b = c % nb
            if c + 1 < NCH:
                if c + 1 - nb >= 0:
                    writes[c + 1 - nb][0].wait()
                    writes[c + 1 - nb][1].wait()
                reads[c + 1] = pltpu.async_copy(
                    x_hbm.at[pl.ds(tbase + (c + 1) * CH, CH)],
                    bufs[(c + 1) % nb], rsem[(c + 1) % nb])
            reads[c].wait()
            idx0 = p0_v[pl.ds(c * CH, CH)]
            idx1 = p1_v[pl.ds(c * CH, CH)]
            writes[c] = (
                pltpu.async_copy(bufs[b], xs_hbm.at[idx0], wsem[b]),
                pltpu.async_copy(bufs[b], xs_hbm.at[idx1], wsem[b]),
            )
        for k in range(max(0, NCH - nb), NCH):
            writes[k][0].wait()
            writes[k][1].wait()

    @functools.partial(
        pl.kernel,
        mesh=mesh,
        out_type=jax.ShapeDtypeStruct((P, H), jnp.float32),
        scratch_types=(
            [pltpu.VMEM((TW,), jnp.int32)] * 2
            + [pltpu.VMEM((CH, H), jnp.float32)] * 6
            + [pltpu.SemaphoreType.DMA] * 6
        ),
    )
    def sc_gather(ys_hbm, pos_hbm, out_hbm, p0_v, p1_v, *bs):
        buf0, buf1 = bs[:3], bs[3:6]
        gsem, ssem = bs[6:9], bs[9:12]
        nb = 3
        wid = lax.axis_index("s") * 2 + lax.axis_index("c")
        tbase = wid * TW
        pltpu.sync_copy(pos_hbm.at[0, pl.ds(tbase, TW)], p0_v)
        pltpu.sync_copy(pos_hbm.at[1, pl.ds(tbase, TW)], p1_v)

        def issue_reads(c):
            b = c % nb
            idx0 = p0_v[pl.ds(c * CH, CH)]
            idx1 = p1_v[pl.ds(c * CH, CH)]
            return (pltpu.async_copy(ys_hbm.at[idx0], buf0[b], gsem[b]),
                    pltpu.async_copy(ys_hbm.at[idx1], buf1[b], gsem[b]))

        reads = [None] * NCH
        writes = [None] * NCH
        reads[0] = issue_reads(0)
        for c in range(NCH):
            b = c % nb
            if c + 1 < NCH:
                if c + 1 - nb >= 0:
                    writes[c + 1 - nb][0].wait()
                    writes[c + 1 - nb][1].wait()
                reads[c + 1] = issue_reads(c + 1)
            reads[c][0].wait()
            reads[c][1].wait()
            iot = lax.iota(jnp.int32, CH)
            dest0 = (tbase + c * CH + iot) * 2
            dest1 = dest0 + 1
            writes[c] = (
                pltpu.async_copy(buf0[b], out_hbm.at[dest0], ssem[b]),
                pltpu.async_copy(buf1[b], out_hbm.at[dest1], ssem[b]),
            )
        for k in range(max(0, NCH - nb), NCH):
            writes[k][0].wait()
            writes[k][1].wait()

    return sc_scatter, sc_gather


@jax.jit
def _moe(x, gate_w, gate_b, expert_w, expert_b):
    xf = x.reshape(N, D)
    sc_scatter, sc_gather = _sc_kernels()
    w2n, pos, te, xp = _route(xf, gate_w, gate_b)
    xs = sc_scatter(xp, pos)
    ys = _gmm(te.reshape(NT + 1), xs, expert_w, expert_b)
    yout = sc_gather(ys, pos)
    top2_w = w2n.T.reshape(B, S, 2)
    top2_y = yout.reshape(B, S, 2, H)
    return top2_w, top2_y


def kernel(x, gate_w, gate_b, expert_w, expert_b):
    return _moe(x, gate_w, gate_b, expert_w, expert_b)

# --- scband reference (transcript-rebuilt; emitter-appended) ---
"""Pipeline reference for scband-experts-image-16896401343010 (READ-ONLY COPY).

The authoritative reference and input builder live on the scoring server;
editing this copy changes nothing except your own understanding.
"""

import jax, jax.numpy as jnp
import numpy as np

B, S, D, H, E = 2, 2048, 1024, 1024, 8

def setup_inputs(seed: int = 0) -> dict:
    key = jax.random.key(seed)
    k0, k1, k2 = jax.random.split(key, 3)
    x = jax.random.normal(k0, (B, S, D), dtype=jnp.float32)
    gate_w = jax.random.normal(k1, (D, E), dtype=jnp.float32) / np.sqrt(D)
    gate_b = jnp.zeros((E,), dtype=jnp.float32)
    expert_w = jax.random.normal(k2, (E, D, H), dtype=jnp.float32) / np.sqrt(D)
    expert_b = jnp.zeros((E, H), dtype=jnp.float32)
    return {"x": x, "gate_w": gate_w, "gate_b": gate_b, "expert_w": expert_w, "expert_b": expert_b}

def reference(x, gate_w, gate_b, expert_w, expert_b):
    # gating
    gating_logits = x @ gate_w + gate_b                      # [B, S, E]
    gating_weights = jax.nn.softmax(gating_logits, axis=-1)  # [B, S, E]
    top2_weights, top2_indices = jax.lax.top_k(gating_weights, 2)  # [B, S, 2]
    # dense computation of every expert (faithful to the torch loop+stack)
    expert_outputs = jnp.einsum('bsd,edh->bseh', x, expert_w) + expert_b[None, None, :, :]  # [B, S, E, H]
    # gather the top-2 expert outputs per token
    idx = jnp.broadcast_to(top2_indices[..., None], (B, S, 2, H))
    top2_expert_outputs = jnp.take_along_axis(expert_outputs, idx, axis=2)  # [B, S, 2, H]
    return (top2_weights, top2_expert_outputs)

if __name__ == "__main__":
    import jax
    _d = setup_inputs()
    print(jax.jit(kernel)(*tuple(_d.values())))

</pallas_src>

<mosaic_0001>
#map = affine_map<(d0, d1) -> (0, 0)>
module attributes {stable_mosaic.version = 14 : i64} {
  func.func @sc_gather(%arg0: i32, %arg1: i32, %arg2: memref<12288x1024xf32, #tpu.memory_space<hbm>>, %arg3: memref<2x4096xi32, #tpu.memory_space<hbm>>, %arg4: memref<8192x1024xf32, #tpu.memory_space<hbm>>, %arg5: memref<128xi32, #tpu.memory_space<vmem>>, %arg6: memref<128xi32, #tpu.memory_space<vmem>>, %arg7: memref<16x1024xf32, #tpu.memory_space<vmem>>, %arg8: memref<16x1024xf32, #tpu.memory_space<vmem>>, %arg9: memref<16x1024xf32, #tpu.memory_space<vmem>>, %arg10: memref<16x1024xf32, #tpu.memory_space<vmem>>, %arg11: memref<16x1024xf32, #tpu.memory_space<vmem>>, %arg12: memref<16x1024xf32, #tpu.memory_space<vmem>>, %arg13: memref<!tpu.dma_semaphore, #tpu.memory_space<semaphore_mem>>, %arg14: memref<!tpu.dma_semaphore, #tpu.memory_space<semaphore_mem>>, %arg15: memref<!tpu.dma_semaphore, #tpu.memory_space<semaphore_mem>>, %arg16: memref<!tpu.dma_semaphore, #tpu.memory_space<semaphore_mem>>, %arg17: memref<!tpu.dma_semaphore, #tpu.memory_space<semaphore_mem>>, %arg18: memref<!tpu.dma_semaphore, #tpu.memory_space<semaphore_mem>>) attributes {dimension_semantics = [#tpu.dimension_semantics<core_parallel>, #tpu.dimension_semantics<subcore_parallel>], iteration_bounds = array<i64: 2, 16>, scalar_prefetch = 0 : i64, scratch_operands = 14 : i64, tpu.core_type = #tpu.core_type<sc_vector_subcore>, window_params = [{transform_indices = #map}, {transform_indices = #map}, {transform_indices = #map}]} {
    %mul3A = arith.constant 2 : i32
    %mul3A_0 = arith.muli %arg1, %mul3A : i32
    %add3A = arith.addi %mul3A_0, %arg0 : i32
    %mul3A_1 = arith.constant 128 : i32
    %mul3A_2 = arith.muli %add3A, %mul3A_1 : i32
    %run_scoped3A = arith.constant 0 : i32
    "tpu.region"() ({
      %run_scoped3A_328 = tpu.sem_alloc : memref<!tpu.dma_semaphore, #tpu.memory_space<semaphore_mem>>
      %dma_start3A_329 = tpu.memref_slice %arg3[%run_scoped3A, %mul3A_2] : memref<2x4096xi32, #tpu.memory_space<hbm>> -> memref<1x128xi32, #tpu.memory_space<hbm>>
      %dma_start3A_330 = tpu.memref_squeeze %dma_start3A_329 : memref<1x128xi32, #tpu.memory_space<hbm>> -> memref<128xi32, #tpu.memory_space<hbm>>
      %dma_start3A_331 = tpu.memref_slice %arg3[%run_scoped3A, %mul3A_2] : memref<2x4096xi32, #tpu.memory_space<hbm>> -> memref<1x128xi32, #tpu.memory_space<hbm>>
      %dma_start3A_332 = tpu.memref_squeeze %dma_start3A_331 : memref<1x128xi32, #tpu.memory_space<hbm>> -> memref<128xi32, #tpu.memory_space<hbm>>
      tpu.enqueue_dma source(%dma_start3A_332 : memref<128xi32, #tpu.memory_space<hbm>>) target(%arg5 : memref<128xi32, #tpu.memory_space<vmem>>) target_semaphore(%run_scoped3A_328 : memref<!tpu.dma_semaphore, #tpu.memory_space<semaphore_mem>>)
      %dma_wait3A_333 = tpu.memref_slice %arg3[%run_scoped3A, %mul3A_2] : memref<2x4096xi32, #tpu.memory_space<hbm>> -> memref<1x128xi32, #tpu.memory_space<hbm>>
      %dma_wait3A_334 = tpu.memref_squeeze %dma_wait3A_333 : memref<1x128xi32, #tpu.memory_space<hbm>> -> memref<128xi32, #tpu.memory_space<hbm>>
      %dma_wait3A_335 = tpu.memref_slice %arg3[%run_scoped3A, %mul3A_2] : memref<2x4096xi32, #tpu.memory_space<hbm>> -> memref<1x128xi32, #tpu.memory_space<hbm>>
      %dma_wait3A_336 = tpu.memref_squeeze %dma_wait3A_335 : memref<1x128xi32, #tpu.memory_space<hbm>> -> memref<128xi32, #tpu.memory_space<hbm>>
      tpu.wait_dma2 semaphore(%run_scoped3A_328 : memref<!tpu.dma_semaphore, #tpu.memory_space<semaphore_mem>>) src(%dma_wait3A_336 : memref<128xi32, #tpu.memory_space<hbm>>) dst(%arg5 : memref<128xi32, #tpu.memory_space<vmem>>)
      tpu.yield
    }) : () -> ()
    %run_scoped3A_3 = arith.constant 1 : i32
    "tpu.region"() ({
      %run_scoped3A_328 = tpu.sem_alloc : memref<!tpu.dma_semaphore, #tpu.memory_space<semaphore_mem>>
      %dma_start3A_329 = tpu.memref_slice %arg3[%run_scoped3A_3, %mul3A_2] : memref<2x4096xi32, #tpu.memory_space<hbm>> -> memref<1x128xi32, #tpu.memory_space<hbm>>
      %dma_start3A_330 = tpu.memref_squeeze %dma_start3A_329 : memref<1x128xi32, #tpu.memory_space<hbm>> -> memref<128xi32, #tpu.memory_space<hbm>>
      %dma_start3A_331 = tpu.memref_slice %arg3[%run_scoped3A_3, %mul3A_2] : memref<2x4096xi32, #tpu.memory_space<hbm>> -> memref<1x128xi32, #tpu.memory_space<hbm>>
      %dma_start3A_332 = tpu.memref_squeeze %dma_start3A_331 : memref<1x128xi32, #tpu.memory_space<hbm>> -> memref<128xi32, #tpu.memory_space<hbm>>
      tpu.enqueue_dma source(%dma_start3A_332 : memref<128xi32, #tpu.memory_space<hbm>>) target(%arg6 : memref<128xi32, #tpu.memory_space<vmem>>) target_semaphore(%run_scoped3A_328 : memref<!tpu.dma_semaphore, #tpu.memory_space<semaphore_mem>>)
      %dma_wait3A_333 = tpu.memref_slice %arg3[%run_scoped3A_3, %mul3A_2] : memref<2x4096xi32, #tpu.memory_space<hbm>> -> memref<1x128xi32, #tpu.memory_space<hbm>>
      %dma_wait3A_334 = tpu.memref_squeeze %dma_wait3A_333 : memref<1x128xi32, #tpu.memory_space<hbm>> -> memref<128xi32, #tpu.memory_space<hbm>>
      %dma_wait3A_335 = tpu.memref_slice %arg3[%run_scoped3A_3, %mul3A_2] : memref<2x4096xi32, #tpu.memory_space<hbm>> -> memref<1x128xi32, #tpu.memory_space<hbm>>
      %dma_wait3A_336 = tpu.memref_squeeze %dma_wait3A_335 : memref<1x128xi32, #tpu.memory_space<hbm>> -> memref<128xi32, #tpu.memory_space<hbm>>
      tpu.wait_dma2 semaphore(%run_scoped3A_328 : memref<!tpu.dma_semaphore, #tpu.memory_space<semaphore_mem>>) src(%dma_wait3A_336 : memref<128xi32, #tpu.memory_space<hbm>>) dst(%arg6 : memref<128xi32, #tpu.memory_space<vmem>>)
      tpu.yield
    }) : () -> ()
    %get3A = arith.constant 0 : index
    %get3A_4 = tpu.vector_load %arg5[%get3A] {strides = array<i32>} : memref<128xi32, #tpu.memory_space<vmem>>, vector<16xi32>,
    %get3A_5 = vector.shape_cast %get3A_4 : vector<16xi32> to vector<16xi32>
    %get3A_6 = arith.constant 0 : index
    %get3A_7 = tpu.vector_load %arg6[%get3A_6] {strides = array<i32>} : memref<128xi32, #tpu.memory_space<vmem>>, vector<16xi32>,
    %get3A_8 = vector.shape_cast %get3A_7 : vector<16xi32> to vector<16xi32>
    %dma_start3A = arith.constant 0 : i32
    %dma_start3A_9 = arith.constant 0 : i32
    %dma_start3A_10 = tpu.memref_slice %arg2[%dma_start3A, %dma_start3A_9] : memref<12288x1024xf32, #tpu.memory_space<hbm>> -> memref<12288x1024xf32, #tpu.memory_space<hbm>>
    tpu.enqueue_indirect_dma source(%dma_start3A_10 : memref<12288x1024xf32, #tpu.memory_space<hbm>>) target(%arg7 : memref<16x1024xf32, #tpu.memory_space<vmem>>) offsets(%get3A_5 : vector<16xi32>) semaphore(%arg13 : memref<!tpu.dma_semaphore, #tpu.memory_space<semaphore_mem>>)
    %dma_start3A_11 = arith.constant 0 : i32
    %dma_start3A_12 = arith.constant 0 : i32
    %dma_start3A_13 = tpu.memref_slice %arg2[%dma_start3A_11, %dma_start3A_12] : memref<12288x1024xf32, #tpu.memory_space<hbm>> -> memref<12288x1024xf32, #tpu.memory_space<hbm>>
    tpu.enqueue_indirect_dma source(%dma_start3A_13 : memref<12288x1024xf32, #tpu.memory_space<hbm>>) target(%arg10 : memref<16x1024xf32, #tpu.memory_space<vmem>>) offsets(%get3A_8 : vector<16xi32>) semaphore(%arg13 : memref<!tpu.dma_semaphore, #tpu.memory_space<semaphore_mem>>)
    %get3A_14 = arith.constant 16 : index
    %get3A_15 = tpu.vector_load %arg5[%get3A_14] {strides = array<i32>} : memref<128xi32, #tpu.memory_space<vmem>>, vector<16xi32>,
    %get3A_16 = vector.shape_cast %get3A_15 : vector<16xi32> to vector<16xi32>
    %get3A_17 = arith.constant 16 : index
    %get3A_18 = tpu.vector_load %arg6[%get3A_17] {strides = array<i32>} : memref<128xi32, #tpu.memory_space<vmem>>, vector<16xi32>,
    %get3A_19 = vector.shape_cast %get3A_18 : vector<16xi32> to vector<16xi32>
    %dma_start3A_20 = arith.constant 0 : i32
    %dma_start3A_21 = arith.constant 0 : i32
    %dma_start3A_22 = tpu.memref_slice %arg2[%dma_start3A_20, %dma_start3A_21] : memref<12288x1024xf32, #tpu.memory_space<hbm>> -> memref<12288x1024xf32, #tpu.memory_space<hbm>>
    tpu.enqueue_indirect_dma source(%dma_start3A_22 : memref<12288x1024xf32, #tpu.memory_space<hbm>>) target(%arg8 : memref<16x1024xf32, #tpu.memory_space<vmem>>) offsets(%get3A_16 : vector<16xi32>) semaphore(%arg14 : memref<!tpu.dma_semaphore, #tpu.memory_space<semaphore_mem>>)
    %dma_start3A_23 = arith.constant 0 : i32
    %dma_start3A_24 = arith.constant 0 : i32
    %dma_start3A_25 = tpu.memref_slice %arg2[%dma_start3A_23, %dma_start3A_24] : memref<12288x1024xf32, #tpu.memory_space<hbm>> -> memref<12288x1024xf32, #tpu.memory_space<hbm>>
    tpu.enqueue_indirect_dma source(%dma_start3A_25 : memref<12288x1024xf32, #tpu.memory_space<hbm>>) target(%arg11 : memref<16x1024xf32, #tpu.memory_space<vmem>>) offsets(%get3A_19 : vector<16xi32>) semaphore(%arg14 : memref<!tpu.dma_semaphore, #tpu.memory_space<semaphore_mem>>)
    %dma_wait3A = arith.constant 0 : i32
    %dma_wait3A_26 = arith.constant 0 : i32
    %dma_wait3A_27 = tpu.memref_slice %arg2[%dma_wait3A, %dma_wait3A_26] : memref<12288x1024xf32, #tpu.memory_space<hbm>> -> memref<12288x1024xf32, #tpu.memory_space<hbm>>
    tpu.wait_indirect_dma semaphore(%arg13 : memref<!tpu.dma_semaphore, #tpu.memory_space<semaphore_mem>>) src(%dma_wait3A_27 : memref<12288x1024xf32, #tpu.memory_space<hbm>>) dst(%arg7 : memref<16x1024xf32, #tpu.memory_space<vmem>>)
    %dma_wait3A_28 = arith.constant 0 : i32
    %dma_wait3A_29 = arith.constant 0 : i32
    %dma_wait3A_30 = tpu.memref_slice %arg2[%dma_wait3A_28, %dma_wait3A_29] : memref<12288x1024xf32, #tpu.memory_space<hbm>> -> memref<12288x1024xf32, #tpu.memory_space<hbm>>
    tpu.wait_indirect_dma semaphore(%arg13 : memref<!tpu.dma_semaphore, #tpu.memory_space<semaphore_mem>>) src(%dma_wait3A_30 : memref<12288x1024xf32, #tpu.memory_space<hbm>>) dst(%arg10 : memref<16x1024xf32, #tpu.memory_space<vmem>>)
    %iota3A = tpu.iota {dimensions = array<i32: 0>} : vector<16xi32>
    %add3A_31 = arith.constant 0 : i32
    %add3A_32 = arith.addi %mul3A_2, %add3A_31 : i32
    %add3A_33 = vector.broadcast %add3A_32 : i32 to vector<16xi32>
    %add3A_34 = arith.addi %add3A_33, %iota3A : vector<16xi32>
    %mul3A_35 = arith.constant 2 : i32
    %mul3A_36 = vector.broadcast %mul3A_35 : i32 to vector<16xi32>
    %mul3A_37 = arith.muli %add3A_34, %mul3A_36 : vector<16xi32>
    %add3A_38 = arith.constant 1 : i32
    %add3A_39 = vector.broadcast %add3A_38 : i32 to vector<16xi32>
    %add3A_40 = arith.addi %mul3A_37, %add3A_39 : vector<16xi32>
    %dma_start3A_41 = arith.constant 0 : i32
    %dma_start3A_42 = arith.constant 0 : i32
    %dma_start3A_43 = tpu.memref_slice %arg4[%dma_start3A_41, %dma_start3A_42] : memref<8192x1024xf32, #tpu.memory_space<hbm>> -> memref<8192x1024xf32, #tpu.memory_space<hbm>>
    tpu.enqueue_indirect_dma source(%arg7 : memref<16x1024xf32, #tpu.memory_space<vmem>>) target(%dma_start3A_43 : memref<8192x1024xf32, #tpu.memory_space<hbm>>) offsets(%mul3A_37 : vector<16xi32>) semaphore(%arg16 : memref<!tpu.dma_semaphore, #tpu.memory_space<semaphore_mem>>)
    %dma_start3A_44 = arith.constant 0 : i32
    %dma_start3A_45 = arith.constant 0 : i32
    %dma_start3A_46 = tpu.memref_slice %arg4[%dma_start3A_44, %dma_start3A_45] : memref<8192x1024xf32, #tpu.memory_space<hbm>> -> memref<8192x1024xf32, #tpu.memory_space<hbm>>
    tpu.enqueue_indirect_dma source(%arg10 : memref<16x1024xf32, #tpu.memory_space<vmem>>) target(%dma_start3A_46 : memref<8192x1024xf32, #tpu.memory_space<hbm>>) offsets(%add3A_40 : vector<16xi32>) semaphore(%arg16 : memref<!tpu.dma_semaphore, #tpu.memory_space<semaphore_mem>>)
    %get3A_47 = arith.constant 32 : index
    %get3A_48 = tpu.vector_load %arg5[%get3A_47] {strides = array<i32>} : memref<128xi32, #tpu.memory_space<vmem>>, vector<16xi32>,
    %get3A_49 = vector.shape_cast %get3A_48 : vector<16xi32> to vector<16xi32>
    %get3A_50 = arith.constant 32 : index
    %get3A_51 = tpu.vector_load %arg6[%get3A_50] {strides = array<i32>} : memref<128xi32, #tpu.memory_space<vmem>>, vector<16xi32>,
    %get3A_52 = vector.shape_cast %get3A_51 : vector<16xi32> to vector<16xi32>
    %dma_start3A_53 = arith.constant 0 : i32
    %dma_start3A_54 = arith.constant 0 : i32
    %dma_start3A_55 = tpu.memref_slice %arg2[%dma_start3A_53, %dma_start3A_54] : memref<12288x1024xf32, #tpu.memory_space<hbm>> -> memref<12288x1024xf32, #tpu.memory_space<hbm>>
    tpu.enqueue_indirect_dma source(%dma_start3A_55 : memref<12288x1024xf32, #tpu.memory_space<hbm>>) target(%arg9 : memref<16x1024xf32, #tpu.memory_space<vmem>>) offsets(%get3A_49 : vector<16xi32>) semaphore(%arg15 : memref<!tpu.dma_semaphore, #tpu.memory_space<semaphore_mem>>)
    %dma_start3A_56 = arith.constant 0 : i32
    %dma_start3A_57 = arith.constant 0 : i32
    %dma_start3A_58 = tpu.memref_slice %arg2[%dma_start3A_56, %dma_start3A_57] : memref<12288x1024xf32, #tpu.memory_space<hbm>> -> memref<12288x1024xf32, #tpu.memory_space<hbm>>
    tpu.enqueue_indirect_dma source(%dma_start3A_58 : memref<12288x1024xf32, #tpu.memory_space<hbm>>) target(%arg12 : memref<16x1024xf32, #tpu.memory_space<vmem>>) offsets(%get3A_52 : vector<16xi32>) semaphore(%arg15 : memref<!tpu.dma_semaphore, #tpu.memory_space<semaphore_mem>>)
    %dma_wait3A_59 = arith.constant 0 : i32
    %dma_wait3A_60 = arith.constant 0 : i32
    %dma_wait3A_61 = tpu.memref_slice %arg2[%dma_wait3A_59, %dma_wait3A_60] : memref<12288x1024xf32, #tpu.memory_space<hbm>> -> memref<12288x1024xf32, #tpu.memory_space<hbm>>
    tpu.wait_indirect_dma semaphore(%arg14 : memref<!tpu.dma_semaphore, #tpu.memory_space<semaphore_mem>>) src(%dma_wait3A_61 : memref<12288x1024xf32, #tpu.memory_space<hbm>>) dst(%arg8 : memref<16x1024xf32, #tpu.memory_space<vmem>>)
    %dma_wait3A_62 = arith.constant 0 : i32
    %dma_wait3A_63 = arith.constant 0 : i32
    %dma_wait3A_64 = tpu.memref_slice %arg2[%dma_wait3A_62, %dma_wait3A_63] : memref<12288x1024xf32, #tpu.memory_space<hbm>> -> memref<12288x1024xf32, #tpu.memory_space<hbm>>
    tpu.wait_indirect_dma semaphore(%arg14 : memref<!tpu.dma_semaphore, #tpu.memory_space<semaphore_mem>>) src(%dma_wait3A_64 : memref<12288x1024xf32, #tpu.memory_space<hbm>>) dst(%arg11 : memref<16x1024xf32, #tpu.memory_space<vmem>>)
    %iota3A_65 = tpu.iota {dimensions = array<i32: 0>} : vector<16xi32>
    %add3A_66 = arith.constant 16 : i32
    %add3A_67 = arith.addi %mul3A_2, %add3A_66 : i32
    %add3A_68 = vector.broadcast %add3A_67 : i32 to vector<16xi32>
    %add3A_69 = arith.addi %add3A_68, %iota3A_65 : vector<16xi32>
    %mul3A_70 = arith.constant 2 : i32
    %mul3A_71 = vector.broadcast %mul3A_70 : i32 to vector<16xi32>
    %mul3A_72 = arith.muli %add3A_69, %mul3A_71 : vector<16xi32>
    %add3A_73 = arith.constant 1 : i32
    %add3A_74 = vector.broadcast %add3A_73 : i32 to vector<16xi32>
    %add3A_75 = arith.addi %mul3A_72, %add3A_74 : vector<16xi32>
    %dma_start3A_76 = arith.constant 0 : i32
    %dma_start3A_77 = arith.constant 0 : i32
    %dma_start3A_78 = tpu.memref_slice %arg4[%dma_start3A_76, %dma_start3A_77] : memref<8192x1024xf32, #tpu.memory_space<hbm>> -> memref<8192x1024xf32, #tpu.memory_space<hbm>>
    tpu.enqueue_indirect_dma source(%arg8 : memref<16x1024xf32, #tpu.memory_space<vmem>>) target(%dma_start3A_78 : memref<8192x1024xf32, #tpu.memory_space<hbm>>) offsets(%mul3A_72 : vector<16xi32>) semaphore(%arg17 : memref<!tpu.dma_semaphore, #tpu.memory_space<semaphore_mem>>)
    %dma_start3A_79 = arith.constant 0 : i32
    %dma_start3A_80 = arith.constant 0 : i32
    %dma_start3A_81 = tpu.memref_slice %arg4[%dma_start3A_79, %dma_start3A_80] : memref<8192x1024xf32, #tpu.memory_space<hbm>> -> memref<8192x1024xf32, #tpu.memory_space<hbm>>
    tpu.enqueue_indirect_dma source(%arg11 : memref<16x1024xf32, #tpu.memory_space<vmem>>) target(%dma_start3A_81 : memref<8192x1024xf32, #tpu.memory_space<hbm>>) offsets(%add3A_75 : vector<16xi32>) semaphore(%arg17 : memref<!tpu.dma_semaphore, #tpu.memory_space<semaphore_mem>>)
    %dma_wait3A_82 = arith.constant 0 : i32
    %dma_wait3A_83 = arith.constant 0 : i32
    %dma_wait3A_84 = tpu.memref_slice %arg4[%dma_wait3A_82, %dma_wait3A_83] : memref<8192x1024xf32, #tpu.memory_space<hbm>> -> memref<8192x1024xf32, #tpu.memory_space<hbm>>
    tpu.wait_indirect_dma semaphore(%arg16 : memref<!tpu.dma_semaphore, #tpu.memory_space<semaphore_mem>>) src(%arg7 : memref<16x1024xf32, #tpu.memory_space<vmem>>) dst(%dma_wait3A_84 : memref<8192x1024xf32, #tpu.memory_space<hbm>>)
    %dma_wait3A_85 = arith.constant 0 : i32
    %dma_wait3A_86 = arith.constant 0 : i32
    %dma_wait3A_87 = tpu.memref_slice %arg4[%dma_wait3A_85, %dma_wait3A_86] : memref<8192x1024xf32, #tpu.memory_space<hbm>> -> memref<8192x1024xf32, #tpu.memory_space<hbm>>
    tpu.wait_indirect_dma semaphore(%arg16 : memref<!tpu.dma_semaphore, #tpu.memory_space<semaphore_mem>>) src(%arg10 : memref<16x1024xf32, #tpu.memory_space<vmem>>) dst(%dma_wait3A_87 : memref<8192x1024xf32, #tpu.memory_space<hbm>>)
    %get3A_88 = arith.constant 48 : index
    %get3A_89 = tpu.vector_load %arg5[%get3A_88] {strides = array<i32>} : memref<128xi32, #tpu.memory_space<vmem>>, vector<16xi32>,
    %get3A_90 = vector.shape_cast %get3A_89 : vector<16xi32> to vector<16xi32>
    %get3A_91 = arith.constant 48 : index
    %get3A_92 = tpu.vector_load %arg6[%get3A_91] {strides = array<i32>} : memref<128xi32, #tpu.memory_space<vmem>>, vector<16xi32>,
    %get3A_93 = vector.shape_cast %get3A_92 : vector<16xi32> to vector<16xi32>
    %dma_start3A_94 = arith.constant 0 : i32
    %dma_start3A_95 = arith.constant 0 : i32
    %dma_start3A_96 = tpu.memref_slice %arg2[%dma_start3A_94, %dma_start3A_95] : memref<12288x1024xf32, #tpu.memory_space<hbm>> -> memref<12288x1024xf32, #tpu.memory_space<hbm>>
    tpu.enqueue_indirect_dma source(%dma_start3A_96 : memref<12288x1024xf32, #tpu.memory_space<hbm>>) target(%arg7 : memref<16x1024xf32, #tpu.memory_space<vmem>>) offsets(%get3A_90 : vector<16xi32>) semaphore(%arg13 : memref<!tpu.dma_semaphore, #tpu.memory_space<semaphore_mem>>)
    %dma_start3A_97 = arith.constant 0 : i32
    %dma_start3A_98 = arith.constant 0 : i32
    %dma_start3A_99 = tpu.memref_slice %arg2[%dma_start3A_97, %dma_start3A_98] : memref<12288x1024xf32, #tpu.memory_space<hbm>> -> memref<12288x1024xf32, #tpu.memory_space<hbm>>
    tpu.enqueue_indirect_dma source(%dma_start3A_99 : memref<12288x1024xf32, #tpu.memory_space<hbm>>) target(%arg10 : memref<16x1024xf32, #tpu.memory_space<vmem>>) offsets(%get3A_93 : vector<16xi32>) semaphore(%arg13 : memref<!tpu.dma_semaphore, #tpu.memory_space<semaphore_mem>>)
    %dma_wait3A_100 = arith.constant 0 : i32
    %dma_wait3A_101 = arith.constant 0 : i32
    %dma_wait3A_102 = tpu.memref_slice %arg2[%dma_wait3A_100, %dma_wait3A_101] : memref<12288x1024xf32, #tpu.memory_space<hbm>> -> memref<12288x1024xf32, #tpu.memory_space<hbm>>
    tpu.wait_indirect_dma semaphore(%arg15 : memref<!tpu.dma_semaphore, #tpu.memory_space<semaphore_mem>>) src(%dma_wait3A_102 : memref<12288x1024xf32, #tpu.memory_space<hbm>>) dst(%arg9 : memref<16x1024xf32, #tpu.memory_space<vmem>>)
    %dma_wait3A_103 = arith.constant 0 : i32
    %dma_wait3A_104 = arith.constant 0 : i32
    %dma_wait3A_105 = tpu.memref_slice %arg2[%dma_wait3A_103, %dma_wait3A_104] : memref<12288x1024xf32, #tpu.memory_space<hbm>> -> memref<12288x1024xf32, #tpu.memory_space<hbm>>
    tpu.wait_indirect_dma semaphore(%arg15 : memref<!tpu.dma_semaphore, #tpu.memory_space<semaphore_mem>>) src(%dma_wait3A_105 : memref<12288x1024xf32, #tpu.memory_space<hbm>>) dst(%arg12 : memref<16x1024xf32, #tpu.memory_space<vmem>>)
    %iota3A_106 = tpu.iota {dimensions = array<i32: 0>} : vector<16xi32>
    %add3A_107 = arith.constant 32 : i32
    %add3A_108 = arith.addi %mul3A_2, %add3A_107 : i32
    %add3A_109 = vector.broadcast %add3A_108 : i32 to vector<16xi32>
    %add3A_110 = arith.addi %add3A_109, %iota3A_106 : vector<16xi32>
    %mul3A_111 = arith.constant 2 : i32
    %mul3A_112 = vector.broadcast %mul3A_111 : i32 to vector<16xi32>
    %mul3A_113 = arith.muli %add3A_110, %mul3A_112 : vector<16xi32>
    %add3A_114 = arith.constant 1 : i32
    %add3A_115 = vector.broadcast %add3A_114 : i32 to vector<16xi32>
    %add3A_116 = arith.addi %mul3A_113, %add3A_115 : vector<16xi32>
    %dma_start3A_117 = arith.constant 0 : i32
    %dma_start3A_118 = arith.constant 0 : i32
    %dma_start3A_119 = tpu.memref_slice %arg4[%dma_start3A_117, %dma_start3A_118] : memref<8192x1024xf32, #tpu.memory_space<hbm>> -> memref<8192x1024xf32, #tpu.memory_space<hbm>>
    tpu.enqueue_indirect_dma source(%arg9 : memref<16x1024xf32, #tpu.memory_space<vmem>>) target(%dma_start3A_119 : memref<8192x1024xf32, #tpu.memory_space<hbm>>) offsets(%mul3A_113 : vector<16xi32>) semaphore(%arg18 : memref<!tpu.dma_semaphore, #tpu.memory_space<semaphore_mem>>)
    %dma_start3A_120 = arith.constant 0 : i32
    %dma_start3A_121 = arith.constant 0 : i32
    %dma_start3A_122 = tpu.memref_slice %arg4[%dma_start3A_120, %dma_start3A_121] : memref<8192x1024xf32, #tpu.memory_space<hbm>> -> memref<8192x1024xf32, #tpu.memory_space<hbm>>
    tpu.enqueue_indirect_dma source(%arg12 : memref<16x1024xf32, #tpu.memory_space<vmem>>) target(%dma_start3A_122 : memref<8192x1024xf32, #tpu.memory_space<hbm>>) offsets(%add3A_116 : vector<16xi32>) semaphore(%arg18 : memref<!tpu.dma_semaphore, #tpu.memory_space<semaphore_mem>>)
    %dma_wait3A_123 = arith.constant 0 : i32
    %dma_wait3A_124 = arith.constant 0 : i32
    %dma_wait3A_125 = tpu.memref_slice %arg4[%dma_wait3A_123, %dma_wait3A_124] : memref<8192x1024xf32, #tpu.memory_space<hbm>> -> memref<8192x1024xf32, #tpu.memory_space<hbm>>
    tpu.wait_indirect_dma semaphore(%arg17 : memref<!tpu.dma_semaphore, #tpu.memory_space<semaphore_mem>>) src(%arg8 : memref<16x1024xf32, #tpu.memory_space<vmem>>) dst(%dma_wait3A_125 : memref<8192x1024xf32, #tpu.memory_space<hbm>>)
    %dma_wait3A_126 = arith.constant 0 : i32
    %dma_wait3A_127 = arith.constant 0 : i32
    %dma_wait3A_128 = tpu.memref_slice %arg4[%dma_wait3A_126, %dma_wait3A_127] : memref<8192x1024xf32, #tpu.memory_space<hbm>> -> memref<8192x1024xf32, #tpu.memory_space<hbm>>
    tpu.wait_indirect_dma semaphore(%arg17 : memref<!tpu.dma_semaphore, #tpu.memory_space<semaphore_mem>>) src(%arg11 : memref<16x1024xf32, #tpu.memory_space<vmem>>) dst(%dma_wait3A_128 : memref<8192x1024xf32, #tpu.memory_space<hbm>>)
    %get3A_129 = arith.constant 64 : index
    %get3A_130 = tpu.vector_load %arg5[%get3A_129] {strides = array<i32>} : memref<128xi32, #tpu.memory_space<vmem>>, vector<16xi32>,
    %get3A_131 = vector.shape_cast %get3A_130 : vector<16xi32> to vector<16xi32>
    %get3A_132 = arith.constant 64 : index
    %get3A_133 = tpu.vector_load %arg6[%get3A_132] {strides = array<i32>} : memref<128xi32, #tpu.memory_space<vmem>>, vector<16xi32>,
    %get3A_134 = vector.shape_cast %get3A_133 : vector<16xi32> to vector<16xi32>
    %dma_start3A_135 = arith.constant 0 : i32
    %dma_start3A_136 = arith.constant 0 : i32
    %dma_start3A_137 = tpu.memref_slice %arg2[%dma_start3A_135, %dma_start3A_136] : memref<12288x1024xf32, #tpu.memory_space<hbm>> -> memref<12288x1024xf32, #tpu.memory_space<hbm>>
    tpu.enqueue_indirect_dma source(%dma_start3A_137 : memref<12288x1024xf32, #tpu.memory_space<hbm>>) target(%arg8 : memref<16x1024xf32, #tpu.memory_space<vmem>>) offsets(%get3A_131 : vector<16xi32>) semaphore(%arg14 : memref<!tpu.dma_semaphore, #tpu.memory_space<semaphore_mem>>)
    %dma_start3A_138 = arith.constant 0 : i32
    %dma_start3A_139 = arith.constant 0 : i32
    %dma_start3A_140 = tpu.memref_slice %arg2[%dma_start3A_138, %dma_start3A_139] : memref<12288x1024xf32, #tpu.memory_space<hbm>> -> memref<12288x1024xf32, #tpu.memory_space<hbm>>
    tpu.enqueue_indirect_dma source(%dma_start3A_140 : memref<12288x1024xf32, #tpu.memory_space<hbm>>) target(%arg11 : memref<16x1024xf32, #tpu.memory_space<vmem>>) offsets(%get3A_134 : vector<16xi32>) semaphore(%arg14 : memref<!tpu.dma_semaphore, #tpu.memory_space<semaphore_mem>>)
    %dma_wait3A_141 = arith.constant 0 : i32
    %dma_wait3A_142 = arith.constant 0 : i32
    %dma_wait3A_143 = tpu.memref_slice %arg2[%dma_wait3A_141, %dma_wait3A_142] : memref<12288x1024xf32, #tpu.memory_space<hbm>> -> memref<12288x1024xf32, #tpu.memory_space<hbm>>
    tpu.wait_indirect_dma semaphore(%arg13 : memref<!tpu.dma_semaphore, #tpu.memory_space<semaphore_mem>>) src(%dma_wait3A_143 : memref<12288x1024xf32, #tpu.memory_space<hbm>>) dst(%arg7 : memref<16x1024xf32, #tpu.memory_space<vmem>>)
    %dma_wait3A_144 = arith.constant 0 : i32
    %dma_wait3A_145 = arith.constant 0 : i32
    %dma_wait3A_146 = tpu.memref_slice %arg2[%dma_wait3A_144, %dma_wait3A_145] : memref<12288x1024xf32, #tpu.memory_space<hbm>> -> memref<12288x1024xf32, #tpu.memory_space<hbm>>
    tpu.wait_indirect_dma semaphore(%arg13 : memref<!tpu.dma_semaphore, #tpu.memory_space<semaphore_mem>>) src(%dma_wait3A_146 : memref<12288x1024xf32, #tpu.memory_space<hbm>>) dst(%arg10 : memref<16x1024xf32, #tpu.memory_space<vmem>>)
    %iota3A_147 = tpu.iota {dimensions = array<i32: 0>} : vector<16xi32>
    %add3A_148 = arith.constant 48 : i32
    %add3A_149 = arith.addi %mul3A_2, %add3A_148 : i32
    %add3A_150 = vector.broadcast %add3A_149 : i32 to vector<16xi32>
    %add3A_151 = arith.addi %add3A_150, %iota3A_147 : vector<16xi32>
    %mul3A_152 = arith.constant 2 : i32
    %mul3A_153 = vector.broadcast %mul3A_152 : i32 to vector<16xi32>
    %mul3A_154 = arith.muli %add3A_151, %mul3A_153 : vector<16xi32>
    %add3A_155 = arith.constant 1 : i32
    %add3A_156 = vector.broadcast %add3A_155 : i32 to vector<16xi32>
    %add3A_157 = arith.addi %mul3A_154, %add3A_156 : vector<16xi32>
    %dma_start3A_158 = arith.constant 0 : i32
    %dma_start3A_159 = arith.constant 0 : i32
    %dma_start3A_160 = tpu.memref_slice %arg4[%dma_start3A_158, %dma_start3A_159] : memref<8192x1024xf32, #tpu.memory_space<hbm>> -> memref<8192x1024xf32, #tpu.memory_space<hbm>>
    tpu.enqueue_indirect_dma source(%arg7 : memref<16x1024xf32, #tpu.memory_space<vmem>>) target(%dma_start3A_160 : memref<8192x1024xf32, #tpu.memory_space<hbm>>) offsets(%mul3A_154 : vector<16xi32>) semaphore(%arg16 : memref<!tpu.dma_semaphore, #tpu.memory_space<semaphore_mem>>)
    %dma_start3A_161 = arith.constant 0 : i32
    %dma_start3A_162 = arith.constant 0 : i32
    %dma_start3A_163 = tpu.memref_slice %arg4[%dma_start3A_161, %dma_start3A_162] : memref<8192x1024xf32, #tpu.memory_space<hbm>> -> memref<8192x1024xf32, #tpu.memory_space<hbm>>
    tpu.enqueue_indirect_dma source(%arg10 : memref<16x1024xf32, #tpu.memory_space<vmem>>) target(%dma_start3A_163 : memref<8192x1024xf32, #tpu.memory_space<hbm>>) offsets(%add3A_157 : vector<16xi32>) semaphore(%arg16 : memref<!tpu.dma_semaphore, #tpu.memory_space<semaphore_mem>>)
    %dma_wait3A_164 = arith.constant 0 : i32
    %dma_wait3A_165 = arith.constant 0 : i32
    %dma_wait3A_166 = tpu.memref_slice %arg4[%dma_wait3A_164, %dma_wait3A_165] : memref<8192x1024xf32, #tpu.memory_space<hbm>> -> memref<8192x1024xf32, #tpu.memory_space<hbm>>
    tpu.wait_indirect_dma semaphore(%arg18 : memref<!tpu.dma_semaphore, #tpu.memory_space<semaphore_mem>>) src(%arg9 : memref<16x1024xf32, #tpu.memory_space<vmem>>) dst(%dma_wait3A_166 : memref<8192x1024xf32, #tpu.memory_space<hbm>>)
    %dma_wait3A_167 = arith.constant 0 : i32
    %dma_wait3A_168 = arith.constant 0 : i32
    %dma_wait3A_169 = tpu.memref_slice %arg4[%dma_wait3A_167, %dma_wait3A_168] : memref<8192x1024xf32, #tpu.memory_space<hbm>> -> memref<8192x1024xf32, #tpu.memory_space<hbm>>
    tpu.wait_indirect_dma semaphore(%arg18 : memref<!tpu.dma_semaphore, #tpu.memory_space<semaphore_mem>>) src(%arg12 : memref<16x1024xf32, #tpu.memory_space<vmem>>) dst(%dma_wait3A_169 : memref<8192x1024xf32, #tpu.memory_space<hbm>>)
    %get3A_170 = arith.constant 80 : index
    %get3A_171 = tpu.vector_load %arg5[%get3A_170] {strides = array<i32>} : memref<128xi32, #tpu.memory_space<vmem>>, vector<16xi32>,
    %get3A_172 = vector.shape_cast %get3A_171 : vector<16xi32> to vector<16xi32>
    %get3A_173 = arith.constant 80 : index
    %get3A_174 = tpu.vector_load %arg6[%get3A_173] {strides = array<i32>} : memref<128xi32, #tpu.memory_space<vmem>>, vector<16xi32>,
    %get3A_175 = vector.shape_cast %get3A_174 : vector<16xi32> to vector<16xi32>
    %dma_start3A_176 = arith.constant 0 : i32
    %dma_start3A_177 = arith.constant 0 : i32
    %dma_start3A_178 = tpu.memref_slice %arg2[%dma_start3A_176, %dma_start3A_177] : memref<12288x1024xf32, #tpu.memory_space<hbm>> -> memref<12288x1024xf32, #tpu.memory_space<hbm>>
    tpu.enqueue_indirect_dma source(%dma_start3A_178 : memref<12288x1024xf32, #tpu.memory_space<hbm>>) target(%arg9 : memref<16x1024xf32, #tpu.memory_space<vmem>>) offsets(%get3A_172 : vector<16xi32>) semaphore(%arg15 : memref<!tpu.dma_semaphore, #tpu.memory_space<semaphore_mem>>)
    %dma_start3A_179 = arith.constant 0 : i32
    %dma_start3A_180 = arith.constant 0 : i32
    %dma_start3A_181 = tpu.memref_slice %arg2[%dma_start3A_179, %dma_start3A_180] : memref<12288x1024xf32, #tpu.memory_space<hbm>> -> memref<12288x1024xf32, #tpu.memory_space<hbm>>
    tpu.enqueue_indirect_dma source(%dma_start3A_181 : memref<12288x1024xf32, #tpu.memory_space<hbm>>) target(%arg12 : memref<16x1024xf32, #tpu.memory_space<vmem>>) offsets(%get3A_175 : vector<16xi32>) semaphore(%arg15 : memref<!tpu.dma_semaphore, #tpu.memory_space<semaphore_mem>>)
    %dma_wait3A_182 = arith.constant 0 : i32
    %dma_wait3A_183 = arith.constant 0 : i32
    %dma_wait3A_184 = tpu.memref_slice %arg2[%dma_wait3A_182, %dma_wait3A_183] : memref<12288x1024xf32, #tpu.memory_space<hbm>> -> memref<12288x1024xf32, #tpu.memory_space<hbm>>
    tpu.wait_indirect_dma semaphore(%arg14 : memref<!tpu.dma_semaphore, #tpu.memory_space<semaphore_mem>>) src(%dma_wait3A_184 : memref<12288x1024xf32, #tpu.memory_space<hbm>>) dst(%arg8 : memref<16x1024xf32, #tpu.memory_space<vmem>>)
    %dma_wait3A_185 = arith.constant 0 : i32
    %dma_wait3A_186 = arith.constant 0 : i32
    %dma_wait3A_187 = tpu.memref_slice %arg2[%dma_wait3A_185, %dma_wait3A_186] : memref<12288x1024xf32, #tpu.memory_space<hbm>> -> memref<12288x1024xf32, #tpu.memory_space<hbm>>
    tpu.wait_indirect_dma semaphore(%arg14 : memref<!tpu.dma_semaphore, #tpu.memory_space<semaphore_mem>>) src(%dma_wait3A_187 : memref<12288x1024xf32, #tpu.memory_space<hbm>>) dst(%arg11 : memref<16x1024xf32, #tpu.memory_space<vmem>>)
    %iota3A_188 = tpu.iota {dimensions = array<i32: 0>} : vector<16xi32>
    %add3A_189 = arith.constant 64 : i32
    %add3A_190 = arith.addi %mul3A_2, %add3A_189 : i32
    %add3A_191 = vector.broadcast %add3A_190 : i32 to vector<16xi32>
    %add3A_192 = arith.addi %add3A_191, %iota3A_188 : vector<16xi32>
    %mul3A_193 = arith.constant 2 : i32
    %mul3A_194 = vector.broadcast %mul3A_193 : i32 to vector<16xi32>
    %mul3A_195 = arith.muli %add3A_192, %mul3A_194 : vector<16xi32>
    %add3A_196 = arith.constant 1 : i32
    %add3A_197 = vector.broadcast %add3A_196 : i32 to vector<16xi32>
    %add3A_198 = arith.addi %mul3A_195, %add3A_197 : vector<16xi32>
    %dma_start3A_199 = arith.constant 0 : i32
    %dma_start3A_200 = arith.constant 0 : i32
    %dma_start3A_201 = tpu.memref_slice %arg4[%dma_start3A_199, %dma_start3A_200] : memref<8192x1024xf32, #tpu.memory_space<hbm>> -> memref<8192x1024xf32, #tpu.memory_space<hbm>>
    tpu.enqueue_indirect_dma source(%arg8 : memref<16x1024xf32, #tpu.memory_space<vmem>>) target(%dma_start3A_201 : memref<8192x1024xf32, #tpu.memory_space<hbm>>) offsets(%mul3A_195 : vector<16xi32>) semaphore(%arg17 : memref<!tpu.dma_semaphore, #tpu.memory_space<semaphore_mem>>)
    %dma_start3A_202 = arith.constant 0 : i32
    %dma_start3A_203 = arith.constant 0 : i32
    %dma_start3A_204 = tpu.memref_slice %arg4[%dma_start3A_202, %dma_start3A_203] : memref<8192x1024xf32, #tpu.memory_space<hbm>> -> memref<8192x1024xf32, #tpu.memory_space<hbm>>
    tpu.enqueue_indirect_dma source(%arg11 : memref<16x1024xf32, #tpu.memory_space<vmem>>) target(%dma_start3A_204 : memref<8192x1024xf32, #tpu.memory_space<hbm>>) offsets(%add3A_198 : vector<16xi32>) semaphore(%arg17 : memref<!tpu.dma_semaphore, #tpu.memory_space<semaphore_mem>>)
    %dma_wait3A_205 = arith.constant 0 : i32
    %dma_wait3A_206 = arith.constant 0 : i32
    %dma_wait3A_207 = tpu.memref_slice %arg4[%dma_wait3A_205, %dma_wait3A_206] : memref<8192x1024xf32, #tpu.memory_space<hbm>> -> memref<8192x1024xf32, #tpu.memory_space<hbm>>
    tpu.wait_indirect_dma semaphore(%arg16 : memref<!tpu.dma_semaphore, #tpu.memory_space<semaphore_mem>>) src(%arg7 : memref<16x1024xf32, #tpu.memory_space<vmem>>) dst(%dma_wait3A_207 : memref<8192x1024xf32, #tpu.memory_space<hbm>>)
    %dma_wait3A_208 = arith.constant 0 : i32
    %dma_wait3A_209 = arith.constant 0 : i32
    %dma_wait3A_210 = tpu.memref_slice %arg4[%dma_wait3A_208, %dma_wait3A_209] : memref<8192x1024xf32, #tpu.memory_space<hbm>> -> memref<8192x1024xf32, #tpu.memory_space<hbm>>
    tpu.wait_indirect_dma semaphore(%arg16 : memref<!tpu.dma_semaphore, #tpu.memory_space<semaphore_mem>>) src(%arg10 : memref<16x1024xf32, #tpu.memory_space<vmem>>) dst(%dma_wait3A_210 : memref<8192x1024xf32, #tpu.memory_space<hbm>>)
    %get3A_211 = arith.constant 96 : index
    %get3A_212 = tpu.vector_load %arg5[%get3A_211] {strides = array<i32>} : memref<128xi32, #tpu.memory_space<vmem>>, vector<16xi32>,
    %get3A_213 = vector.shape_cast %get3A_212 : vector<16xi32> to vector<16xi32>
    %get3A_214 = arith.constant 96 : index
    %get3A_215 = tpu.vector_load %arg6[%get3A_214] {strides = array<i32>} : memref<128xi32, #tpu.memory_space<vmem>>, vector<16xi32>,
    %get3A_216 = vector.shape_cast %get3A_215 : vector<16xi32> to vector<16xi32>
    %dma_start3A_217 = arith.constant 0 : i32
    %dma_start3A_218 = arith.constant 0 : i32
    %dma_start3A_219 = tpu.memref_slice %arg2[%dma_start3A_217, %dma_start3A_218] : memref<12288x1024xf32, #tpu.memory_space<hbm>> -> memref<12288x1024xf32, #tpu.memory_space<hbm>>
    tpu.enqueue_indirect_dma source(%dma_start3A_219 : memref<12288x1024xf32, #tpu.memory_space<hbm>>) target(%arg7 : memref<16x1024xf32, #tpu.memory_space<vmem>>) offsets(%get3A_213 : vector<16xi32>) semaphore(%arg13 : memref<!tpu.dma_semaphore, #tpu.memory_space<semaphore_mem>>)
    %dma_start3A_220 = arith.constant 0 : i32
    %dma_start3A_221 = arith.constant 0 : i32
    %dma_start3A_222 = tpu.memref_slice %arg2[%dma_start3A_220, %dma_start3A_221] : memref<12288x1024xf32, #tpu.memory_space<hbm>> -> memref<12288x1024xf32, #tpu.memory_space<hbm>>
    tpu.enqueue_indirect_dma source(%dma_start3A_222 : memref<12288x1024xf32, #tpu.memory_space<hbm>>) target(%arg10 : memref<16x1024xf32, #tpu.memory_space<vmem>>) offsets(%get3A_216 : vector<16xi32>) semaphore(%arg13 : memref<!tpu.dma_semaphore, #tpu.memory_space<semaphore_mem>>)
    %dma_wait3A_223 = arith.constant 0 : i32
    %dma_wait3A_224 = arith.constant 0 : i32
    %dma_wait3A_225 = tpu.memref_slice %arg2[%dma_wait3A_223, %dma_wait3A_224] : memref<12288x1024xf32, #tpu.memory_space<hbm>> -> memref<12288x1024xf32, #tpu.memory_space<hbm>>
    tpu.wait_indirect_dma semaphore(%arg15 : memref<!tpu.dma_semaphore, #tpu.memory_space<semaphore_mem>>) src(%dma_wait3A_225 : memref<12288x1024xf32, #tpu.memory_space<hbm>>) dst(%arg9 : memref<16x1024xf32, #tpu.memory_space<vmem>>)
    %dma_wait3A_226 = arith.constant 0 : i32
    %dma_wait3A_227 = arith.constant 0 : i32
    %dma_wait3A_228 = tpu.memref_slice %arg2[%dma_wait3A_226, %dma_wait3A_227] : memref<12288x1024xf32, #tpu.memory_space<hbm>> -> memref<12288x1024xf32, #tpu.memory_space<hbm>>
    tpu.wait_indirect_dma semaphore(%arg15 : memref<!tpu.dma_semaphore, #tpu.memory_space<semaphore_mem>>) src(%dma_wait3A_228 : memref<12288x1024xf32, #tpu.memory_space<hbm>>) dst(%arg12 : memref<16x1024xf32, #tpu.memory_space<vmem>>)
    %iota3A_229 = tpu.iota {dimensions = array<i32: 0>} : vector<16xi32>
    %add3A_230 = arith.constant 80 : i32
    %add3A_231 = arith.addi %mul3A_2, %add3A_230 : i32
    %add3A_232 = vector.broadcast %add3A_231 : i32 to vector<16xi32>
    %add3A_233 = arith.addi %add3A_232, %iota3A_229 : vector<16xi32>
    %mul3A_234 = arith.constant 2 : i32
    %mul3A_235 = vector.broadcast %mul3A_234 : i32 to vector<16xi32>
    %mul3A_236 = arith.muli %add3A_233, %mul3A_235 : vector<16xi32>
    %add3A_237 = arith.constant 1 : i32
    %add3A_238 = vector.broadcast %add3A_237 : i32 to vector<16xi32>
    %add3A_239 = arith.addi %mul3A_236, %add3A_238 : vector<16xi32>
    %dma_start3A_240 = arith.constant 0 : i32
    %dma_start3A_241 = arith.constant 0 : i32
    %dma_start3A_242 = tpu.memref_slice %arg4[%dma_start3A_240, %dma_start3A_241] : memref<8192x1024xf32, #tpu.memory_space<hbm>> -> memref<8192x1024xf32, #tpu.memory_space<hbm>>
    tpu.enqueue_indirect_dma source(%arg9 : memref<16x1024xf32, #tpu.memory_space<vmem>>) target(%dma_start3A_242 : memref<8192x1024xf32, #tpu.memory_space<hbm>>) offsets(%mul3A_236 : vector<16xi32>) semaphore(%arg18 : memref<!tpu.dma_semaphore, #tpu.memory_space<semaphore_mem>>)
    %dma_start3A_243 = arith.constant 0 : i32
    %dma_start3A_244 = arith.constant 0 : i32
    %dma_start3A_245 = tpu.memref_slice %arg4[%dma_start3A_243, %dma_start3A_244] : memref<8192x1024xf32, #tpu.memory_space<hbm>> -> memref<8192x1024xf32, #tpu.memory_space<hbm>>
    tpu.enqueue_indirect_dma source(%arg12 : memref<16x1024xf32, #tpu.memory_space<vmem>>) target(%dma_start3A_245 : memref<8192x1024xf32, #tpu.memory_space<hbm>>) offsets(%add3A_239 : vector<16xi32>) semaphore(%arg18 : memref<!tpu.dma_semaphore, #tpu.memory_space<semaphore_mem>>)
    %dma_wait3A_246 = arith.constant 0 : i32
    %dma_wait3A_247 = arith.constant 0 : i32
    %dma_wait3A_248 = tpu.memref_slice %arg4[%dma_wait3A_246, %dma_wait3A_247] : memref<8192x1024xf32, #tpu.memory_space<hbm>> -> memref<8192x1024xf32, #tpu.memory_space<hbm>>
    tpu.wait_indirect_dma semaphore(%arg17 : memref<!tpu.dma_semaphore, #tpu.memory_space<semaphore_mem>>) src(%arg8 : memref<16x1024xf32, #tpu.memory_space<vmem>>) dst(%dma_wait3A_248 : memref<8192x1024xf32, #tpu.memory_space<hbm>>)
    %dma_wait3A_249 = arith.constant 0 : i32
    %dma_wait3A_250 = arith.constant 0 : i32
    %dma_wait3A_251 = tpu.memref_slice %arg4[%dma_wait3A_249, %dma_wait3A_250] : memref<8192x1024xf32, #tpu.memory_space<hbm>> -> memref<8192x1024xf32, #tpu.memory_space<hbm>>
    tpu.wait_indirect_dma semaphore(%arg17 : memref<!tpu.dma_semaphore, #tpu.memory_space<semaphore_mem>>) src(%arg11 : memref<16x1024xf32, #tpu.memory_space<vmem>>) dst(%dma_wait3A_251 : memref<8192x1024xf32, #tpu.memory_space<hbm>>)
    %get3A_252 = arith.constant 112 : index
    %get3A_253 = tpu.vector_load %arg5[%get3A_252] {strides = array<i32>} : memref<128xi32, #tpu.memory_space<vmem>>, vector<16xi32>,
    %get3A_254 = vector.shape_cast %get3A_253 : vector<16xi32> to vector<16xi32>
    %get3A_255 = arith.constant 112 : index
    %get3A_256 = tpu.vector_load %arg6[%get3A_255] {strides = array<i32>} : memref<128xi32, #tpu.memory_space<vmem>>, vector<16xi32>,
    %get3A_257 = vector.shape_cast %get3A_256 : vector<16xi32> to vector<16xi32>
    %dma_start3A_258 = arith.constant 0 : i32
    %dma_start3A_259 = arith.constant 0 : i32
    %dma_start3A_260 = tpu.memref_slice %arg2[%dma_start3A_258, %dma_start3A_259] : memref<12288x1024xf32, #tpu.memory_space<hbm>> -> memref<12288x1024xf32, #tpu.memory_space<hbm>>
    tpu.enqueue_indirect_dma source(%dma_start3A_260 : memref<12288x1024xf32, #tpu.memory_space<hbm>>) target(%arg8 : memref<16x1024xf32, #tpu.memory_space<vmem>>) offsets(%get3A_254 : vector<16xi32>) semaphore(%arg14 : memref<!tpu.dma_semaphore, #tpu.memory_space<semaphore_mem>>)
    %dma_start3A_261 = arith.constant 0 : i32
    %dma_start3A_262 = arith.constant 0 : i32
    %dma_start3A_263 = tpu.memref_slice %arg2[%dma_start3A_261, %dma_start3A_262] : memref<12288x1024xf32, #tpu.memory_space<hbm>> -> memref<12288x1024xf32, #tpu.memory_space<hbm>>
    tpu.enqueue_indirect_dma source(%dma_start3A_263 : memref<12288x1024xf32, #tpu.memory_space<hbm>>) target(%arg11 : memref<16x1024xf32, #tpu.memory_space<vmem>>) offsets(%get3A_257 : vector<16xi32>) semaphore(%arg14 : memref<!tpu.dma_semaphore, #tpu.memory_space<semaphore_mem>>)
    %dma_wait3A_264 = arith.constant 0 : i32
    %dma_wait3A_265 = arith.constant 0 : i32
    %dma_wait3A_266 = tpu.memref_slice %arg2[%dma_wait3A_264, %dma_wait3A_265] : memref<12288x1024xf32, #tpu.memory_space<hbm>> -> memref<12288x1024xf32, #tpu.memory_space<hbm>>
    tpu.wait_indirect_dma semaphore(%arg13 : memref<!tpu.dma_semaphore, #tpu.memory_space<semaphore_mem>>) src(%dma_wait3A_266 : memref<12288x1024xf32, #tpu.memory_space<hbm>>) dst(%arg7 : memref<16x1024xf32, #tpu.memory_space<vmem>>)
    %dma_wait3A_267 = arith.constant 0 : i32
    %dma_wait3A_268 = arith.constant 0 : i32
    %dma_wait3A_269 = tpu.memref_slice %arg2[%dma_wait3A_267, %dma_wait3A_268] : memref<12288x1024xf32, #tpu.memory_space<hbm>> -> memref<12288x1024xf32, #tpu.memory_space<hbm>>
    tpu.wait_indirect_dma semaphore(%arg13 : memref<!tpu.dma_semaphore, #tpu.memory_space<semaphore_mem>>) src(%dma_wait3A_269 : memref<12288x1024xf32, #tpu.memory_space<hbm>>) dst(%arg10 : memref<16x1024xf32, #tpu.memory_space<vmem>>)
    %iota3A_270 = tpu.iota {dimensions = array<i32: 0>} : vector<16xi32>
    %add3A_271 = arith.constant 96 : i32
    %add3A_272 = arith.addi %mul3A_2, %add3A_271 : i32
    %add3A_273 = vector.broadcast %add3A_272 : i32 to vector<16xi32>
    %add3A_274 = arith.addi %add3A_273, %iota3A_270 : vector<16xi32>
    %mul3A_275 = arith.constant 2 : i32
    %mul3A_276 = vector.broadcast %mul3A_275 : i32 to vector<16xi32>
    %mul3A_277 = arith.muli %add3A_274, %mul3A_276 : vector<16xi32>
    %add3A_278 = arith.constant 1 : i32
    %add3A_279 = vector.broadcast %add3A_278 : i32 to vector<16xi32>
    %add3A_280 = arith.addi %mul3A_277, %add3A_279 : vector<16xi32>
    %dma_start3A_281 = arith.constant 0 : i32
    %dma_start3A_282 = arith.constant 0 : i32
    %dma_start3A_283 = tpu.memref_slice %arg4[%dma_start3A_281, %dma_start3A_282] : memref<8192x1024xf32, #tpu.memory_space<hbm>> -> memref<8192x1024xf32, #tpu.memory_space<hbm>>
    tpu.enqueue_indirect_dma source(%arg7 : memref<16x1024xf32, #tpu.memory_space<vmem>>) target(%dma_start3A_283 : memref<8192x1024xf32, #tpu.memory_space<hbm>>) offsets(%mul3A_277 : vector<16xi32>) semaphore(%arg16 : memref<!tpu.dma_semaphore, #tpu.memory_space<semaphore_mem>>)
    %dma_start3A_284 = arith.constant 0 : i32
    %dma_start3A_285 = arith.constant 0 : i32
    %dma_start3A_286 = tpu.memref_slice %arg4[%dma_start3A_284, %dma_start3A_285] : memref<8192x1024xf32, #tpu.memory_space<hbm>> -> memref<8192x1024xf32, #tpu.memory_space<hbm>>
    tpu.enqueue_indirect_dma source(%arg10 : memref<16x1024xf32, #tpu.memory_space<vmem>>) target(%dma_start3A_286 : memref<8192x1024xf32, #tpu.memory_space<hbm>>) offsets(%add3A_280 : vector<16xi32>) semaphore(%arg16 : memref<!tpu.dma_semaphore, #tpu.memory_space<semaphore_mem>>)
    %dma_wait3A_287 = arith.constant 0 : i32
    %dma_wait3A_288 = arith.constant 0 : i32
    %dma_wait3A_289 = tpu.memref_slice %arg2[%dma_wait3A_287, %dma_wait3A_288] : memref<12288x1024xf32, #tpu.memory_space<hbm>> -> memref<12288x1024xf32, #tpu.memory_space<hbm>>
    tpu.wait_indirect_dma semaphore(%arg14 : memref<!tpu.dma_semaphore, #tpu.memory_space<semaphore_mem>>) src(%dma_wait3A_289 : memref<12288x1024xf32, #tpu.memory_space<hbm>>) dst(%arg8 : memref<16x1024xf32, #tpu.memory_space<vmem>>)
    %dma_wait3A_290 = arith.constant 0 : i32
    %dma_wait3A_291 = arith.constant 0 : i32
    %dma_wait3A_292 = tpu.memref_slice %arg2[%dma_wait3A_290, %dma_wait3A_291] : memref<12288x1024xf32, #tpu.memory_space<hbm>> -> memref<12288x1024xf32, #tpu.memory_space<hbm>>
    tpu.wait_indirect_dma semaphore(%arg14 : memref<!tpu.dma_semaphore, #tpu.memory_space<semaphore_mem>>) src(%dma_wait3A_292 : memref<12288x1024xf32, #tpu.memory_space<hbm>>) dst(%arg11 : memref<16x1024xf32, #tpu.memory_space<vmem>>)
    %iota3A_293 = tpu.iota {dimensions = array<i32: 0>} : vector<16xi32>
    %add3A_294 = arith.constant 112 : i32
    %add3A_295 = arith.addi %mul3A_2, %add3A_294 : i32
    %add3A_296 = vector.broadcast %add3A_295 : i32 to vector<16xi32>
    %add3A_297 = arith.addi %add3A_296, %iota3A_293 : vector<16xi32>
    %mul3A_298 = arith.constant 2 : i32
    %mul3A_299 = vector.broadcast %mul3A_298 : i32 to vector<16xi32>
    %mul3A_300 = arith.muli %add3A_297, %mul3A_299 : vector<16xi32>
    %add3A_301 = arith.constant 1 : i32
    %add3A_302 = vector.broadcast %add3A_301 : i32 to vector<16xi32>
    %add3A_303 = arith.addi %mul3A_300, %add3A_302 : vector<16xi32>
    %dma_start3A_304 = arith.constant 0 : i32
    %dma_start3A_305 = arith.constant 0 : i32
    %dma_start3A_306 = tpu.memref_slice %arg4[%dma_start3A_304, %dma_start3A_305] : memref<8192x1024xf32, #tpu.memory_space<hbm>> -> memref<8192x1024xf32, #tpu.memory_space<hbm>>
    tpu.enqueue_indirect_dma source(%arg8 : memref<16x1024xf32, #tpu.memory_space<vmem>>) target(%dma_start3A_306 : memref<8192x1024xf32, #tpu.memory_space<hbm>>) offsets(%mul3A_300 : vector<16xi32>) semaphore(%arg17 : memref<!tpu.dma_semaphore, #tpu.memory_space<semaphore_mem>>)
    %dma_start3A_307 = arith.constant 0 : i32
    %dma_start3A_308 = arith.constant 0 : i32
    %dma_start3A_309 = tpu.memref_slice %arg4[%dma_start3A_307, %dma_start3A_308] : memref<8192x1024xf32, #tpu.memory_space<hbm>> -> memref<8192x1024xf32, #tpu.memory_space<hbm>>
    tpu.enqueue_indirect_dma source(%arg11 : memref<16x1024xf32, #tpu.memory_space<vmem>>) target(%dma_start3A_309 : memref<8192x1024xf32, #tpu.memory_space<hbm>>) offsets(%add3A_303 : vector<16xi32>) semaphore(%arg17 : memref<!tpu.dma_semaphore, #tpu.memory_space<semaphore_mem>>)
    %dma_wait3A_310 = arith.constant 0 : i32
    %dma_wait3A_311 = arith.constant 0 : i32
    %dma_wait3A_312 = tpu.memref_slice %arg4[%dma_wait3A_310, %dma_wait3A_311] : memref<8192x1024xf32, #tpu.memory_space<hbm>> -> memref<8192x1024xf32, #tpu.memory_space<hbm>>
    tpu.wait_indirect_dma semaphore(%arg18 : memref<!tpu.dma_semaphore, #tpu.memory_space<semaphore_mem>>) src(%arg9 : memref<16x1024xf32, #tpu.memory_space<vmem>>) dst(%dma_wait3A_312 : memref<8192x1024xf32, #tpu.memory_space<hbm>>)
    %dma_wait3A_313 = arith.constant 0 : i32
    %dma_wait3A_314 = arith.constant 0 : i32
    %dma_wait3A_315 = tpu.memref_slice %arg4[%dma_wait3A_313, %dma_wait3A_314] : memref<8192x1024xf32, #tpu.memory_space<hbm>> -> memref<8192x1024xf32, #tpu.memory_space<hbm>>
    tpu.wait_indirect_dma semaphore(%arg18 : memref<!tpu.dma_semaphore, #tpu.memory_space<semaphore_mem>>) src(%arg12 : memref<16x1024xf32, #tpu.memory_space<vmem>>) dst(%dma_wait3A_315 : memref<8192x1024xf32, #tpu.memory_space<hbm>>)
    %dma_wait3A_316 = arith.constant 0 : i32
    %dma_wait3A_317 = arith.constant 0 : i32
    %dma_wait3A_318 = tpu.memref_slice %arg4[%dma_wait3A_316, %dma_wait3A_317] : memref<8192x1024xf32, #tpu.memory_space<hbm>> -> memref<8192x1024xf32, #tpu.memory_space<hbm>>
    tpu.wait_indirect_dma semaphore(%arg16 : memref<!tpu.dma_semaphore, #tpu.memory_space<semaphore_mem>>) src(%arg7 : memref<16x1024xf32, #tpu.memory_space<vmem>>) dst(%dma_wait3A_318 : memref<8192x1024xf32, #tpu.memory_space<hbm>>)
    %dma_wait3A_319 = arith.constant 0 : i32
    %dma_wait3A_320 = arith.constant 0 : i32
    %dma_wait3A_321 = tpu.memref_slice %arg4[%dma_wait3A_319, %dma_wait3A_320] : memref<8192x1024xf32, #tpu.memory_space<hbm>> -> memref<8192x1024xf32, #tpu.memory_space<hbm>>
    tpu.wait_indirect_dma semaphore(%arg16 : memref<!tpu.dma_semaphore, #tpu.memory_space<semaphore_mem>>) src(%arg10 : memref<16x1024xf32, #tpu.memory_space<vmem>>) dst(%dma_wait3A_321 : memref<8192x1024xf32, #tpu.memory_space<hbm>>)
    %dma_wait3A_322 = arith.constant 0 : i32
    %dma_wait3A_323 = arith.constant 0 : i32
    %dma_wait3A_324 = tpu.memref_slice %arg4[%dma_wait3A_322, %dma_wait3A_323] : memref<8192x1024xf32, #tpu.memory_space<hbm>> -> memref<8192x1024xf32, #tpu.memory_space<hbm>>
    tpu.wait_indirect_dma semaphore(%arg17 : memref<!tpu.dma_semaphore, #tpu.memory_space<semaphore_mem>>) src(%arg8 : memref<16x1024xf32, #tpu.memory_space<vmem>>) dst(%dma_wait3A_324 : memref<8192x1024xf32, #tpu.memory_space<hbm>>)
    %dma_wait3A_325 = arith.constant 0 : i32
    %dma_wait3A_326 = arith.constant 0 : i32
    %dma_wait3A_327 = tpu.memref_slice %arg4[%dma_wait3A_325, %dma_wait3A_326] : memref<8192x1024xf32, #tpu.memory_space<hbm>> -> memref<8192x1024xf32, #tpu.memory_space<hbm>>
    tpu.wait_indirect_dma semaphore(%arg17 : memref<!tpu.dma_semaphore, #tpu.memory_space<semaphore_mem>>) src(%arg11 : memref<16x1024xf32, #tpu.memory_space<vmem>>) dst(%dma_wait3A_327 : memref<8192x1024xf32, #tpu.memory_space<hbm>>)
    return
  }
}

#map = affine_map<(d0, d1) -> (0, 0)>
module attributes {stable_mosaic.version = 14 : i64} {
  func.func @sc_scatter(%arg0: i32, %arg1: i32, %arg2: memref<4096x512xi32, #tpu.memory_space<hbm>>, %arg3: memref<2x4096xi32, #tpu.memory_space<hbm>>, %arg4: memref<12288x512xi32, #tpu.memory_space<hbm>>, %arg5: memref<128xi32, #tpu.memory_space<vmem>>, %arg6: memref<128xi32, #tpu.memory_space<vmem>>, %arg7: memref<16x512xi32, #tpu.memory_space<vmem>>, %arg8: memref<16x512xi32, #tpu.memory_space<vmem>>, %arg9: memref<16x512xi32, #tpu.memory_space<vmem>>, %arg10: memref<16x512xi32, #tpu.memory_space<vmem>>, %arg11: memref<!tpu.dma_semaphore, #tpu.memory_space<semaphore_mem>>, %arg12: memref<!tpu.dma_semaphore, #tpu.memory_space<semaphore_mem>>, %arg13: memref<!tpu.dma_semaphore, #tpu.memory_space<semaphore_mem>>, %arg14: memref<!tpu.dma_semaphore, #tpu.memory_space<semaphore_mem>>, %arg15: memref<!tpu.dma_semaphore, #tpu.memory_space<semaphore_mem>>, %arg16: memref<!tpu.dma_semaphore, #tpu.memory_space<semaphore_mem>>, %arg17: memref<!tpu.dma_semaphore, #tpu.memory_space<semaphore_mem>>, %arg18: memref<!tpu.dma_semaphore, #tpu.memory_space<semaphore_mem>>) attributes {dimension_semantics = [#tpu.dimension_semantics<core_parallel>, #tpu.dimension_semantics<subcore_parallel>], iteration_bounds = array<i64: 2, 16>, scalar_prefetch = 0 : i64, scratch_operands = 14 : i64, tpu.core_type = #tpu.core_type<sc_vector_subcore>, window_params = [{transform_indices = #map}, {transform_indices = #map}, {transform_indices = #map}]} {
    %mul3A = arith.constant 2 : i32
    %mul3A_0 = arith.muli %arg1, %mul3A : i32
    %add3A = arith.addi %mul3A_0, %arg0 : i32
    %mul3A_1 = arith.constant 128 : i32
    %mul3A_2 = arith.muli %add3A, %mul3A_1 : i32
    %run_scoped3A = arith.constant 0 : i32
    "tpu.region"() ({
      %run_scoped3A_223 = tpu.sem_alloc : memref<!tpu.dma_semaphore, #tpu.memory_space<semaphore_mem>>
      %dma_start3A_224 = tpu.memref_slice %arg3[%run_scoped3A, %mul3A_2] : memref<2x4096xi32, #tpu.memory_space<hbm>> -> memref<1x128xi32, #tpu.memory_space<hbm>>
      %dma_start3A_225 = tpu.memref_squeeze %dma_start3A_224 : memref<1x128xi32, #tpu.memory_space<hbm>> -> memref<128xi32, #tpu.memory_space<hbm>>
      %dma_start3A_226 = tpu.memref_slice %arg3[%run_scoped3A, %mul3A_2] : memref<2x4096xi32, #tpu.memory_space<hbm>> -> memref<1x128xi32, #tpu.memory_space<hbm>>
      %dma_start3A_227 = tpu.memref_squeeze %dma_start3A_226 : memref<1x128xi32, #tpu.memory_space<hbm>> -> memref<128xi32, #tpu.memory_space<hbm>>
      tpu.enqueue_dma source(%dma_start3A_227 : memref<128xi32, #tpu.memory_space<hbm>>) target(%arg5 : memref<128xi32, #tpu.memory_space<vmem>>) target_semaphore(%run_scoped3A_223 : memref<!tpu.dma_semaphore, #tpu.memory_space<semaphore_mem>>)
      %dma_wait3A_228 = tpu.memref_slice %arg3[%run_scoped3A, %mul3A_2] : memref<2x4096xi32, #tpu.memory_space<hbm>> -> memref<1x128xi32, #tpu.memory_space<hbm>>
      %dma_wait3A_229 = tpu.memref_squeeze %dma_wait3A_228 : memref<1x128xi32, #tpu.memory_space<hbm>> -> memref<128xi32, #tpu.memory_space<hbm>>
      %dma_wait3A_230 = tpu.memref_slice %arg3[%run_scoped3A, %mul3A_2] : memref<2x4096xi32, #tpu.memory_space<hbm>> -> memref<1x128xi32, #tpu.memory_space<hbm>>
      %dma_wait3A_231 = tpu.memref_squeeze %dma_wait3A_230 : memref<1x128xi32, #tpu.memory_space<hbm>> -> memref<128xi32, #tpu.memory_space<hbm>>
      tpu.wait_dma2 semaphore(%run_scoped3A_223 : memref<!tpu.dma_semaphore, #tpu.memory_space<semaphore_mem>>) src(%dma_wait3A_231 : memref<128xi32, #tpu.memory_space<hbm>>) dst(%arg5 : memref<128xi32, #tpu.memory_space<vmem>>)
      tpu.yield
    }) : () -> ()
    %run_scoped3A_3 = arith.constant 1 : i32
    "tpu.region"() ({
      %run_scoped3A_223 = tpu.sem_alloc : memref<!tpu.dma_semaphore, #tpu.memory_space<semaphore_mem>>
      %dma_start3A_224 = tpu.memref_slice %arg3[%run_scoped3A_3, %mul3A_2] : memref<2x4096xi32, #tpu.memory_space<hbm>> -> memref<1x128xi32, #tpu.memory_space<hbm>>
      %dma_start3A_225 = tpu.memref_squeeze %dma_start3A_224 : memref<1x128xi32, #tpu.memory_space<hbm>> -> memref<128xi32, #tpu.memory_space<hbm>>
      %dma_start3A_226 = tpu.memref_slice %arg3[%run_scoped3A_3, %mul3A_2] : memref<2x4096xi32, #tpu.memory_space<hbm>> -> memref<1x128xi32, #tpu.memory_space<hbm>>
      %dma_start3A_227 = tpu.memref_squeeze %dma_start3A_226 : memref<1x128xi32, #tpu.memory_space<hbm>> -> memref<128xi32, #tpu.memory_space<hbm>>
      tpu.enqueue_dma source(%dma_start3A_227 : memref<128xi32, #tpu.memory_space<hbm>>) target(%arg6 : memref<128xi32, #tpu.memory_space<vmem>>) target_semaphore(%run_scoped3A_223 : memref<!tpu.dma_semaphore, #tpu.memory_space<semaphore_mem>>)
      %dma_wait3A_228 = tpu.memref_slice %arg3[%run_scoped3A_3, %mul3A_2] : memref<2x4096xi32, #tpu.memory_space<hbm>> -> memref<1x128xi32, #tpu.memory_space<hbm>>
      %dma_wait3A_229 = tpu.memref_squeeze %dma_wait3A_228 : memref<1x128xi32, #tpu.memory_space<hbm>> -> memref<128xi32, #tpu.memory_space<hbm>>
      %dma_wait3A_230 = tpu.memref_slice %arg3[%run_scoped3A_3, %mul3A_2] : memref<2x4096xi32, #tpu.memory_space<hbm>> -> memref<1x128xi32, #tpu.memory_space<hbm>>
      %dma_wait3A_231 = tpu.memref_squeeze %dma_wait3A_230 : memref<1x128xi32, #tpu.memory_space<hbm>> -> memref<128xi32, #tpu.memory_space<hbm>>
      tpu.wait_dma2 semaphore(%run_scoped3A_223 : memref<!tpu.dma_semaphore, #tpu.memory_space<semaphore_mem>>) src(%dma_wait3A_231 : memref<128xi32, #tpu.memory_space<hbm>>) dst(%arg6 : memref<128xi32, #tpu.memory_space<vmem>>)
      tpu.yield
    }) : () -> ()
    %dma_start3A = arith.constant 0 : i32
    %dma_start3A_4 = tpu.memref_slice %arg2[%mul3A_2, %dma_start3A] : memref<4096x512xi32, #tpu.memory_space<hbm>> -> memref<16x512xi32, #tpu.memory_space<hbm>>
    %dma_start3A_5 = arith.constant 0 : i32
    %dma_start3A_6 = tpu.memref_slice %arg2[%mul3A_2, %dma_start3A_5] : memref<4096x512xi32, #tpu.memory_space<hbm>> -> memref<16x512xi32, #tpu.memory_space<hbm>>
    tpu.enqueue_dma source(%dma_start3A_6 : memref<16x512xi32, #tpu.memory_space<hbm>>) target(%arg7 : memref<16x512xi32, #tpu.memory_space<vmem>>) target_semaphore(%arg11 : memref<!tpu.dma_semaphore, #tpu.memory_space<semaphore_mem>>)
    %add3A_7 = arith.constant 16 : i32
    %add3A_8 = arith.addi %mul3A_2, %add3A_7 : i32
    %dma_start3A_9 = arith.constant 0 : i32
    %dma_start3A_10 = tpu.memref_slice %arg2[%add3A_8, %dma_start3A_9] : memref<4096x512xi32, #tpu.memory_space<hbm>> -> memref<16x512xi32, #tpu.memory_space<hbm>>
    %dma_start3A_11 = arith.constant 0 : i32
    %dma_start3A_12 = tpu.memref_slice %arg2[%add3A_8, %dma_start3A_11] : memref<4096x512xi32, #tpu.memory_space<hbm>> -> memref<16x512xi32, #tpu.memory_space<hbm>>
    tpu.enqueue_dma source(%dma_start3A_12 : memref<16x512xi32, #tpu.memory_space<hbm>>) target(%arg8 : memref<16x512xi32, #tpu.memory_space<vmem>>) target_semaphore(%arg12 : memref<!tpu.dma_semaphore, #tpu.memory_space<semaphore_mem>>)
    %dma_wait3A = arith.constant 0 : i32
    %dma_wait3A_13 = tpu.memref_slice %arg2[%mul3A_2, %dma_wait3A] : memref<4096x512xi32, #tpu.memory_space<hbm>> -> memref<16x512xi32, #tpu.memory_space<hbm>>
    %dma_wait3A_14 = arith.constant 0 : i32
    %dma_wait3A_15 = tpu.memref_slice %arg2[%mul3A_2, %dma_wait3A_14] : memref<4096x512xi32, #tpu.memory_space<hbm>> -> memref<16x512xi32, #tpu.memory_space<hbm>>
    tpu.wait_dma2 semaphore(%arg11 : memref<!tpu.dma_semaphore, #tpu.memory_space<semaphore_mem>>) src(%dma_wait3A_15 : memref<16x512xi32, #tpu.memory_space<hbm>>) dst(%arg7 : memref<16x512xi32, #tpu.memory_space<vmem>>)
    %get3A = arith.constant 0 : index
    %get3A_16 = tpu.vector_load %arg5[%get3A] {strides = array<i32>} : memref<128xi32, #tpu.memory_space<vmem>>, vector<16xi32>,
    %get3A_17 = vector.shape_cast %get3A_16 : vector<16xi32> to vector<16xi32>
    %get3A_18 = arith.constant 0 : index
    %get3A_19 = tpu.vector_load %arg6[%get3A_18] {strides = array<i32>} : memref<128xi32, #tpu.memory_space<vmem>>, vector<16xi32>,
    %get3A_20 = vector.shape_cast %get3A_19 : vector<16xi32> to vector<16xi32>
    %dma_start3A_21 = arith.constant 0 : i32
    %dma_start3A_22 = arith.constant 0 : i32
    %dma_start3A_23 = tpu.memref_slice %arg4[%dma_start3A_21, %dma_start3A_22] : memref<12288x512xi32, #tpu.memory_space<hbm>> -> memref<12288x512xi32, #tpu.memory_space<hbm>>
    tpu.enqueue_indirect_dma source(%arg7 : memref<16x512xi32, #tpu.memory_space<vmem>>) target(%dma_start3A_23 : memref<12288x512xi32, #tpu.memory_space<hbm>>) offsets(%get3A_17 : vector<16xi32>) semaphore(%arg15 : memref<!tpu.dma_semaphore, #tpu.memory_space<semaphore_mem>>)
    %dma_start3A_24 = arith.constant 0 : i32
    %dma_start3A_25 = arith.constant 0 : i32
    %dma_start3A_26 = tpu.memref_slice %arg4[%dma_start3A_24, %dma_start3A_25] : memref<12288x512xi32, #tpu.memory_space<hbm>> -> memref<12288x512xi32, #tpu.memory_space<hbm>>
    tpu.enqueue_indirect_dma source(%arg7 : memref<16x512xi32, #tpu.memory_space<vmem>>) target(%dma_start3A_26 : memref<12288x512xi32, #tpu.memory_space<hbm>>) offsets(%get3A_20 : vector<16xi32>) semaphore(%arg15 : memref<!tpu.dma_semaphore, #tpu.memory_space<semaphore_mem>>)
    %add3A_27 = arith.constant 32 : i32
    %add3A_28 = arith.addi %mul3A_2, %add3A_27 : i32
    %dma_start3A_29 = arith.constant 0 : i32
    %dma_start3A_30 = tpu.memref_slice %arg2[%add3A_28, %dma_start3A_29] : memref<4096x512xi32, #tpu.memory_space<hbm>> -> memref<16x512xi32, #tpu.memory_space<hbm>>
    %dma_start3A_31 = arith.constant 0 : i32
    %dma_start3A_32 = tpu.memref_slice %arg2[%add3A_28, %dma_start3A_31] : memref<4096x512xi32, #tpu.memory_space<hbm>> -> memref<16x512xi32, #tpu.memory_space<hbm>>
    tpu.enqueue_dma source(%dma_start3A_32 : memref<16x512xi32, #tpu.memory_space<hbm>>) target(%arg9 : memref<16x512xi32, #tpu.memory_space<vmem>>) target_semaphore(%arg13 : memref<!tpu.dma_semaphore, #tpu.memory_space<semaphore_mem>>)
    %dma_wait3A_33 = arith.constant 0 : i32
    %dma_wait3A_34 = tpu.memref_slice %arg2[%add3A_8, %dma_wait3A_33] : memref<4096x512xi32, #tpu.memory_space<hbm>> -> memref<16x512xi32, #tpu.memory_space<hbm>>
    %dma_wait3A_35 = arith.constant 0 : i32
    %dma_wait3A_36 = tpu.memref_slice %arg2[%add3A_8, %dma_wait3A_35] : memref<4096x512xi32, #tpu.memory_space<hbm>> -> memref<16x512xi32, #tpu.memory_space<hbm>>
    tpu.wait_dma2 semaphore(%arg12 : memref<!tpu.dma_semaphore, #tpu.memory_space<semaphore_mem>>) src(%dma_wait3A_36 : memref<16x512xi32, #tpu.memory_space<hbm>>) dst(%arg8 : memref<16x512xi32, #tpu.memory_space<vmem>>)
    %get3A_37 = arith.constant 16 : index
    %get3A_38 = tpu.vector_load %arg5[%get3A_37] {strides = array<i32>} : memref<128xi32, #tpu.memory_space<vmem>>, vector<16xi32>,
    %get3A_39 = vector.shape_cast %get3A_38 : vector<16xi32> to vector<16xi32>
    %get3A_40 = arith.constant 16 : index
    %get3A_41 = tpu.vector_load %arg6[%get3A_40] {strides = array<i32>} : memref<128xi32, #tpu.memory_space<vmem>>, vector<16xi32>,
    %get3A_42 = vector.shape_cast %get3A_41 : vector<16xi32> to vector<16xi32>
    %dma_start3A_43 = arith.constant 0 : i32
    %dma_start3A_44 = arith.constant 0 : i32
    %dma_start3A_45 = tpu.memref_slice %arg4[%dma_start3A_43, %dma_start3A_44] : memref<12288x512xi32, #tpu.memory_space<hbm>> -> memref<12288x512xi32, #tpu.memory_space<hbm>>
    tpu.enqueue_indirect_dma source(%arg8 : memref<16x512xi32, #tpu.memory_space<vmem>>) target(%dma_start3A_45 : memref<12288x512xi32, #tpu.memory_space<hbm>>) offsets(%get3A_39 : vector<16xi32>) semaphore(%arg16 : memref<!tpu.dma_semaphore, #tpu.memory_space<semaphore_mem>>)
    %dma_start3A_46 = arith.constant 0 : i32
    %dma_start3A_47 = arith.constant 0 : i32
    %dma_start3A_48 = tpu.memref_slice %arg4[%dma_start3A_46, %dma_start3A_47] : memref<12288x512xi32, #tpu.memory_space<hbm>> -> memref<12288x512xi32, #tpu.memory_space<hbm>>
    tpu.enqueue_indirect_dma source(%arg8 : memref<16x512xi32, #tpu.memory_space<vmem>>) target(%dma_start3A_48 : memref<12288x512xi32, #tpu.memory_space<hbm>>) offsets(%get3A_42 : vector<16xi32>) semaphore(%arg16 : memref<!tpu.dma_semaphore, #tpu.memory_space<semaphore_mem>>)
    %add3A_49 = arith.constant 48 : i32
    %add3A_50 = arith.addi %mul3A_2, %add3A_49 : i32
    %dma_start3A_51 = arith.constant 0 : i32
    %dma_start3A_52 = tpu.memref_slice %arg2[%add3A_50, %dma_start3A_51] : memref<4096x512xi32, #tpu.memory_space<hbm>> -> memref<16x512xi32, #tpu.memory_space<hbm>>
    %dma_start3A_53 = arith.constant 0 : i32
    %dma_start3A_54 = tpu.memref_slice %arg2[%add3A_50, %dma_start3A_53] : memref<4096x512xi32, #tpu.memory_space<hbm>> -> memref<16x512xi32, #tpu.memory_space<hbm>>
    tpu.enqueue_dma source(%dma_start3A_54 : memref<16x512xi32, #tpu.memory_space<hbm>>) target(%arg10 : memref<16x512xi32, #tpu.memory_space<vmem>>) target_semaphore(%arg14 : memref<!tpu.dma_semaphore, #tpu.memory_space<semaphore_mem>>)
    %dma_wait3A_55 = arith.constant 0 : i32
    %dma_wait3A_56 = tpu.memref_slice %arg2[%add3A_28, %dma_wait3A_55] : memref<4096x512xi32, #tpu.memory_space<hbm>> -> memref<16x512xi32, #tpu.memory_space<hbm>>
    %dma_wait3A_57 = arith.constant 0 : i32
    %dma_wait3A_58 = tpu.memref_slice %arg2[%add3A_28, %dma_wait3A_57] : memref<4096x512xi32, #tpu.memory_space<hbm>> -> memref<16x512xi32, #tpu.memory_space<hbm>>
    tpu.wait_dma2 semaphore(%arg13 : memref<!tpu.dma_semaphore, #tpu.memory_space<semaphore_mem>>) src(%dma_wait3A_58 : memref<16x512xi32, #tpu.memory_space<hbm>>) dst(%arg9 : memref<16x512xi32, #tpu.memory_space<vmem>>)
    %get3A_59 = arith.constant 32 : index
    %get3A_60 = tpu.vector_load %arg5[%get3A_59] {strides = array<i32>} : memref<128xi32, #tpu.memory_space<vmem>>, vector<16xi32>,
    %get3A_61 = vector.shape_cast %get3A_60 : vector<16xi32> to vector<16xi32>
    %get3A_62 = arith.constant 32 : index
    %get3A_63 = tpu.vector_load %arg6[%get3A_62] {strides = array<i32>} : memref<128xi32, #tpu.memory_space<vmem>>, vector<16xi32>,
    %get3A_64 = vector.shape_cast %get3A_63 : vector<16xi32> to vector<16xi32>
    %dma_start3A_65 = arith.constant 0 : i32
    %dma_start3A_66 = arith.constant 0 : i32
    %dma_start3A_67 = tpu.memref_slice %arg4[%dma_start3A_65, %dma_start3A_66] : memref<12288x512xi32, #tpu.memory_space<hbm>> -> memref<12288x512xi32, #tpu.memory_space<hbm>>
    tpu.enqueue_indirect_dma source(%arg9 : memref<16x512xi32, #tpu.memory_space<vmem>>) target(%dma_start3A_67 : memref<12288x512xi32, #tpu.memory_space<hbm>>) offsets(%get3A_61 : vector<16xi32>) semaphore(%arg17 : memref<!tpu.dma_semaphore, #tpu.memory_space<semaphore_mem>>)
    %dma_start3A_68 = arith.constant 0 : i32
    %dma_start3A_69 = arith.constant 0 : i32
    %dma_start3A_70 = tpu.memref_slice %arg4[%dma_start3A_68, %dma_start3A_69] : memref<12288x512xi32, #tpu.memory_space<hbm>> -> memref<12288x512xi32, #tpu.memory_space<hbm>>
    tpu.enqueue_indirect_dma source(%arg9 : memref<16x512xi32, #tpu.memory_space<vmem>>) target(%dma_start3A_70 : memref<12288x512xi32, #tpu.memory_space<hbm>>) offsets(%get3A_64 : vector<16xi32>) semaphore(%arg17 : memref<!tpu.dma_semaphore, #tpu.memory_space<semaphore_mem>>)
    %dma_wait3A_71 = arith.constant 0 : i32
    %dma_wait3A_72 = arith.constant 0 : i32
    %dma_wait3A_73 = tpu.memref_slice %arg4[%dma_wait3A_71, %dma_wait3A_72] : memref<12288x512xi32, #tpu.memory_space<hbm>> -> memref<12288x512xi32, #tpu.memory_space<hbm>>
    tpu.wait_indirect_dma semaphore(%arg15 : memref<!tpu.dma_semaphore, #tpu.memory_space<semaphore_mem>>) src(%arg7 : memref<16x512xi32, #tpu.memory_space<vmem>>) dst(%dma_wait3A_73 : memref<12288x512xi32, #tpu.memory_space<hbm>>)
    %dma_wait3A_74 = arith.constant 0 : i32
    %dma_wait3A_75 = arith.constant 0 : i32
    %dma_wait3A_76 = tpu.memref_slice %arg4[%dma_wait3A_74, %dma_wait3A_75] : memref<12288x512xi32, #tpu.memory_space<hbm>> -> memref<12288x512xi32, #tpu.memory_space<hbm>>
    tpu.wait_indirect_dma semaphore(%arg15 : memref<!tpu.dma_semaphore, #tpu.memory_space<semaphore_mem>>) src(%arg7 : memref<16x512xi32, #tpu.memory_space<vmem>>) dst(%dma_wait3A_76 : memref<12288x512xi32, #tpu.memory_space<hbm>>)
    %add3A_77 = arith.constant 64 : i32
    %add3A_78 = arith.addi %mul3A_2, %add3A_77 : i32
    %dma_start3A_79 = arith.constant 0 : i32
    %dma_start3A_80 = tpu.memref_slice %arg2[%add3A_78, %dma_start3A_79] : memref<4096x512xi32, #tpu.memory_space<hbm>> -> memref<16x512xi32, #tpu.memory_space<hbm>>
    %dma_start3A_81 = arith.constant 0 : i32
    %dma_start3A_82 = tpu.memref_slice %arg2[%add3A_78, %dma_start3A_81] : memref<4096x512xi32, #tpu.memory_space<hbm>> -> memref<16x512xi32, #tpu.memory_space<hbm>>
    tpu.enqueue_dma source(%dma_start3A_82 : memref<16x512xi32, #tpu.memory_space<hbm>>) target(%arg7 : memref<16x512xi32, #tpu.memory_space<vmem>>) target_semaphore(%arg11 : memref<!tpu.dma_semaphore, #tpu.memory_space<semaphore_mem>>)
    %dma_wait3A_83 = arith.constant 0 : i32
    %dma_wait3A_84 = tpu.memref_slice %arg2[%add3A_50, %dma_wait3A_83] : memref<4096x512xi32, #tpu.memory_space<hbm>> -> memref<16x512xi32, #tpu.memory_space<hbm>>
    %dma_wait3A_85 = arith.constant 0 : i32
    %dma_wait3A_86 = tpu.memref_slice %arg2[%add3A_50, %dma_wait3A_85] : memref<4096x512xi32, #tpu.memory_space<hbm>> -> memref<16x512xi32, #tpu.memory_space<hbm>>
    tpu.wait_dma2 semaphore(%arg14 : memref<!tpu.dma_semaphore, #tpu.memory_space<semaphore_mem>>) src(%dma_wait3A_86 : memref<16x512xi32, #tpu.memory_space<hbm>>) dst(%arg10 : memref<16x512xi32, #tpu.memory_space<vmem>>)
    %get3A_87 = arith.constant 48 : index
    %get3A_88 = tpu.vector_load %arg5[%get3A_87] {strides = array<i32>} : memref<128xi32, #tpu.memory_space<vmem>>, vector<16xi32>,
    %get3A_89 = vector.shape_cast %get3A_88 : vector<16xi32> to vector<16xi32>
    %get3A_90 = arith.constant 48 : index
    %get3A_91 = tpu.vector_load %arg6[%get3A_90] {strides = array<i32>} : memref<128xi32, #tpu.memory_space<vmem>>, vector<16xi32>,
    %get3A_92 = vector.shape_cast %get3A_91 : vector<16xi32> to vector<16xi32>
    %dma_start3A_93 = arith.constant 0 : i32
    %dma_start3A_94 = arith.constant 0 : i32
    %dma_start3A_95 = tpu.memref_slice %arg4[%dma_start3A_93, %dma_start3A_94] : memref<12288x512xi32, #tpu.memory_space<hbm>> -> memref<12288x512xi32, #tpu.memory_space<hbm>>
    tpu.enqueue_indirect_dma source(%arg10 : memref<16x512xi32, #tpu.memory_space<vmem>>) target(%dma_start3A_95 : memref<12288x512xi32, #tpu.memory_space<hbm>>) offsets(%get3A_89 : vector<16xi32>) semaphore(%arg18 : memref<!tpu.dma_semaphore, #tpu.memory_space<semaphore_mem>>)
    %dma_start3A_96 = arith.constant 0 : i32
    %dma_start3A_97 = arith.constant 0 : i32
    %dma_start3A_98 = tpu.memref_slice %arg4[%dma_start3A_96, %dma_start3A_97] : memref<12288x512xi32, #tpu.memory_space<hbm>> -> memref<12288x512xi32, #tpu.memory_space<hbm>>
    tpu.enqueue_indirect_dma source(%arg10 : memref<16x512xi32, #tpu.memory_space<vmem>>) target(%dma_start3A_98 : memref<12288x512xi32, #tpu.memory_space<hbm>>) offsets(%get3A_92 : vector<16xi32>) semaphore(%arg18 : memref<!tpu.dma_semaphore, #tpu.memory_space<semaphore_mem>>)
    %dma_wait3A_99 = arith.constant 0 : i32
    %dma_wait3A_100 = arith.constant 0 : i32
    %dma_wait3A_101 = tpu.memref_slice %arg4[%dma_wait3A_99, %dma_wait3A_100] : memref<12288x512xi32, #tpu.memory_space<hbm>> -> memref<12288x512xi32, #tpu.memory_space<hbm>>
    tpu.wait_indirect_dma semaphore(%arg16 : memref<!tpu.dma_semaphore, #tpu.memory_space<semaphore_mem>>) src(%arg8 : memref<16x512xi32, #tpu.memory_space<vmem>>) dst(%dma_wait3A_101 : memref<12288x512xi32, #tpu.memory_space<hbm>>)
    %dma_wait3A_102 = arith.constant 0 : i32
    %dma_wait3A_103 = arith.constant 0 : i32
    %dma_wait3A_104 = tpu.memref_slice %arg4[%dma_wait3A_102, %dma_wait3A_103] : memref<12288x512xi32, #tpu.memory_space<hbm>> -> memref<12288x512xi32, #tpu.memory_space<hbm>>
    tpu.wait_indirect_dma semaphore(%arg16 : memref<!tpu.dma_semaphore, #tpu.memory_space<semaphore_mem>>) src(%arg8 : memref<16x512xi32, #tpu.memory_space<vmem>>) dst(%dma_wait3A_104 : memref<12288x512xi32, #tpu.memory_space<hbm>>)
    %add3A_105 = arith.constant 80 : i32
    %add3A_106 = arith.addi %mul3A_2, %add3A_105 : i32
    %dma_start3A_107 = arith.constant 0 : i32
    %dma_start3A_108 = tpu.memref_slice %arg2[%add3A_106, %dma_start3A_107] : memref<4096x512xi32, #tpu.memory_space<hbm>> -> memref<16x512xi32, #tpu.memory_space<hbm>>
    %dma_start3A_109 = arith.constant 0 : i32
    %dma_start3A_110 = tpu.memref_slice %arg2[%add3A_106, %dma_start3A_109] : memref<4096x512xi32, #tpu.memory_space<hbm>> -> memref<16x512xi32, #tpu.memory_space<hbm>>
    tpu.enqueue_dma source(%dma_start3A_110 : memref<16x512xi32, #tpu.memory_space<hbm>>) target(%arg8 : memref<16x512xi32, #tpu.memory_space<vmem>>) target_semaphore(%arg12 : memref<!tpu.dma_semaphore, #tpu.memory_space<semaphore_mem>>)
    %dma_wait3A_111 = arith.constant 0 : i32
    %dma_wait3A_112 = tpu.memref_slice %arg2[%add3A_78, %dma_wait3A_111] : memref<4096x512xi32, #tpu.memory_space<hbm>> -> memref<16x512xi32, #tpu.memory_space<hbm>>
    %dma_wait3A_113 = arith.constant 0 : i32
    %dma_wait3A_114 = tpu.memref_slice %arg2[%add3A_78, %dma_wait3A_113] : memref<4096x512xi32, #tpu.memory_space<hbm>> -> memref<16x512xi32, #tpu.memory_space<hbm>>
    tpu.wait_dma2 semaphore(%arg11 : memref<!tpu.dma_semaphore, #tpu.memory_space<semaphore_mem>>) src(%dma_wait3A_114 : memref<16x512xi32, #tpu.memory_space<hbm>>) dst(%arg7 : memref<16x512xi32, #tpu.memory_space<vmem>>)
    %get3A_115 = arith.constant 64 : index
    %get3A_116 = tpu.vector_load %arg5[%get3A_115] {strides = array<i32>} : memref<128xi32, #tpu.memory_space<vmem>>, vector<16xi32>,
    %get3A_117 = vector.shape_cast %get3A_116 : vector<16xi32> to vector<16xi32>
    %get3A_118 = arith.constant 64 : index
    %get3A_119 = tpu.vector_load %arg6[%get3A_118] {strides = array<i32>} : memref<128xi32, #tpu.memory_space<vmem>>, vector<16xi32>,
    %get3A_120 = vector.shape_cast %get3A_119 : vector<16xi32> to vector<16xi32>
    %dma_start3A_121 = arith.constant 0 : i32
    %dma_start3A_122 = arith.constant 0 : i32
    %dma_start3A_123 = tpu.memref_slice %arg4[%dma_start3A_121, %dma_start3A_122] : memref<12288x512xi32, #tpu.memory_space<hbm>> -> memref<12288x512xi32, #tpu.memory_space<hbm>>
    tpu.enqueue_indirect_dma source(%arg7 : memref<16x512xi32, #tpu.memory_space<vmem>>) target(%dma_start3A_123 : memref<12288x512xi32, #tpu.memory_space<hbm>>) offsets(%get3A_117 : vector<16xi32>) semaphore(%arg15 : memref<!tpu.dma_semaphore, #tpu.memory_space<semaphore_mem>>)
    %dma_start3A_124 = arith.constant 0 : i32
    %dma_start3A_125 = arith.constant 0 : i32
    %dma_start3A_126 = tpu.memref_slice %arg4[%dma_start3A_124, %dma_start3A_125] : memref<12288x512xi32, #tpu.memory_space<hbm>> -> memref<12288x512xi32, #tpu.memory_space<hbm>>
    tpu.enqueue_indirect_dma source(%arg7 : memref<16x512xi32, #tpu.memory_space<vmem>>) target(%dma_start3A_126 : memref<12288x512xi32, #tpu.memory_space<hbm>>) offsets(%get3A_120 : vector<16xi32>) semaphore(%arg15 : memref<!tpu.dma_semaphore, #tpu.memory_space<semaphore_mem>>)
    %dma_wait3A_127 = arith.constant 0 : i32
    %dma_wait3A_128 = arith.constant 0 : i32
    %dma_wait3A_129 = tpu.memref_slice %arg4[%dma_wait3A_127, %dma_wait3A_128] : memref<12288x512xi32, #tpu.memory_space<hbm>> -> memref<12288x512xi32, #tpu.memory_space<hbm>>
    tpu.wait_indirect_dma semaphore(%arg17 : memref<!tpu.dma_semaphore, #tpu.memory_space<semaphore_mem>>) src(%arg9 : memref<16x512xi32, #tpu.memory_space<vmem>>) dst(%dma_wait3A_129 : memref<12288x512xi32, #tpu.memory_space<hbm>>)
    %dma_wait3A_130 = arith.constant 0 : i32
    %dma_wait3A_131 = arith.constant 0 : i32
    %dma_wait3A_132 = tpu.memref_slice %arg4[%dma_wait3A_130, %dma_wait3A_131] : memref<12288x512xi32, #tpu.memory_space<hbm>> -> memref<12288x512xi32, #tpu.memory_space<hbm>>
    tpu.wait_indirect_dma semaphore(%arg17 : memref<!tpu.dma_semaphore, #tpu.memory_space<semaphore_mem>>) src(%arg9 : memref<16x512xi32, #tpu.memory_space<vmem>>) dst(%dma_wait3A_132 : memref<12288x512xi32, #tpu.memory_space<hbm>>)
    %add3A_133 = arith.constant 96 : i32
    %add3A_134 = arith.addi %mul3A_2, %add3A_133 : i32
    %dma_start3A_135 = arith.constant 0 : i32
    %dma_start3A_136 = tpu.memref_slice %arg2[%add3A_134, %dma_start3A_135] : memref<4096x512xi32, #tpu.memory_space<hbm>> -> memref<16x512xi32, #tpu.memory_space<hbm>>
    %dma_start3A_137 = arith.constant 0 : i32
    %dma_start3A_138 = tpu.memref_slice %arg2[%add3A_134, %dma_start3A_137] : memref<4096x512xi32, #tpu.memory_space<hbm>> -> memref<16x512xi32, #tpu.memory_space<hbm>>
    tpu.enqueue_dma source(%dma_start3A_138 : memref<16x512xi32, #tpu.memory_space<hbm>>) target(%arg9 : memref<16x512xi32, #tpu.memory_space<vmem>>) target_semaphore(%arg13 : memref<!tpu.dma_semaphore, #tpu.memory_space<semaphore_mem>>)
    %dma_wait3A_139 = arith.constant 0 : i32
    %dma_wait3A_140 = tpu.memref_slice %arg2[%add3A_106, %dma_wait3A_139] : memref<4096x512xi32, #tpu.memory_space<hbm>> -> memref<16x512xi32, #tpu.memory_space<hbm>>
    %dma_wait3A_141 = arith.constant 0 : i32
    %dma_wait3A_142 = tpu.memref_slice %arg2[%add3A_106, %dma_wait3A_141] : memref<4096x512xi32, #tpu.memory_space<hbm>> -> memref<16x512xi32, #tpu.memory_space<hbm>>
    tpu.wait_dma2 semaphore(%arg12 : memref<!tpu.dma_semaphore, #tpu.memory_space<semaphore_mem>>) src(%dma_wait3A_142 : memref<16x512xi32, #tpu.memory_space<hbm>>) dst(%arg8 : memref<16x512xi32, #tpu.memory_space<vmem>>)
    %get3A_143 = arith.constant 80 : index
    %get3A_144 = tpu.vector_load %arg5[%get3A_143] {strides = array<i32>} : memref<128xi32, #tpu.memory_space<vmem>>, vector<16xi32>,
    %get3A_145 = vector.shape_cast %get3A_144 : vector<16xi32> to vector<16xi32>
    %get3A_146 = arith.constant 80 : index
    %get3A_147 = tpu.vector_load %arg6[%get3A_146] {strides = array<i32>} : memref<128xi32, #tpu.memory_space<vmem>>, vector<16xi32>,
    %get3A_148 = vector.shape_cast %get3A_147 : vector<16xi32> to vector<16xi32>
    %dma_start3A_149 = arith.constant 0 : i32
    %dma_start3A_150 = arith.constant 0 : i32
    %dma_start3A_151 = tpu.memref_slice %arg4[%dma_start3A_149, %dma_start3A_150] : memref<12288x512xi32, #tpu.memory_space<hbm>> -> memref<12288x512xi32, #tpu.memory_space<hbm>>
    tpu.enqueue_indirect_dma source(%arg8 : memref<16x512xi32, #tpu.memory_space<vmem>>) target(%dma_start3A_151 : memref<12288x512xi32, #tpu.memory_space<hbm>>) offsets(%get3A_145 : vector<16xi32>) semaphore(%arg16 : memref<!tpu.dma_semaphore, #tpu.memory_space<semaphore_mem>>)
    %dma_start3A_152 = arith.constant 0 : i32
    %dma_start3A_153 = arith.constant 0 : i32
    %dma_start3A_154 = tpu.memref_slice %arg4[%dma_start3A_152, %dma_start3A_153] : memref<12288x512xi32, #tpu.memory_space<hbm>> -> memref<12288x512xi32, #tpu.memory_space<hbm>>
    tpu.enqueue_indirect_dma source(%arg8 : memref<16x512xi32, #tpu.memory_space<vmem>>) target(%dma_start3A_154 : memref<12288x512xi32, #tpu.memory_space<hbm>>) offsets(%get3A_148 : vector<16xi32>) semaphore(%arg16 : memref<!tpu.dma_semaphore, #tpu.memory_space<semaphore_mem>>)
    %dma_wait3A_155 = arith.constant 0 : i32
    %dma_wait3A_156 = arith.constant 0 : i32
    %dma_wait3A_157 = tpu.memref_slice %arg4[%dma_wait3A_155, %dma_wait3A_156] : memref<12288x512xi32, #tpu.memory_space<hbm>> -> memref<12288x512xi32, #tpu.memory_space<hbm>>
    tpu.wait_indirect_dma semaphore(%arg18 : memref<!tpu.dma_semaphore, #tpu.memory_space<semaphore_mem>>) src(%arg10 : memref<16x512xi32, #tpu.memory_space<vmem>>) dst(%dma_wait3A_157 : memref<12288x512xi32, #tpu.memory_space<hbm>>)
    %dma_wait3A_158 = arith.constant 0 : i32
    %dma_wait3A_159 = arith.constant 0 : i32
    %dma_wait3A_160 = tpu.memref_slice %arg4[%dma_wait3A_158, %dma_wait3A_159] : memref<12288x512xi32, #tpu.memory_space<hbm>> -> memref<12288x512xi32, #tpu.memory_space<hbm>>
    tpu.wait_indirect_dma semaphore(%arg18 : memref<!tpu.dma_semaphore, #tpu.memory_space<semaphore_mem>>) src(%arg10 : memref<16x512xi32, #tpu.memory_space<vmem>>) dst(%dma_wait3A_160 : memref<12288x512xi32, #tpu.memory_space<hbm>>)
    %add3A_161 = arith.constant 112 : i32
    %add3A_162 = arith.addi %mul3A_2, %add3A_161 : i32
    %dma_start3A_163 = arith.constant 0 : i32
    %dma_start3A_164 = tpu.memref_slice %arg2[%add3A_162, %dma_start3A_163] : memref<4096x512xi32, #tpu.memory_space<hbm>> -> memref<16x512xi32, #tpu.memory_space<hbm>>
    %dma_start3A_165 = arith.constant 0 : i32
    %dma_start3A_166 = tpu.memref_slice %arg2[%add3A_162, %dma_start3A_165] : memref<4096x512xi32, #tpu.memory_space<hbm>> -> memref<16x512xi32, #tpu.memory_space<hbm>>
    tpu.enqueue_dma source(%dma_start3A_166 : memref<16x512xi32, #tpu.memory_space<hbm>>) target(%arg10 : memref<16x512xi32, #tpu.memory_space<vmem>>) target_semaphore(%arg14 : memref<!tpu.dma_semaphore, #tpu.memory_space<semaphore_mem>>)
    %dma_wait3A_167 = arith.constant 0 : i32
    %dma_wait3A_168 = tpu.memref_slice %arg2[%add3A_134, %dma_wait3A_167] : memref<4096x512xi32, #tpu.memory_space<hbm>> -> memref<16x512xi32, #tpu.memory_space<hbm>>
    %dma_wait3A_169 = arith.constant 0 : i32
    %dma_wait3A_170 = tpu.memref_slice %arg2[%add3A_134, %dma_wait3A_169] : memref<4096x512xi32, #tpu.memory_space<hbm>> -> memref<16x512xi32, #tpu.memory_space<hbm>>
    tpu.wait_dma2 semaphore(%arg13 : memref<!tpu.dma_semaphore, #tpu.memory_space<semaphore_mem>>) src(%dma_wait3A_170 : memref<16x512xi32, #tpu.memory_space<hbm>>) dst(%arg9 : memref<16x512xi32, #tpu.memory_space<vmem>>)
    %get3A_171 = arith.constant 96 : index
    %get3A_172 = tpu.vector_load %arg5[%get3A_171] {strides = array<i32>} : memref<128xi32, #tpu.memory_space<vmem>>, vector<16xi32>,
    %get3A_173 = vector.shape_cast %get3A_172 : vector<16xi32> to vector<16xi32>
    %get3A_174 = arith.constant 96 : index
    %get3A_175 = tpu.vector_load %arg6[%get3A_174] {strides = array<i32>} : memref<128xi32, #tpu.memory_space<vmem>>, vector<16xi32>,
    %get3A_176 = vector.shape_cast %get3A_175 : vector<16xi32> to vector<16xi32>
    %dma_start3A_177 = arith.constant 0 : i32
    %dma_start3A_178 = arith.constant 0 : i32
    %dma_start3A_179 = tpu.memref_slice %arg4[%dma_start3A_177, %dma_start3A_178] : memref<12288x512xi32, #tpu.memory_space<hbm>> -> memref<12288x512xi32, #tpu.memory_space<hbm>>
    tpu.enqueue_indirect_dma source(%arg9 : memref<16x512xi32, #tpu.memory_space<vmem>>) target(%dma_start3A_179 : memref<12288x512xi32, #tpu.memory_space<hbm>>) offsets(%get3A_173 : vector<16xi32>) semaphore(%arg17 : memref<!tpu.dma_semaphore, #tpu.memory_space<semaphore_mem>>)
    %dma_start3A_180 = arith.constant 0 : i32
    %dma_start3A_181 = arith.constant 0 : i32
    %dma_start3A_182 = tpu.memref_slice %arg4[%dma_start3A_180, %dma_start3A_181] : memref<12288x512xi32, #tpu.memory_space<hbm>> -> memref<12288x512xi32, #tpu.memory_space<hbm>>
    tpu.enqueue_indirect_dma source(%arg9 : memref<16x512xi32, #tpu.memory_space<vmem>>) target(%dma_start3A_182 : memref<12288x512xi32, #tpu.memory_space<hbm>>) offsets(%get3A_176 : vector<16xi32>) semaphore(%arg17 : memref<!tpu.dma_semaphore, #tpu.memory_space<semaphore_mem>>)
    %dma_wait3A_183 = arith.constant 0 : i32
    %dma_wait3A_184 = tpu.memref_slice %arg2[%add3A_162, %dma_wait3A_183] : memref<4096x512xi32, #tpu.memory_space<hbm>> -> memref<16x512xi32, #tpu.memory_space<hbm>>
    %dma_wait3A_185 = arith.constant 0 : i32
    %dma_wait3A_186 = tpu.memref_slice %arg2[%add3A_162, %dma_wait3A_185] : memref<4096x512xi32, #tpu.memory_space<hbm>> -> memref<16x512xi32, #tpu.memory_space<hbm>>
    tpu.wait_dma2 semaphore(%arg14 : memref<!tpu.dma_semaphore, #tpu.memory_space<semaphore_mem>>) src(%dma_wait3A_186 : memref<16x512xi32, #tpu.memory_space<hbm>>) dst(%arg10 : memref<16x512xi32, #tpu.memory_space<vmem>>)
    %get3A_187 = arith.constant 112 : index
    %get3A_188 = tpu.vector_load %arg5[%get3A_187] {strides = array<i32>} : memref<128xi32, #tpu.memory_space<vmem>>, vector<16xi32>,
    %get3A_189 = vector.shape_cast %get3A_188 : vector<16xi32> to vector<16xi32>
    %get3A_190 = arith.constant 112 : index
    %get3A_191 = tpu.vector_load %arg6[%get3A_190] {strides = array<i32>} : memref<128xi32, #tpu.memory_space<vmem>>, vector<16xi32>,
    %get3A_192 = vector.shape_cast %get3A_191 : vector<16xi32> to vector<16xi32>
    %dma_start3A_193 = arith.constant 0 : i32
    %dma_start3A_194 = arith.constant 0 : i32
    %dma_start3A_195 = tpu.memref_slice %arg4[%dma_start3A_193, %dma_start3A_194] : memref<12288x512xi32, #tpu.memory_space<hbm>> -> memref<12288x512xi32, #tpu.memory_space<hbm>>
    tpu.enqueue_indirect_dma source(%arg10 : memref<16x512xi32, #tpu.memory_space<vmem>>) target(%dma_start3A_195 : memref<12288x512xi32, #tpu.memory_space<hbm>>) offsets(%get3A_189 : vector<16xi32>) semaphore(%arg18 : memref<!tpu.dma_semaphore, #tpu.memory_space<semaphore_mem>>)
    %dma_start3A_196 = arith.constant 0 : i32
    %dma_start3A_197 = arith.constant 0 : i32
    %dma_start3A_198 = tpu.memref_slice %arg4[%dma_start3A_196, %dma_start3A_197] : memref<12288x512xi32, #tpu.memory_space<hbm>> -> memref<12288x512xi32, #tpu.memory_space<hbm>>
    tpu.enqueue_indirect_dma source(%arg10 : memref<16x512xi32, #tpu.memory_space<vmem>>) target(%dma_start3A_198 : memref<12288x512xi32, #tpu.memory_space<hbm>>) offsets(%get3A_192 : vector<16xi32>) semaphore(%arg18 : memref<!tpu.dma_semaphore, #tpu.memory_space<semaphore_mem>>)
    %dma_wait3A_199 = arith.constant 0 : i32
    %dma_wait3A_200 = arith.constant 0 : i32
    %dma_wait3A_201 = tpu.memref_slice %arg4[%dma_wait3A_199, %dma_wait3A_200] : memref<12288x512xi32, #tpu.memory_space<hbm>> -> memref<12288x512xi32, #tpu.memory_space<hbm>>
    tpu.wait_indirect_dma semaphore(%arg15 : memref<!tpu.dma_semaphore, #tpu.memory_space<semaphore_mem>>) src(%arg7 : memref<16x512xi32, #tpu.memory_space<vmem>>) dst(%dma_wait3A_201 : memref<12288x512xi32, #tpu.memory_space<hbm>>)
    %dma_wait3A_202 = arith.constant 0 : i32
    %dma_wait3A_203 = arith.constant 0 : i32
    %dma_wait3A_204 = tpu.memref_slice %arg4[%dma_wait3A_202, %dma_wait3A_203] : memref<12288x512xi32, #tpu.memory_space<hbm>> -> memref<12288x512xi32, #tpu.memory_space<hbm>>
    tpu.wait_indirect_dma semaphore(%arg15 : memref<!tpu.dma_semaphore, #tpu.memory_space<semaphore_mem>>) src(%arg7 : memref<16x512xi32, #tpu.memory_space<vmem>>) dst(%dma_wait3A_204 : memref<12288x512xi32, #tpu.memory_space<hbm>>)
    %dma_wait3A_205 = arith.constant 0 : i32
    %dma_wait3A_206 = arith.constant 0 : i32
    %dma_wait3A_207 = tpu.memref_slice %arg4[%dma_wait3A_205, %dma_wait3A_206] : memref<12288x512xi32, #tpu.memory_space<hbm>> -> memref<12288x512xi32, #tpu.memory_space<hbm>>
    tpu.wait_indirect_dma semaphore(%arg16 : memref<!tpu.dma_semaphore, #tpu.memory_space<semaphore_mem>>) src(%arg8 : memref<16x512xi32, #tpu.memory_space<vmem>>) dst(%dma_wait3A_207 : memref<12288x512xi32, #tpu.memory_space<hbm>>)
    %dma_wait3A_208 = arith.constant 0 : i32
    %dma_wait3A_209 = arith.constant 0 : i32
    %dma_wait3A_210 = tpu.memref_slice %arg4[%dma_wait3A_208, %dma_wait3A_209] : memref<12288x512xi32, #tpu.memory_space<hbm>> -> memref<12288x512xi32, #tpu.memory_space<hbm>>
    tpu.wait_indirect_dma semaphore(%arg16 : memref<!tpu.dma_semaphore, #tpu.memory_space<semaphore_mem>>) src(%arg8 : memref<16x512xi32, #tpu.memory_space<vmem>>) dst(%dma_wait3A_210 : memref<12288x512xi32, #tpu.memory_space<hbm>>)
    %dma_wait3A_211 = arith.constant 0 : i32
    %dma_wait3A_212 = arith.constant 0 : i32
    %dma_wait3A_213 = tpu.memref_slice %arg4[%dma_wait3A_211, %dma_wait3A_212] : memref<12288x512xi32, #tpu.memory_space<hbm>> -> memref<12288x512xi32, #tpu.memory_space<hbm>>
    tpu.wait_indirect_dma semaphore(%arg17 : memref<!tpu.dma_semaphore, #tpu.memory_space<semaphore_mem>>) src(%arg9 : memref<16x512xi32, #tpu.memory_space<vmem>>) dst(%dma_wait3A_213 : memref<12288x512xi32, #tpu.memory_space<hbm>>)
    %dma_wait3A_214 = arith.constant 0 : i32
    %dma_wait3A_215 = arith.constant 0 : i32
    %dma_wait3A_216 = tpu.memref_slice %arg4[%dma_wait3A_214, %dma_wait3A_215] : memref<12288x512xi32, #tpu.memory_space<hbm>> -> memref<12288x512xi32, #tpu.memory_space<hbm>>
    tpu.wait_indirect_dma semaphore(%arg17 : memref<!tpu.dma_semaphore, #tpu.memory_space<semaphore_mem>>) src(%arg9 : memref<16x512xi32, #tpu.memory_space<vmem>>) dst(%dma_wait3A_216 : memref<12288x512xi32, #tpu.memory_space<hbm>>)
    %dma_wait3A_217 = arith.constant 0 : i32
    %dma_wait3A_218 = arith.constant 0 : i32
    %dma_wait3A_219 = tpu.memref_slice %arg4[%dma_wait3A_217, %dma_wait3A_218] : memref<12288x512xi32, #tpu.memory_space<hbm>> -> memref<12288x512xi32, #tpu.memory_space<hbm>>
    tpu.wait_indirect_dma semaphore(%arg18 : memref<!tpu.dma_semaphore, #tpu.memory_space<semaphore_mem>>) src(%arg10 : memref<16x512xi32, #tpu.memory_space<vmem>>) dst(%dma_wait3A_219 : memref<12288x512xi32, #tpu.memory_space<hbm>>)
    %dma_wait3A_220 = arith.constant 0 : i32
    %dma_wait3A_221 = arith.constant 0 : i32
    %dma_wait3A_222 = tpu.memref_slice %arg4[%dma_wait3A_220, %dma_wait3A_221] : memref<12288x512xi32, #tpu.memory_space<hbm>> -> memref<12288x512xi32, #tpu.memory_space<hbm>>
    tpu.wait_indirect_dma semaphore(%arg18 : memref<!tpu.dma_semaphore, #tpu.memory_space<semaphore_mem>>) src(%arg10 : memref<16x512xi32, #tpu.memory_space<vmem>>) dst(%dma_wait3A_222 : memref<12288x512xi32, #tpu.memory_space<hbm>>)
    return
  }
}

module attributes {stable_mosaic.version = 14 : i64} {
  func.func @_gmm_body(%arg0: i32, %arg1: memref<25xi32, #tpu.memory_space<smem>>, %arg2: memref<512x512xi32, #tpu.memory_space<vmem>>, %arg3: memref<1x1024x1024xbf16, #tpu.memory_space<vmem>>, %arg4: memref<1x1x1024xf32, #tpu.memory_space<vmem>>, %arg5: memref<512x1024xf32, #tpu.memory_space<vmem>>) attributes {dimension_semantics = [#tpu.dimension_semantics<arbitrary>], iteration_bounds = array<i64: 24>, scalar_prefetch = 1 : i64, scratch_operands = 0 : i64, tpu.core_type = #tpu.core_type<tc>, window_params = [{transform_indices = @transform_0, window_bounds = array<i64: 512, 512>}, {transform_indices = @transform_1, window_bounds = array<i64: 1, 1024, 1024>}, {transform_indices = @transform_2, window_bounds = array<i64: 1, 1, 1024>}, {transform_indices = @transform_3, window_bounds = array<i64: 512, 1024>}]} {
    %get3A = arith.constant 24 : index
    %get3A_0 = memref.load %arg1[%get3A] : memref<25xi32, #tpu.memory_space<smem>>
    %lt3A = arith.cmpi slt, %arg0, %get3A_0 : i32
    %convert_element_type3A = arith.extui %lt3A : i1 to i32
    %cond3A = arith.constant 0 : i32
    %cond3A_1 = arith.cmpi ne, %convert_element_type3A, %cond3A : i32
    scf.if %cond3A_1 {
      %get3A_2 = arith.constant 0 : index
      %get3A_3 = arith.constant 0 : index
      %get3A_4 = vector.load %arg2[%get3A_2, %get3A_3] : memref<512x512xi32, #tpu.memory_space<vmem>>, vector<512x512xi32>
      %shift_left3A = arith.constant 16 : i32
      %shift_left3A_5 = vector.broadcast %shift_left3A : i32 to vector<512x512xi32>
      %shift_left3A_6 = arith.shli %get3A_4, %shift_left3A_5 : vector<512x512xi32>
      %bitcast_convert_type3A = tpu.bitcast %shift_left3A_6 : vector<512x512xi32> -> vector<512x512xf32>
      %convert_element_type3A_7 = arith.truncf %bitcast_convert_type3A : vector<512x512xf32> to vector<512x512xbf16>
      %and3A = arith.constant -65536 : i32
      %and3A_8 = vector.broadcast %and3A : i32 to vector<512x512xi32>
      %and3A_9 = arith.andi %get3A_4, %and3A_8 : vector<512x512xi32>
      %bitcast_convert_type3A_10 = tpu.bitcast %and3A_9 : vector<512x512xi32> -> vector<512x512xf32>
      %convert_element_type3A_11 = arith.truncf %bitcast_convert_type3A_10 : vector<512x512xf32> to vector<512x512xbf16>
      %get3A_12 = arith.constant 0 : index
      %get3A_13 = arith.constant 0 : index
      %get3A_14 = arith.constant 0 : index
      %get3A_15 = vector.load %arg3[%get3A_12, %get3A_13, %get3A_14] : memref<1x1024x1024xbf16, #tpu.memory_space<vmem>>, vector<1x1024x1024xbf16>
      %get3A_16 = vector.shape_cast %get3A_15 : vector<1x1024x1024xbf16> to vector<1024x1024xbf16>
      %slice3A = vector.extract_strided_slice %get3A_16 {offsets = [0, 0], sizes = [512, 1024], strides = [1, 1]} : vector<1024x1024xbf16> to vector<512x1024xbf16>
      %dot_general3A = arith.constant dense<0.000000e+00> : vector<512x1024xf32>
      %dot_general3A_17 = tpu.matmul %convert_element_type3A_7, %slice3A, %dot_general3A {dimension_numbers = #tpu.dot_dimension_numbers<[1], [0], [0], [1], [0, 0, 1, 1], [], []>, transpose_lhs_hint = false} : vector<512x512xbf16>, vector<512x1024xbf16>, vector<512x1024xf32> -> vector<512x1024xf32>
      %slice3A_18 = vector.extract_strided_slice %get3A_16 {offsets = [512, 0], sizes = [512, 1024], strides = [1, 1]} : vector<1024x1024xbf16> to vector<512x1024xbf16>
      %dot_general3A_19 = arith.constant dense<0.000000e+00> : vector<512x1024xf32>
      %dot_general3A_20 = tpu.matmul %convert_element_type3A_11, %slice3A_18, %dot_general3A_19 {dimension_numbers = #tpu.dot_dimension_numbers<[1], [0], [0], [1], [0, 0, 1, 1], [], []>, transpose_lhs_hint = false} : vector<512x512xbf16>, vector<512x1024xbf16>, vector<512x1024xf32> -> vector<512x1024xf32>
      %add3A = arith.addf %dot_general3A_17, %dot_general3A_20 : vector<512x1024xf32>
      %get3A_21 = arith.constant 0 : index
      %get3A_22 = arith.constant 0 : index
      %get3A_23 = arith.constant 0 : index
      %get3A_24 = vector.load %arg4[%get3A_21, %get3A_22, %get3A_23] : memref<1x1x1024xf32, #tpu.memory_space<vmem>>, vector<1x1x1024xf32>
      %get3A_25 = vector.shape_cast %get3A_24 : vector<1x1x1024xf32> to vector<1x1024xf32>
      %add3A_26 = vector.broadcast %get3A_25 : vector<1x1024xf32> to vector<512x1024xf32>
      %add3A_27 = arith.addf %add3A, %add3A_26 : vector<512x1024xf32>
      %swap3A = arith.constant 0 : index
      %swap3A_28 = arith.constant 0 : index
      %swap3A_29 = vector.load %arg5[%swap3A, %swap3A_28] : memref<512x1024xf32, #tpu.memory_space<vmem>>, vector<512x1024xf32>
      tpu.vector_store %arg5[%swap3A, %swap3A_28], %add3A_27 {strides = array<i32>} : memref<512x1024xf32, #tpu.memory_space<vmem>>, vector<512x1024xf32>,
    } else {
    }
    return
  }
  func.func @transform_0(%arg0: i32, %arg1: memref<25xi32, #tpu.memory_space<smem>>) -> (i32, i32) {
    %c0_i32 = arith.constant 0 : i32
    %c0_i32_0 = arith.constant 0 : i32
    return %arg0, %c0_i32 : i32, i32
  }
  func.func @transform_1(%arg0: i32, %arg1: memref<25xi32, #tpu.memory_space<smem>>) -> (i32, i32, i32) {
    %get3A = arith.index_cast %arg0 : i32 to index
    %get3A_0 = memref.load %arg1[%get3A] : memref<25xi32, #tpu.memory_space<smem>>
    %c0_i32 = arith.constant 0 : i32
    %c0_i32_1 = arith.constant 0 : i32
    %c0_i32_2 = arith.constant 0 : i32
    return %get3A_0, %c0_i32, %c0_i32_1 : i32, i32, i32
  }
  func.func @transform_2(%arg0: i32, %arg1: memref<25xi32, #tpu.memory_space<smem>>) -> (i32, i32, i32) {
    %get3A = arith.index_cast %arg0 : i32 to index
    %get3A_0 = memref.load %arg1[%get3A] : memref<25xi32, #tpu.memory_space<smem>>
    %c0_i32 = arith.constant 0 : i32
    %c0_i32_1 = arith.constant 0 : i32
    %c0_i32_2 = arith.constant 0 : i32
    return %get3A_0, %c0_i32, %c0_i32_1 : i32, i32, i32
  }
  func.func @transform_3(%arg0: i32, %arg1: memref<25xi32, #tpu.memory_space<smem>>) -> (i32, i32) {
    %c0_i32 = arith.constant 0 : i32
    %c0_i32_0 = arith.constant 0 : i32
    return %arg0, %c0_i32 : i32, i32
  }
}

module attributes {stable_mosaic.version = 14 : i64} {
  func.func @_route_body(%arg0: memref<4096x1024xf32, #tpu.memory_space<vmem>>, %arg1: memref<1024x8xf32, #tpu.memory_space<vmem>>, %arg2: memref<8x1xf32, #tpu.memory_space<vmem>>, %arg3: memref<2x4096xf32, #tpu.memory_space<vmem>>, %arg4: memref<2x4096xi32, #tpu.memory_space<vmem>>, %arg5: memref<1x25xi32, #tpu.memory_space<vmem>>, %arg6: memref<4096x512xi32, #tpu.memory_space<vmem>>) attributes {dimension_semantics = [], scalar_prefetch = 0 : i64, scratch_operands = 0 : i64, tpu.core_type = #tpu.core_type<tc>} {
    %get3A = arith.constant 0 : index
    %get3A_0 = arith.constant 0 : index
    %get3A_1 = vector.load %arg0[%get3A, %get3A_0] : memref<4096x1024xf32, #tpu.memory_space<vmem>>, vector<4096x1024xf32>
    %get3A_2 = arith.constant 0 : index
    %get3A_3 = arith.constant 0 : index
    %get3A_4 = vector.load %arg1[%get3A_2, %get3A_3] : memref<1024x8xf32, #tpu.memory_space<vmem>>, vector<1024x8xf32>
    %dot_general3A = arith.constant dense<0.000000e+00> : vector<4096x8xf32>
    %dot_general3A_5 = tpu.matmul %get3A_1, %get3A_4, %dot_general3A {dimension_numbers = #tpu.dot_dimension_numbers<[1], [0], [0], [1], [0, 0, 1, 1], [], []>, transpose_lhs_hint = false} : vector<4096x1024xf32>, vector<1024x8xf32>, vector<4096x8xf32> -> vector<4096x8xf32>
    %iota3A = tpu.iota {dimensions = array<i32: 0>} : vector<8x8xi32>
    %iota3A_6 = tpu.iota {dimensions = array<i32: 1>} : vector<8x8xi32>
    %eq3A = arith.cmpi eq, %iota3A, %iota3A_6 : vector<8x8xi32>
    %convert_element_type3A = arith.extui %eq3A : vector<8x8xi1> to vector<8x8xi32>
    %convert_element_type3A_7 = arith.sitofp %convert_element_type3A : vector<8x8xi32> to vector<8x8xf32>
    %dot_general3A_8 = arith.constant dense<0.000000e+00> : vector<8x4096xf32>
    %dot_general3A_9 = tpu.matmul %convert_element_type3A_7, %dot_general3A_5, %dot_general3A_8 {dimension_numbers = #tpu.dot_dimension_numbers<[1], [1], [0], [0], [0, 0, 1, 0], [], []>, precision = #tpu.contract_precision<fp32>, transpose_lhs_hint = false} : vector<8x8xf32>, vector<4096x8xf32>, vector<8x4096xf32> -> vector<8x4096xf32>
    %get3A_10 = arith.constant 0 : index
    %get3A_11 = arith.constant 0 : index
    %get3A_12 = vector.load %arg2[%get3A_10, %get3A_11] : memref<8x1xf32, #tpu.memory_space<vmem>>, vector<8x1xf32>
    %add3A = vector.broadcast %get3A_12 : vector<8x1xf32> to vector<8x4096xf32>
    %add3A_13 = arith.addf %dot_general3A_9, %add3A : vector<8x4096xf32>
    %reduce_max3A = arith.constant dense<0xFF800000> : vector<4096xf32>
    %reduce_max3A_14 = vector.multi_reduction <maximumf>, %add3A_13, %reduce_max3A [0] : vector<8x4096xf32> to vector<4096xf32>
    %broadcast_in_dim3A = vector.shape_cast %reduce_max3A_14 : vector<4096xf32> to vector<1x4096xf32>
    %sub3A = vector.broadcast %broadcast_in_dim3A : vector<1x4096xf32> to vector<8x4096xf32>
    %sub3A_15 = arith.subf %add3A_13, %sub3A : vector<8x4096xf32>
    %exp3A = math.exp %sub3A_15 : vector<8x4096xf32>
    %reduce_sum3A = arith.constant dense<0.000000e+00> : vector<4096xf32>
    %reduce_sum3A_16 = vector.multi_reduction <add>, %exp3A, %reduce_sum3A [0] : vector<8x4096xf32> to vector<4096xf32>
    %broadcast_in_dim3A_17 = vector.shape_cast %reduce_sum3A_16 : vector<4096xf32> to vector<1x4096xf32>
    %div3A = vector.broadcast %broadcast_in_dim3A_17 : vector<1x4096xf32> to vector<8x4096xf32>
    %div3A_18 = arith.divf %exp3A, %div3A : vector<8x4096xf32>
    %iota3A_19 = tpu.iota {dimensions = array<i32: 0>} : vector<8x4096xi32>
    %reduce_max3A_20 = arith.constant dense<0xFF800000> : vector<4096xf32>
    %reduce_max3A_21 = vector.multi_reduction <maximumf>, %div3A_18, %reduce_max3A_20 [0] : vector<8x4096xf32> to vector<4096xf32>
    %broadcast_in_dim3A_22 = vector.shape_cast %reduce_max3A_21 : vector<4096xf32> to vector<1x4096xf32>
    %eq3A_23 = vector.broadcast %broadcast_in_dim3A_22 : vector<1x4096xf32> to vector<8x4096xf32>
    %eq3A_24 = arith.cmpf oeq, %div3A_18, %eq3A_23 : vector<8x4096xf32>
    %jit3A = arith.constant 8 : i32
    %broadcast_in_dim3A_25 = vector.broadcast %jit3A : i32 to vector<8x4096xi32>
    %select_n3A = arith.select %eq3A_24, %iota3A_19, %broadcast_in_dim3A_25 : vector<8x4096xi1>, vector<8x4096xi32>
    %reduce_min3A = arith.constant dense<2147483647> : vector<4096xi32>
    %reduce_min3A_26 = vector.multi_reduction <minsi>, %select_n3A, %reduce_min3A [0] : vector<8x4096xi32> to vector<4096xi32>
    %broadcast_in_dim3A_27 = vector.shape_cast %reduce_min3A_26 : vector<4096xi32> to vector<1x4096xi32>
    %eq3A_28 = vector.broadcast %broadcast_in_dim3A_27 : vector<1x4096xi32> to vector<8x4096xi32>
    %eq3A_29 = arith.cmpi eq, %iota3A_19, %eq3A_28 : vector<8x4096xi32>
    %jit3A_30 = arith.constant -1.000000e+00 : f32
    %broadcast_in_dim3A_31 = vector.broadcast %jit3A_30 : f32 to vector<8x4096xf32>
    %select_n3A_32 = arith.select %eq3A_29, %broadcast_in_dim3A_31, %div3A_18 : vector<8x4096xi1>, vector<8x4096xf32>
    %reduce_max3A_33 = arith.constant dense<0xFF800000> : vector<4096xf32>
    %reduce_max3A_34 = vector.multi_reduction <maximumf>, %select_n3A_32, %reduce_max3A_33 [0] : vector<8x4096xf32> to vector<4096xf32>
    %broadcast_in_dim3A_35 = vector.shape_cast %reduce_max3A_34 : vector<4096xf32> to vector<1x4096xf32>
    %eq3A_36 = vector.broadcast %broadcast_in_dim3A_35 : vector<1x4096xf32> to vector<8x4096xf32>
    %eq3A_37 = arith.cmpf oeq, %select_n3A_32, %eq3A_36 : vector<8x4096xf32>
    %jit3A_38 = arith.constant 8 : i32
    %broadcast_in_dim3A_39 = vector.broadcast %jit3A_38 : i32 to vector<8x4096xi32>
    %select_n3A_40 = arith.select %eq3A_37, %iota3A_19, %broadcast_in_dim3A_39 : vector<8x4096xi1>, vector<8x4096xi32>
    %reduce_min3A_41 = arith.constant dense<2147483647> : vector<4096xi32>
    %reduce_min3A_42 = vector.multi_reduction <minsi>, %select_n3A_40, %reduce_min3A_41 [0] : vector<8x4096xi32> to vector<4096xi32>
    %broadcast_in_dim3A_43 = vector.shape_cast %reduce_min3A_42 : vector<4096xi32> to vector<1x4096xi32>
    %swap3A = arith.constant 0 : index
    %swap3A_44 = arith.constant 0 : index
    %swap3A_45 = vector.load %arg3[%swap3A, %swap3A_44] : memref<2x4096xf32, #tpu.memory_space<vmem>>, vector<1x4096xf32>
    tpu.vector_store %arg3[%swap3A, %swap3A_44], %broadcast_in_dim3A_22 {strides = array<i32>} : memref<2x4096xf32, #tpu.memory_space<vmem>>, vector<1x4096xf32>,
    %swap3A_46 = arith.constant 1 : index
    %swap3A_47 = arith.constant 0 : index
    %swap3A_48 = vector.load %arg3[%swap3A_46, %swap3A_47] : memref<2x4096xf32, #tpu.memory_space<vmem>>, vector<1x4096xf32>
    tpu.vector_store %arg3[%swap3A_46, %swap3A_47], %broadcast_in_dim3A_35 {strides = array<i32>} : memref<2x4096xf32, #tpu.memory_space<vmem>>, vector<1x4096xf32>,
    %eq3A_49 = vector.broadcast %broadcast_in_dim3A_27 : vector<1x4096xi32> to vector<8x4096xi32>
    %eq3A_50 = arith.cmpi eq, %eq3A_49, %iota3A_19 : vector<8x4096xi32>
    %convert_element_type3A_51 = arith.extui %eq3A_50 : vector<8x4096xi1> to vector<8x4096xi32>
    %eq3A_52 = vector.broadcast %broadcast_in_dim3A_43 : vector<1x4096xi32> to vector<8x4096xi32>
    %eq3A_53 = arith.cmpi eq, %eq3A_52, %iota3A_19 : vector<8x4096xi32>
    %convert_element_type3A_54 = arith.extui %eq3A_53 : vector<8x4096xi1> to vector<8x4096xi32>
    %add3A_55 = arith.addi %convert_element_type3A_51, %convert_element_type3A_54 : vector<8x4096xi32>
    %broadcast_in_dim3A_56 = arith.constant 0 : i32
    %broadcast_in_dim3A_57 = vector.broadcast %broadcast_in_dim3A_56 : i32 to vector<8x1xi32>
    %slice3A = vector.extract_strided_slice %add3A_55 {offsets = [0, 0], sizes = [8, 4095], strides = [1, 1]} : vector<8x4096xi32> to vector<8x4095xi32>
    %concatenate3A = tpu.concatenate %broadcast_in_dim3A_57, %slice3A in 1 : vector<8x1xi32>, vector<8x4095xi32> -> vector<8x4096xi32>
    %add3A_58 = arith.addi %add3A_55, %concatenate3A : vector<8x4096xi32>
    %broadcast_in_dim3A_59 = arith.constant 0 : i32
    %broadcast_in_dim3A_60 = vector.broadcast %broadcast_in_dim3A_59 : i32 to vector<8x2xi32>
    %slice3A_61 = vector.extract_strided_slice %add3A_58 {offsets = [0, 0], sizes = [8, 4094], strides = [1, 1]} : vector<8x4096xi32> to vector<8x4094xi32>
    %concatenate3A_62 = tpu.concatenate %broadcast_in_dim3A_60, %slice3A_61 in 1 : vector<8x2xi32>, vector<8x4094xi32> -> vector<8x4096xi32>
    %add3A_63 = arith.addi %add3A_58, %concatenate3A_62 : vector<8x4096xi32>
    %broadcast_in_dim3A_64 = arith.constant 0 : i32
    %broadcast_in_dim3A_65 = vector.broadcast %broadcast_in_dim3A_64 : i32 to vector<8x4xi32>
    %slice3A_66 = vector.extract_strided_slice %add3A_63 {offsets = [0, 0], sizes = [8, 4092], strides = [1, 1]} : vector<8x4096xi32> to vector<8x4092xi32>
    %concatenate3A_67 = tpu.concatenate %broadcast_in_dim3A_65, %slice3A_66 in 1 : vector<8x4xi32>, vector<8x4092xi32> -> vector<8x4096xi32>
    %add3A_68 = arith.addi %add3A_63, %concatenate3A_67 : vector<8x4096xi32>
    %broadcast_in_dim3A_69 = arith.constant 0 : i32
    %broadcast_in_dim3A_70 = vector.broadcast %broadcast_in_dim3A_69 : i32 to vector<8x8xi32>
    %slice3A_71 = vector.extract_strided_slice %add3A_68 {offsets = [0, 0], sizes = [8, 4088], strides = [1, 1]} : vector<8x4096xi32> to vector<8x4088xi32>
    %concatenate3A_72 = tpu.concatenate %broadcast_in_dim3A_70, %slice3A_71 in 1 : vector<8x8xi32>, vector<8x4088xi32> -> vector<8x4096xi32>
    %add3A_73 = arith.addi %add3A_68, %concatenate3A_72 : vector<8x4096xi32>
    %broadcast_in_dim3A_74 = arith.constant 0 : i32
    %broadcast_in_dim3A_75 = vector.broadcast %broadcast_in_dim3A_74 : i32 to vector<8x16xi32>
    %slice3A_76 = vector.extract_strided_slice %add3A_73 {offsets = [0, 0], sizes = [8, 4080], strides = [1, 1]} : vector<8x4096xi32> to vector<8x4080xi32>
    %concatenate3A_77 = tpu.concatenate %broadcast_in_dim3A_75, %slice3A_76 in 1 : vector<8x16xi32>, vector<8x4080xi32> -> vector<8x4096xi32>
    %add3A_78 = arith.addi %add3A_73, %concatenate3A_77 : vector<8x4096xi32>
    %broadcast_in_dim3A_79 = arith.constant 0 : i32
    %broadcast_in_dim3A_80 = vector.broadcast %broadcast_in_dim3A_79 : i32 to vector<8x32xi32>
    %slice3A_81 = vector.extract_strided_slice %add3A_78 {offsets = [0, 0], sizes = [8, 4064], strides = [1, 1]} : vector<8x4096xi32> to vector<8x4064xi32>
    %concatenate3A_82 = tpu.concatenate %broadcast_in_dim3A_80, %slice3A_81 in 1 : vector<8x32xi32>, vector<8x4064xi32> -> vector<8x4096xi32>
    %add3A_83 = arith.addi %add3A_78, %concatenate3A_82 : vector<8x4096xi32>
    %broadcast_in_dim3A_84 = arith.constant 0 : i32
    %broadcast_in_dim3A_85 = vector.broadcast %broadcast_in_dim3A_84 : i32 to vector<8x64xi32>
    %slice3A_86 = vector.extract_strided_slice %add3A_83 {offsets = [0, 0], sizes = [8, 4032], strides = [1, 1]} : vector<8x4096xi32> to vector<8x4032xi32>
    %concatenate3A_87 = tpu.concatenate %broadcast_in_dim3A_85, %slice3A_86 in 1 : vector<8x64xi32>, vector<8x4032xi32> -> vector<8x4096xi32>
    %add3A_88 = arith.addi %add3A_83, %concatenate3A_87 : vector<8x4096xi32>
    %broadcast_in_dim3A_89 = arith.constant 0 : i32
    %broadcast_in_dim3A_90 = vector.broadcast %broadcast_in_dim3A_89 : i32 to vector<8x128xi32>
    %slice3A_91 = vector.extract_strided_slice %add3A_88 {offsets = [0, 0], sizes = [8, 3968], strides = [1, 1]} : vector<8x4096xi32> to vector<8x3968xi32>
    %concatenate3A_92 = tpu.concatenate %broadcast_in_dim3A_90, %slice3A_91 in 1 : vector<8x128xi32>, vector<8x3968xi32> -> vector<8x4096xi32>
    %add3A_93 = arith.addi %add3A_88, %concatenate3A_92 : vector<8x4096xi32>
    %broadcast_in_dim3A_94 = arith.constant 0 : i32
    %broadcast_in_dim3A_95 = vector.broadcast %broadcast_in_dim3A_94 : i32 to vector<8x256xi32>
    %slice3A_96 = vector.extract_strided_slice %add3A_93 {offsets = [0, 0], sizes = [8, 3840], strides = [1, 1]} : vector<8x4096xi32> to vector<8x3840xi32>
    %concatenate3A_97 = tpu.concatenate %broadcast_in_dim3A_95, %slice3A_96 in 1 : vector<8x256xi32>, vector<8x3840xi32> -> vector<8x4096xi32>
    %add3A_98 = arith.addi %add3A_93, %concatenate3A_97 : vector<8x4096xi32>
    %broadcast_in_dim3A_99 = arith.constant 0 : i32
    %broadcast_in_dim3A_100 = vector.broadcast %broadcast_in_dim3A_99 : i32 to vector<8x512xi32>
    %slice3A_101 = vector.extract_strided_slice %add3A_98 {offsets = [0, 0], sizes = [8, 3584], strides = [1, 1]} : vector<8x4096xi32> to vector<8x3584xi32>
    %concatenate3A_102 = tpu.concatenate %broadcast_in_dim3A_100, %slice3A_101 in 1 : vector<8x512xi32>, vector<8x3584xi32> -> vector<8x4096xi32>
    %add3A_103 = arith.addi %add3A_98, %concatenate3A_102 : vector<8x4096xi32>
    %broadcast_in_dim3A_104 = arith.constant 0 : i32
    %broadcast_in_dim3A_105 = vector.broadcast %broadcast_in_dim3A_104 : i32 to vector<8x1024xi32>
    %slice3A_106 = vector.extract_strided_slice %add3A_103 {offsets = [0, 0], sizes = [8, 3072], strides = [1, 1]} : vector<8x4096xi32> to vector<8x3072xi32>
    %concatenate3A_107 = tpu.concatenate %broadcast_in_dim3A_105, %slice3A_106 in 1 : vector<8x1024xi32>, vector<8x3072xi32> -> vector<8x4096xi32>
    %add3A_108 = arith.addi %add3A_103, %concatenate3A_107 : vector<8x4096xi32>
    %broadcast_in_dim3A_109 = arith.constant 0 : i32
    %broadcast_in_dim3A_110 = vector.broadcast %broadcast_in_dim3A_109 : i32 to vector<8x2048xi32>
    %slice3A_111 = vector.extract_strided_slice %add3A_108 {offsets = [0, 0], sizes = [8, 2048], strides = [1, 1]} : vector<8x4096xi32> to vector<8x2048xi32>
    %concatenate3A_112 = tpu.concatenate %broadcast_in_dim3A_110, %slice3A_111 in 1 : vector<8x2048xi32>, vector<8x2048xi32> -> vector<8x4096xi32>
    %add3A_113 = arith.addi %add3A_108, %concatenate3A_112 : vector<8x4096xi32>
    %sub3A_114 = arith.subi %add3A_113, %add3A_55 : vector<8x4096xi32>
    %reduce_sum3A_115 = arith.constant dense<0> : vector<8xi32>
    %reduce_sum3A_116 = vector.multi_reduction <add>, %add3A_55, %reduce_sum3A_115 [1] : vector<8x4096xi32> to vector<8xi32>
    %broadcast_in_dim3A_117 = vector.shape_cast %reduce_sum3A_116 : vector<8xi32> to vector<8x1xi32>
    %add3A_118 = arith.constant 512 : i32
    %add3A_119 = vector.broadcast %add3A_118 : i32 to vector<8x1xi32>
    %add3A_120 = arith.addi %broadcast_in_dim3A_117, %add3A_119 : vector<8x1xi32>
    %sub3A_121 = arith.constant 1 : i32
    %sub3A_122 = vector.broadcast %sub3A_121 : i32 to vector<8x1xi32>
    %sub3A_123 = arith.subi %add3A_120, %sub3A_122 : vector<8x1xi32>
    %jit3A_124 = arith.constant 512 : i32
    %div3A_125 = vector.broadcast %jit3A_124 : i32 to vector<8x1xi32>
    %div3A_126 = arith.divsi %sub3A_123, %div3A_125 : vector<8x1xi32>
    %sign3A = arith.constant 0 : i32
    %sign3A_127 = vector.broadcast %sign3A : i32 to vector<8x1xi32>
    %sign3A_128 = arith.cmpi sgt, %sub3A_123, %sign3A_127 : vector<8x1xi32>
    %sign3A_129 = arith.extui %sign3A_128 : vector<8x1xi1> to vector<8x1xi32>
    %sign3A_130 = arith.constant 0 : i32
    %sign3A_131 = vector.broadcast %sign3A_130 : i32 to vector<8x1xi32>
    %sign3A_132 = arith.cmpi slt, %sub3A_123, %sign3A_131 : vector<8x1xi32>
    %sign3A_133 = arith.extui %sign3A_132 : vector<8x1xi1> to vector<8x1xi32>
    %sign3A_134 = arith.subi %sign3A_129, %sign3A_133 : vector<8x1xi32>
    %sign3A_135 = arith.constant 0 : i32
    %sign3A_136 = arith.cmpi sgt, %jit3A_124, %sign3A_135 : i32
    %sign3A_137 = arith.extui %sign3A_136 : i1 to i32
    %sign3A_138 = arith.constant 0 : i32
    %sign3A_139 = arith.cmpi slt, %jit3A_124, %sign3A_138 : i32
    %sign3A_140 = arith.extui %sign3A_139 : i1 to i32
    %sign3A_141 = arith.subi %sign3A_137, %sign3A_140 : i32
    %ne3A = vector.broadcast %sign3A_141 : i32 to vector<8x1xi32>
    %ne3A_142 = arith.cmpi ne, %sign3A_134, %ne3A : vector<8x1xi32>
    %rem3A = vector.broadcast %jit3A_124 : i32 to vector<8x1xi32>
    %rem3A_143 = arith.remsi %sub3A_123, %rem3A : vector<8x1xi32>
    %ne3A_144 = arith.constant 0 : i32
    %ne3A_145 = vector.broadcast %ne3A_144 : i32 to vector<8x1xi32>
    %ne3A_146 = arith.cmpi ne, %rem3A_143, %ne3A_145 : vector<8x1xi32>
    %and3A = arith.andi %ne3A_142, %ne3A_146 : vector<8x1xi1>
    %sub3A_147 = arith.constant 1 : i32
    %sub3A_148 = vector.broadcast %sub3A_147 : i32 to vector<8x1xi32>
    %sub3A_149 = arith.subi %div3A_126, %sub3A_148 : vector<8x1xi32>
    %select_n3A_150 = arith.select %and3A, %sub3A_149, %div3A_126 : vector<8x1xi1>, vector<8x1xi32>
    %mul3A = arith.constant 512 : i32
    %mul3A_151 = vector.broadcast %mul3A : i32 to vector<8x1xi32>
    %mul3A_152 = arith.muli %select_n3A_150, %mul3A_151 : vector<8x1xi32>
    %broadcast_in_dim3A_153 = arith.constant 0 : i32
    %broadcast_in_dim3A_154 = vector.broadcast %broadcast_in_dim3A_153 : i32 to vector<1x4096xi32>
    %broadcast_in_dim3A_155 = arith.constant 0 : i32
    %broadcast_in_dim3A_156 = vector.broadcast %broadcast_in_dim3A_155 : i32 to vector<1x4096xi32>
    %broadcast_in_dim3A_157 = arith.constant 0 : i32
    %broadcast_in_dim3A_158 = vector.broadcast %broadcast_in_dim3A_157 : i32 to vector<1x1xi32>
    %eq3A_159 = arith.constant 0 : i32
    %eq3A_160 = vector.broadcast %eq3A_159 : i32 to vector<1x4096xi32>
    %eq3A_161 = arith.cmpi eq, %broadcast_in_dim3A_27, %eq3A_160 : vector<1x4096xi32>
    %slice3A_162 = vector.extract_strided_slice %sub3A_114 {offsets = [0, 0], sizes = [1, 4096], strides = [1, 1]} : vector<8x4096xi32> to vector<1x4096xi32>
    %add3A_163 = vector.broadcast %broadcast_in_dim3A_158 : vector<1x1xi32> to vector<1x4096xi32>
    %add3A_164 = arith.addi %slice3A_162, %add3A_163 : vector<1x4096xi32>
    %jit3A_165 = arith.constant 0 : i32
    %broadcast_in_dim3A_166 = vector.broadcast %jit3A_165 : i32 to vector<1x4096xi32>
    %select_n3A_167 = arith.select %eq3A_161, %add3A_164, %broadcast_in_dim3A_166 : vector<1x4096xi1>, vector<1x4096xi32>
    %add3A_168 = arith.addi %broadcast_in_dim3A_154, %select_n3A_167 : vector<1x4096xi32>
    %eq3A_169 = arith.constant 0 : i32
    %eq3A_170 = vector.broadcast %eq3A_169 : i32 to vector<1x4096xi32>
    %eq3A_171 = arith.cmpi eq, %broadcast_in_dim3A_43, %eq3A_170 : vector<1x4096xi32>
    %slice3A_172 = vector.extract_strided_slice %sub3A_114 {offsets = [0, 0], sizes = [1, 4096], strides = [1, 1]} : vector<8x4096xi32> to vector<1x4096xi32>
    %add3A_173 = vector.broadcast %broadcast_in_dim3A_158 : vector<1x1xi32> to vector<1x4096xi32>
    %add3A_174 = arith.addi %slice3A_172, %add3A_173 : vector<1x4096xi32>
    %jit3A_175 = arith.constant 0 : i32
    %broadcast_in_dim3A_176 = vector.broadcast %jit3A_175 : i32 to vector<1x4096xi32>
    %select_n3A_177 = arith.select %eq3A_171, %add3A_174, %broadcast_in_dim3A_176 : vector<1x4096xi1>, vector<1x4096xi32>
    %add3A_178 = arith.addi %broadcast_in_dim3A_156, %select_n3A_177 : vector<1x4096xi32>
    %slice3A_179 = vector.extract_strided_slice %mul3A_152 {offsets = [0, 0], sizes = [1, 1], strides = [1, 1]} : vector<8x1xi32> to vector<1x1xi32>
    %add3A_180 = arith.addi %broadcast_in_dim3A_158, %slice3A_179 : vector<1x1xi32>
    %eq3A_181 = arith.constant 1 : i32
    %eq3A_182 = vector.broadcast %eq3A_181 : i32 to vector<1x4096xi32>
    %eq3A_183 = arith.cmpi eq, %broadcast_in_dim3A_27, %eq3A_182 : vector<1x4096xi32>
    %slice3A_184 = vector.extract_strided_slice %sub3A_114 {offsets = [1, 0], sizes = [1, 4096], strides = [1, 1]} : vector<8x4096xi32> to vector<1x4096xi32>
    %add3A_185 = vector.broadcast %add3A_180 : vector<1x1xi32> to vector<1x4096xi32>
    %add3A_186 = arith.addi %slice3A_184, %add3A_185 : vector<1x4096xi32>
    %jit3A_187 = arith.constant 0 : i32
    %broadcast_in_dim3A_188 = vector.broadcast %jit3A_187 : i32 to vector<1x4096xi32>
    %select_n3A_189 = arith.select %eq3A_183, %add3A_186, %broadcast_in_dim3A_188 : vector<1x4096xi1>, vector<1x4096xi32>
    %add3A_190 = arith.addi %add3A_168, %select_n3A_189 : vector<1x4096xi32>
    %eq3A_191 = arith.constant 1 : i32
    %eq3A_192 = vector.broadcast %eq3A_191 : i32 to vector<1x4096xi32>
    %eq3A_193 = arith.cmpi eq, %broadcast_in_dim3A_43, %eq3A_192 : vector<1x4096xi32>
    %slice3A_194 = vector.extract_strided_slice %sub3A_114 {offsets = [1, 0], sizes = [1, 4096], strides = [1, 1]} : vector<8x4096xi32> to vector<1x4096xi32>
    %add3A_195 = vector.broadcast %add3A_180 : vector<1x1xi32> to vector<1x4096xi32>
    %add3A_196 = arith.addi %slice3A_194, %add3A_195 : vector<1x4096xi32>
    %jit3A_197 = arith.constant 0 : i32
    %broadcast_in_dim3A_198 = vector.broadcast %jit3A_197 : i32 to vector<1x4096xi32>
    %select_n3A_199 = arith.select %eq3A_193, %add3A_196, %broadcast_in_dim3A_198 : vector<1x4096xi1>, vector<1x4096xi32>
    %add3A_200 = arith.addi %add3A_178, %select_n3A_199 : vector<1x4096xi32>
    %slice3A_201 = vector.extract_strided_slice %mul3A_152 {offsets = [1, 0], sizes = [1, 1], strides = [1, 1]} : vector<8x1xi32> to vector<1x1xi32>
    %add3A_202 = arith.addi %add3A_180, %slice3A_201 : vector<1x1xi32>
    %eq3A_203 = arith.constant 2 : i32
    %eq3A_204 = vector.broadcast %eq3A_203 : i32 to vector<1x4096xi32>
    %eq3A_205 = arith.cmpi eq, %broadcast_in_dim3A_27, %eq3A_204 : vector<1x4096xi32>
    %slice3A_206 = vector.extract_strided_slice %sub3A_114 {offsets = [2, 0], sizes = [1, 4096], strides = [1, 1]} : vector<8x4096xi32> to vector<1x4096xi32>
    %add3A_207 = vector.broadcast %add3A_202 : vector<1x1xi32> to vector<1x4096xi32>
    %add3A_208 = arith.addi %slice3A_206, %add3A_207 : vector<1x4096xi32>
    %jit3A_209 = arith.constant 0 : i32
    %broadcast_in_dim3A_210 = vector.broadcast %jit3A_209 : i32 to vector<1x4096xi32>
    %select_n3A_211 = arith.select %eq3A_205, %add3A_208, %broadcast_in_dim3A_210 : vector<1x4096xi1>, vector<1x4096xi32>
    %add3A_212 = arith.addi %add3A_190, %select_n3A_211 : vector<1x4096xi32>
    %eq3A_213 = arith.constant 2 : i32
    %eq3A_214 = vector.broadcast %eq3A_213 : i32 to vector<1x4096xi32>
    %eq3A_215 = arith.cmpi eq, %broadcast_in_dim3A_43, %eq3A_214 : vector<1x4096xi32>
    %slice3A_216 = vector.extract_strided_slice %sub3A_114 {offsets = [2, 0], sizes = [1, 4096], strides = [1, 1]} : vector<8x4096xi32> to vector<1x4096xi32>
    %add3A_217 = vector.broadcast %add3A_202 : vector<1x1xi32> to vector<1x4096xi32>
    %add3A_218 = arith.addi %slice3A_216, %add3A_217 : vector<1x4096xi32>
    %jit3A_219 = arith.constant 0 : i32
    %broadcast_in_dim3A_220 = vector.broadcast %jit3A_219 : i32 to vector<1x4096xi32>
    %select_n3A_221 = arith.select %eq3A_215, %add3A_218, %broadcast_in_dim3A_220 : vector<1x4096xi1>, vector<1x4096xi32>
    %add3A_222 = arith.addi %add3A_200, %select_n3A_221 : vector<1x4096xi32>
    %slice3A_223 = vector.extract_strided_slice %mul3A_152 {offsets = [2, 0], sizes = [1, 1], strides = [1, 1]} : vector<8x1xi32> to vector<1x1xi32>
    %add3A_224 = arith.addi %add3A_202, %slice3A_223 : vector<1x1xi32>
    %eq3A_225 = arith.constant 3 : i32
    %eq3A_226 = vector.broadcast %eq3A_225 : i32 to vector<1x4096xi32>
    %eq3A_227 = arith.cmpi eq, %broadcast_in_dim3A_27, %eq3A_226 : vector<1x4096xi32>
    %slice3A_228 = vector.extract_strided_slice %sub3A_114 {offsets = [3, 0], sizes = [1, 4096], strides = [1, 1]} : vector<8x4096xi32> to vector<1x4096xi32>
    %add3A_229 = vector.broadcast %add3A_224 : vector<1x1xi32> to vector<1x4096xi32>
    %add3A_230 = arith.addi %slice3A_228, %add3A_229 : vector<1x4096xi32>
    %jit3A_231 = arith.constant 0 : i32
    %broadcast_in_dim3A_232 = vector.broadcast %jit3A_231 : i32 to vector<1x4096xi32>
    %select_n3A_233 = arith.select %eq3A_227, %add3A_230, %broadcast_in_dim3A_232 : vector<1x4096xi1>, vector<1x4096xi32>
    %add3A_234 = arith.addi %add3A_212, %select_n3A_233 : vector<1x4096xi32>
    %eq3A_235 = arith.constant 3 : i32
    %eq3A_236 = vector.broadcast %eq3A_235 : i32 to vector<1x4096xi32>
    %eq3A_237 = arith.cmpi eq, %broadcast_in_dim3A_43, %eq3A_236 : vector<1x4096xi32>
    %slice3A_238 = vector.extract_strided_slice %sub3A_114 {offsets = [3, 0], sizes = [1, 4096], strides = [1, 1]} : vector<8x4096xi32> to vector<1x4096xi32>
    %add3A_239 = vector.broadcast %add3A_224 : vector<1x1xi32> to vector<1x4096xi32>
    %add3A_240 = arith.addi %slice3A_238, %add3A_239 : vector<1x4096xi32>
    %jit3A_241 = arith.constant 0 : i32
    %broadcast_in_dim3A_242 = vector.broadcast %jit3A_241 : i32 to vector<1x4096xi32>
    %select_n3A_243 = arith.select %eq3A_237, %add3A_240, %broadcast_in_dim3A_242 : vector<1x4096xi1>, vector<1x4096xi32>
    %add3A_244 = arith.addi %add3A_222, %select_n3A_243 : vector<1x4096xi32>
    %slice3A_245 = vector.extract_strided_slice %mul3A_152 {offsets = [3, 0], sizes = [1, 1], strides = [1, 1]} : vector<8x1xi32> to vector<1x1xi32>
    %add3A_246 = arith.addi %add3A_224, %slice3A_245 : vector<1x1xi32>
    %eq3A_247 = arith.constant 4 : i32
    %eq3A_248 = vector.broadcast %eq3A_247 : i32 to vector<1x4096xi32>
    %eq3A_249 = arith.cmpi eq, %broadcast_in_dim3A_27, %eq3A_248 : vector<1x4096xi32>
    %slice3A_250 = vector.extract_strided_slice %sub3A_114 {offsets = [4, 0], sizes = [1, 4096], strides = [1, 1]} : vector<8x4096xi32> to vector<1x4096xi32>
    %add3A_251 = vector.broadcast %add3A_246 : vector<1x1xi32> to vector<1x4096xi32>
    %add3A_252 = arith.addi %slice3A_250, %add3A_251 : vector<1x4096xi32>
    %jit3A_253 = arith.constant 0 : i32
    %broadcast_in_dim3A_254 = vector.broadcast %jit3A_253 : i32 to vector<1x4096xi32>
    %select_n3A_255 = arith.select %eq3A_249, %add3A_252, %broadcast_in_dim3A_254 : vector<1x4096xi1>, vector<1x4096xi32>
    %add3A_256 = arith.addi %add3A_234, %select_n3A_255 : vector<1x4096xi32>
    %eq3A_257 = arith.constant 4 : i32
    %eq3A_258 = vector.broadcast %eq3A_257 : i32 to vector<1x4096xi32>
    %eq3A_259 = arith.cmpi eq, %broadcast_in_dim3A_43, %eq3A_258 : vector<1x4096xi32>
    %slice3A_260 = vector.extract_strided_slice %sub3A_114 {offsets = [4, 0], sizes = [1, 4096], strides = [1, 1]} : vector<8x4096xi32> to vector<1x4096xi32>
    %add3A_261 = vector.broadcast %add3A_246 : vector<1x1xi32> to vector<1x4096xi32>
    %add3A_262 = arith.addi %slice3A_260, %add3A_261 : vector<1x4096xi32>
    %jit3A_263 = arith.constant 0 : i32
    %broadcast_in_dim3A_264 = vector.broadcast %jit3A_263 : i32 to vector<1x4096xi32>
    %select_n3A_265 = arith.select %eq3A_259, %add3A_262, %broadcast_in_dim3A_264 : vector<1x4096xi1>, vector<1x4096xi32>
    %add3A_266 = arith.addi %add3A_244, %select_n3A_265 : vector<1x4096xi32>
    %slice3A_267 = vector.extract_strided_slice %mul3A_152 {offsets = [4, 0], sizes = [1, 1], strides = [1, 1]} : vector<8x1xi32> to vector<1x1xi32>
    %add3A_268 = arith.addi %add3A_246, %slice3A_267 : vector<1x1xi32>
    %eq3A_269 = arith.constant 5 : i32
    %eq3A_270 = vector.broadcast %eq3A_269 : i32 to vector<1x4096xi32>
    %eq3A_271 = arith.cmpi eq, %broadcast_in_dim3A_27, %eq3A_270 : vector<1x4096xi32>
    %slice3A_272 = vector.extract_strided_slice %sub3A_114 {offsets = [5, 0], sizes = [1, 4096], strides = [1, 1]} : vector<8x4096xi32> to vector<1x4096xi32>
    %add3A_273 = vector.broadcast %add3A_268 : vector<1x1xi32> to vector<1x4096xi32>
    %add3A_274 = arith.addi %slice3A_272, %add3A_273 : vector<1x4096xi32>
    %jit3A_275 = arith.constant 0 : i32
    %broadcast_in_dim3A_276 = vector.broadcast %jit3A_275 : i32 to vector<1x4096xi32>
    %select_n3A_277 = arith.select %eq3A_271, %add3A_274, %broadcast_in_dim3A_276 : vector<1x4096xi1>, vector<1x4096xi32>
    %add3A_278 = arith.addi %add3A_256, %select_n3A_277 : vector<1x4096xi32>
    %eq3A_279 = arith.constant 5 : i32
    %eq3A_280 = vector.broadcast %eq3A_279 : i32 to vector<1x4096xi32>
    %eq3A_281 = arith.cmpi eq, %broadcast_in_dim3A_43, %eq3A_280 : vector<1x4096xi32>
    %slice3A_282 = vector.extract_strided_slice %sub3A_114 {offsets = [5, 0], sizes = [1, 4096], strides = [1, 1]} : vector<8x4096xi32> to vector<1x4096xi32>
    %add3A_283 = vector.broadcast %add3A_268 : vector<1x1xi32> to vector<1x4096xi32>
    %add3A_284 = arith.addi %slice3A_282, %add3A_283 : vector<1x4096xi32>
    %jit3A_285 = arith.constant 0 : i32
    %broadcast_in_dim3A_286 = vector.broadcast %jit3A_285 : i32 to vector<1x4096xi32>
    %select_n3A_287 = arith.select %eq3A_281, %add3A_284, %broadcast_in_dim3A_286 : vector<1x4096xi1>, vector<1x4096xi32>
    %add3A_288 = arith.addi %add3A_266, %select_n3A_287 : vector<1x4096xi32>
    %slice3A_289 = vector.extract_strided_slice %mul3A_152 {offsets = [5, 0], sizes = [1, 1], strides = [1, 1]} : vector<8x1xi32> to vector<1x1xi32>
    %add3A_290 = arith.addi %add3A_268, %slice3A_289 : vector<1x1xi32>
    %eq3A_291 = arith.constant 6 : i32
    %eq3A_292 = vector.broadcast %eq3A_291 : i32 to vector<1x4096xi32>
    %eq3A_293 = arith.cmpi eq, %broadcast_in_dim3A_27, %eq3A_292 : vector<1x4096xi32>
    %slice3A_294 = vector.extract_strided_slice %sub3A_114 {offsets = [6, 0], sizes = [1, 4096], strides = [1, 1]} : vector<8x4096xi32> to vector<1x4096xi32>
    %add3A_295 = vector.broadcast %add3A_290 : vector<1x1xi32> to vector<1x4096xi32>
    %add3A_296 = arith.addi %slice3A_294, %add3A_295 : vector<1x4096xi32>
    %jit3A_297 = arith.constant 0 : i32
    %broadcast_in_dim3A_298 = vector.broadcast %jit3A_297 : i32 to vector<1x4096xi32>
    %select_n3A_299 = arith.select %eq3A_293, %add3A_296, %broadcast_in_dim3A_298 : vector<1x4096xi1>, vector<1x4096xi32>
    %add3A_300 = arith.addi %add3A_278, %select_n3A_299 : vector<1x4096xi32>
    %eq3A_301 = arith.constant 6 : i32
    %eq3A_302 = vector.broadcast %eq3A_301 : i32 to vector<1x4096xi32>
    %eq3A_303 = arith.cmpi eq, %broadcast_in_dim3A_43, %eq3A_302 : vector<1x4096xi32>
    %slice3A_304 = vector.extract_strided_slice %sub3A_114 {offsets = [6, 0], sizes = [1, 4096], strides = [1, 1]} : vector<8x4096xi32> to vector<1x4096xi32>
    %add3A_305 = vector.broadcast %add3A_290 : vector<1x1xi32> to vector<1x4096xi32>
    %add3A_306 = arith.addi %slice3A_304, %add3A_305 : vector<1x4096xi32>
    %jit3A_307 = arith.constant 0 : i32
    %broadcast_in_dim3A_308 = vector.broadcast %jit3A_307 : i32 to vector<1x4096xi32>
    %select_n3A_309 = arith.select %eq3A_303, %add3A_306, %broadcast_in_dim3A_308 : vector<1x4096xi1>, vector<1x4096xi32>
    %add3A_310 = arith.addi %add3A_288, %select_n3A_309 : vector<1x4096xi32>
    %slice3A_311 = vector.extract_strided_slice %mul3A_152 {offsets = [6, 0], sizes = [1, 1], strides = [1, 1]} : vector<8x1xi32> to vector<1x1xi32>
    %add3A_312 = arith.addi %add3A_290, %slice3A_311 : vector<1x1xi32>
    %eq3A_313 = arith.constant 7 : i32
    %eq3A_314 = vector.broadcast %eq3A_313 : i32 to vector<1x4096xi32>
    %eq3A_315 = arith.cmpi eq, %broadcast_in_dim3A_27, %eq3A_314 : vector<1x4096xi32>
    %slice3A_316 = vector.extract_strided_slice %sub3A_114 {offsets = [7, 0], sizes = [1, 4096], strides = [1, 1]} : vector<8x4096xi32> to vector<1x4096xi32>
    %add3A_317 = vector.broadcast %add3A_312 : vector<1x1xi32> to vector<1x4096xi32>
    %add3A_318 = arith.addi %slice3A_316, %add3A_317 : vector<1x4096xi32>
    %jit3A_319 = arith.constant 0 : i32
    %broadcast_in_dim3A_320 = vector.broadcast %jit3A_319 : i32 to vector<1x4096xi32>
    %select_n3A_321 = arith.select %eq3A_315, %add3A_318, %broadcast_in_dim3A_320 : vector<1x4096xi1>, vector<1x4096xi32>
    %add3A_322 = arith.addi %add3A_300, %select_n3A_321 : vector<1x4096xi32>
    %eq3A_323 = arith.constant 7 : i32
    %eq3A_324 = vector.broadcast %eq3A_323 : i32 to vector<1x4096xi32>
    %eq3A_325 = arith.cmpi eq, %broadcast_in_dim3A_43, %eq3A_324 : vector<1x4096xi32>
    %slice3A_326 = vector.extract_strided_slice %sub3A_114 {offsets = [7, 0], sizes = [1, 4096], strides = [1, 1]} : vector<8x4096xi32> to vector<1x4096xi32>
    %add3A_327 = vector.broadcast %add3A_312 : vector<1x1xi32> to vector<1x4096xi32>
    %add3A_328 = arith.addi %slice3A_326, %add3A_327 : vector<1x4096xi32>
    %jit3A_329 = arith.constant 0 : i32
    %broadcast_in_dim3A_330 = vector.broadcast %jit3A_329 : i32 to vector<1x4096xi32>
    %select_n3A_331 = arith.select %eq3A_325, %add3A_328, %broadcast_in_dim3A_330 : vector<1x4096xi1>, vector<1x4096xi32>
    %add3A_332 = arith.addi %add3A_310, %select_n3A_331 : vector<1x4096xi32>
    %slice3A_333 = vector.extract_strided_slice %mul3A_152 {offsets = [7, 0], sizes = [1, 1], strides = [1, 1]} : vector<8x1xi32> to vector<1x1xi32>
    %add3A_334 = arith.addi %add3A_312, %slice3A_333 : vector<1x1xi32>
    %swap3A_335 = arith.constant 0 : index
    %swap3A_336 = arith.constant 0 : index
    %swap3A_337 = vector.load %arg4[%swap3A_335, %swap3A_336] : memref<2x4096xi32, #tpu.memory_space<vmem>>, vector<1x4096xi32>
    tpu.vector_store %arg4[%swap3A_335, %swap3A_336], %add3A_322 {strides = array<i32>} : memref<2x4096xi32, #tpu.memory_space<vmem>>, vector<1x4096xi32>,
    %swap3A_338 = arith.constant 1 : index
    %swap3A_339 = arith.constant 0 : index
    %swap3A_340 = vector.load %arg4[%swap3A_338, %swap3A_339] : memref<2x4096xi32, #tpu.memory_space<vmem>>, vector<1x4096xi32>
    tpu.vector_store %arg4[%swap3A_338, %swap3A_339], %add3A_332 {strides = array<i32>} : memref<2x4096xi32, #tpu.memory_space<vmem>>, vector<1x4096xi32>,
    %iota3A_341 = tpu.iota {dimensions = array<i32: 1>} : vector<1x24xi32>
    %mul3A_342 = arith.constant 512 : i32
    %mul3A_343 = vector.broadcast %mul3A_342 : i32 to vector<1x24xi32>
    %mul3A_344 = arith.muli %iota3A_341, %mul3A_343 : vector<1x24xi32>
    %broadcast_in_dim3A_345 = arith.constant 0 : i32
    %broadcast_in_dim3A_346 = vector.broadcast %broadcast_in_dim3A_345 : i32 to vector<1x24xi32>
    %ge3A = vector.broadcast %add3A_180 : vector<1x1xi32> to vector<1x24xi32>
    %ge3A_347 = arith.cmpi sge, %mul3A_344, %ge3A : vector<1x24xi32>
    %convert_element_type3A_348 = arith.extui %ge3A_347 : vector<1x24xi1> to vector<1x24xi32>
    %add3A_349 = arith.addi %broadcast_in_dim3A_346, %convert_element_type3A_348 : vector<1x24xi32>
    %ge3A_350 = vector.broadcast %add3A_202 : vector<1x1xi32> to vector<1x24xi32>
    %ge3A_351 = arith.cmpi sge, %mul3A_344, %ge3A_350 : vector<1x24xi32>
    %convert_element_type3A_352 = arith.extui %ge3A_351 : vector<1x24xi1> to vector<1x24xi32>
    %add3A_353 = arith.addi %add3A_349, %convert_element_type3A_352 : vector<1x24xi32>
    %ge3A_354 = vector.broadcast %add3A_224 : vector<1x1xi32> to vector<1x24xi32>
    %ge3A_355 = arith.cmpi sge, %mul3A_344, %ge3A_354 : vector<1x24xi32>
    %convert_element_type3A_356 = arith.extui %ge3A_355 : vector<1x24xi1> to vector<1x24xi32>
    %add3A_357 = arith.addi %add3A_353, %convert_element_type3A_356 : vector<1x24xi32>
    %ge3A_358 = vector.broadcast %add3A_246 : vector<1x1xi32> to vector<1x24xi32>
    %ge3A_359 = arith.cmpi sge, %mul3A_344, %ge3A_358 : vector<1x24xi32>
    %convert_element_type3A_360 = arith.extui %ge3A_359 : vector<1x24xi1> to vector<1x24xi32>
    %add3A_361 = arith.addi %add3A_357, %convert_element_type3A_360 : vector<1x24xi32>
    %ge3A_362 = vector.broadcast %add3A_268 : vector<1x1xi32> to vector<1x24xi32>
    %ge3A_363 = arith.cmpi sge, %mul3A_344, %ge3A_362 : vector<1x24xi32>
    %convert_element_type3A_364 = arith.extui %ge3A_363 : vector<1x24xi1> to vector<1x24xi32>
    %add3A_365 = arith.addi %add3A_361, %convert_element_type3A_364 : vector<1x24xi32>
    %ge3A_366 = vector.broadcast %add3A_290 : vector<1x1xi32> to vector<1x24xi32>
    %ge3A_367 = arith.cmpi sge, %mul3A_344, %ge3A_366 : vector<1x24xi32>
    %convert_element_type3A_368 = arith.extui %ge3A_367 : vector<1x24xi1> to vector<1x24xi32>
    %add3A_369 = arith.addi %add3A_365, %convert_element_type3A_368 : vector<1x24xi32>
    %ge3A_370 = vector.broadcast %add3A_312 : vector<1x1xi32> to vector<1x24xi32>
    %ge3A_371 = arith.cmpi sge, %mul3A_344, %ge3A_370 : vector<1x24xi32>
    %convert_element_type3A_372 = arith.extui %ge3A_371 : vector<1x24xi1> to vector<1x24xi32>
    %add3A_373 = arith.addi %add3A_369, %convert_element_type3A_372 : vector<1x24xi32>
    %jit3A_374 = arith.constant 512 : i32
    %div3A_375 = vector.broadcast %jit3A_374 : i32 to vector<1x1xi32>
    %div3A_376 = arith.divsi %add3A_334, %div3A_375 : vector<1x1xi32>
    %sign3A_377 = arith.constant 0 : i32
    %sign3A_378 = vector.broadcast %sign3A_377 : i32 to vector<1x1xi32>
    %sign3A_379 = arith.cmpi sgt, %add3A_334, %sign3A_378 : vector<1x1xi32>
    %sign3A_380 = arith.extui %sign3A_379 : vector<1x1xi1> to vector<1x1xi32>
    %sign3A_381 = arith.constant 0 : i32
    %sign3A_382 = vector.broadcast %sign3A_381 : i32 to vector<1x1xi32>
    %sign3A_383 = arith.cmpi slt, %add3A_334, %sign3A_382 : vector<1x1xi32>
    %sign3A_384 = arith.extui %sign3A_383 : vector<1x1xi1> to vector<1x1xi32>
    %sign3A_385 = arith.subi %sign3A_380, %sign3A_384 : vector<1x1xi32>
    %sign3A_386 = arith.constant 0 : i32
    %sign3A_387 = arith.cmpi sgt, %jit3A_374, %sign3A_386 : i32
    %sign3A_388 = arith.extui %sign3A_387 : i1 to i32
    %sign3A_389 = arith.constant 0 : i32
    %sign3A_390 = arith.cmpi slt, %jit3A_374, %sign3A_389 : i32
    %sign3A_391 = arith.extui %sign3A_390 : i1 to i32
    %sign3A_392 = arith.subi %sign3A_388, %sign3A_391 : i32
    %ne3A_393 = vector.broadcast %sign3A_392 : i32 to vector<1x1xi32>
    %ne3A_394 = arith.cmpi ne, %sign3A_385, %ne3A_393 : vector<1x1xi32>
    %rem3A_395 = vector.broadcast %jit3A_374 : i32 to vector<1x1xi32>
    %rem3A_396 = arith.remsi %add3A_334, %rem3A_395 : vector<1x1xi32>
    %ne3A_397 = arith.constant 0 : i32
    %ne3A_398 = vector.broadcast %ne3A_397 : i32 to vector<1x1xi32>
    %ne3A_399 = arith.cmpi ne, %rem3A_396, %ne3A_398 : vector<1x1xi32>
    %and3A_400 = arith.andi %ne3A_394, %ne3A_399 : vector<1x1xi1>
    %sub3A_401 = arith.constant 1 : i32
    %sub3A_402 = vector.broadcast %sub3A_401 : i32 to vector<1x1xi32>
    %sub3A_403 = arith.subi %div3A_376, %sub3A_402 : vector<1x1xi32>
    %select_n3A_404 = arith.select %and3A_400, %sub3A_403, %div3A_376 : vector<1x1xi1>, vector<1x1xi32>
    %concatenate3A_405 = tpu.concatenate %add3A_373, %select_n3A_404 in 1 : vector<1x24xi32>, vector<1x1xi32> -> vector<1x25xi32>
    %swap3A_406 = arith.constant 0 : index
    %swap3A_407 = arith.constant 0 : index
    %swap3A_408 = vector.load %arg5[%swap3A_406, %swap3A_407] : memref<1x25xi32, #tpu.memory_space<vmem>>, vector<1x25xi32>
    tpu.vector_store %arg5[%swap3A_406, %swap3A_407], %concatenate3A_405 {strides = array<i32>} : memref<1x25xi32, #tpu.memory_space<vmem>>, vector<1x25xi32>,
    %get3A_409 = arith.constant 0 : index
    %get3A_410 = arith.constant 0 : index
    %get3A_411 = vector.load %arg0[%get3A_409, %get3A_410] : memref<4096x1024xf32, #tpu.memory_space<vmem>>, vector<4096x1024xf32>
    %convert_element_type3A_412 = arith.truncf %get3A_411 : vector<4096x1024xf32> to vector<4096x1024xbf16>
    %convert_element_type3A_413 = arith.extf %convert_element_type3A_412 : vector<4096x1024xbf16> to vector<4096x1024xf32>
    %bitcast_convert_type3A = tpu.bitcast %convert_element_type3A_413 : vector<4096x1024xf32> -> vector<4096x1024xi32>
    %slice3A_414 = vector.extract_strided_slice %bitcast_convert_type3A {offsets = [0, 0], sizes = [4096, 512], strides = [1, 1]} : vector<4096x1024xi32> to vector<4096x512xi32>
    %shift_right_logical3A = arith.constant 16 : i32
    %shift_right_logical3A_415 = vector.broadcast %shift_right_logical3A : i32 to vector<4096x512xi32>
    %shift_right_logical3A_416 = arith.shrui %slice3A_414, %shift_right_logical3A_415 : vector<4096x512xi32>
    %slice3A_417 = vector.extract_strided_slice %bitcast_convert_type3A {offsets = [0, 512], sizes = [4096, 512], strides = [1, 1]} : vector<4096x1024xi32> to vector<4096x512xi32>
    %or3A = arith.ori %shift_right_logical3A_416, %slice3A_417 : vector<4096x512xi32>
    %swap3A_418 = arith.constant 0 : index
    %swap3A_419 = arith.constant 0 : index
    %swap3A_420 = vector.load %arg6[%swap3A_418, %swap3A_419] : memref<4096x512xi32, #tpu.memory_space<vmem>>, vector<4096x512xi32>
    tpu.vector_store %arg6[%swap3A_418, %swap3A_419], %or3A {strides = array<i32>} : memref<4096x512xi32, #tpu.memory_space<vmem>>, vector<4096x512xi32>,
    return
  }
}

</mosaic_0001>

<sc_bundles>
// kernel: _moe.6.cloned.1.call-start
scs
__scs_entry_jumppad:
0x0: {  	(pc) =	sbr.rel $0x88, $3  }
0x1: {  	(tag) =	ssettag $0x0;
	lr =	simm.s32 $0x1  }
0x2: {  	[smem:$0x3F9C] =	sst lr;
	_ =	strace $0xD0000000  }
0x3: {  	_ = 	snop  }
0x4: {  	_ = 	snop  }
0x5: {  	_ = 	snop  }
0x6: {  	_ = 	snop  }
0x7: {  	_ = 	snop  }
__scs_overlays_trampoline_lowered:
0x8: {  	[smem:$0x3FAB] =	sst s0  }
0x9: {  	[smem:$0x3FAC] =	sst s1  }
0xa: {  	[smem:$0x3FAD] =	sst s2  }
0xb: {  	[smem:$0x3FAE] =	sst s3  }
0xc: {  	[smem:$0x3FAF] =	sst s4  }
0xd: {  	[smem:$0x3FB0] =	sst s5  }
0xe: {  	[smem:$0x3FB1] =	sst s6  }
0xf: {  	[smem:$0x3FB2] =	sst s7  }
0x10: {  	[smem:$0x3FB3] =	sst s8  }
0x11: {  	[smem:$0x3FB4] =	sst s9;
	s0 =	simm.s32 @!p0 $0x0  }
0x12: {  	s1 =	sld [smem:$0x3F9A];
	s0 =	simm.s32 @p0 $0x1  }
0x13: {  	[smem:$0x3FB5] =	sst s0;
	s0 =	simm.s32 @!p1 $0x0  }
0x14: {  	s2 =	sld [smem:$0x3F99];
	s0 =	simm.s32 @p1 $0x1  }
0x15: {  	[smem:$0x3FB6] =	sst s0;
	s0 =	simm.s32 @!p2 $0x0  }
0x16: {  	s3 =	sld [smem:$0x3FDB];
	s0 =	simm.s32 @p2 $0x1  }
0x17: {  	s4 =	simm.s32 $0x1BF5;
	[smem:$0x3FB8] =	sst s0  }
0x18: {  	s0 =	sld [smem:$0x3F9B];
	_ =	swait.ge [sflag:s4], $0x0  }
0x19: {  	s7 =	sld [smem:$0x3F9C]  }
0x1a: {  	s8 =	sadd.s32 $0xFFFFE003, lr  }
0x1b: {  	s9 =	sadd.s32 $0xFFFFFEF7, lr;
	s5 =	simm.s32 $0xFFFFFFFF;
	p2 =	slt.u32 s8, $0xFFFFF086  }
0x1c: {  	p1 =	slt.u32 s9, $0xF7A;
	s5 =	simm.s32 @!p2 $0x0  }
0x1d: {  	s5 =	simm.s32 @p1 $0x1;
	p0 =	seq.s32 s7, s2  }
0x1e: {  	s7 =	smul.u32 @!p0 $0xF7A, s2;
	p2 =	seq.s32 @!p0 s5, $0x0  }
0x1f: {  	s9 =	smul.u32 $0xF7A, s1;
	s8 =	simm.s32 @!p0 $0x1BF5;
	p2 =	por !p2, p0  }
0x20: {  	[sflag:s8] =	ssyncset.s32 @!p0 $0xFFFFF086;
	s6 =	sadd.s32 @!p0 s3, s7;
	s7 =	simm.s32 @!p0 $0x108  }
0x21: {  	s3 =	sadd.s32 s3, s9;
	s6 =	sadd.s32 @!p0 $0x88, s6;
	s7 =	simm.s32 @p2 $0x1082  }
0x22: {  	[simem:s7], [sflag:s8] =	dma.local @!p0 [hbm:s6], $0xF7A  }
0x23: {  	s9 =	sor.u32 $0xD0000000, s2;
	s6 =	simm.s32 $0x108;
	_ =	swait.ge @!p0 [sflag:s8], $0x0  }
0x24: {  	s3 =	sadd.s32 $0x88, s3;
	s6 =	simm.s32 @!p1 $0x1082;
	[sflag:s4] =	ssyncset.s32 $0xFFFFF086  }
0x25: {  	[simem:s6], [sflag:s4] =	dma.local [hbm:s3], $0xF7A  }
0x26: {  	[smem:$0x3F9C] =	sst s1;
	(tag) =	ssettag s2;
	_ =	strace s9  }
0x27: {  	s1 =	sld [smem:$0x3FAC]  }
0x28: {  	s2 =	sld [smem:$0x3FAD]  }
0x29: {  	s4 =	sld [smem:$0x3FAF]  }
0x2a: {  	p0 =	seq.s32 s5, $0x0;
	s5 =	sld [smem:$0x3FB0]  }
0x2b: {  	s6 =	sld [smem:$0x3FB1]  }
0x2c: {  	s7 =	sld [smem:$0x3FB2]  }
0x2d: {  	s3 =	simm.s32 $0x108;
	s8 =	sld [smem:$0x3FB3]  }
0x2e: {  	s3 =	simm.s32 @!p0 $0x1082;
	s9 =	sld [smem:$0x3FB4]  }
0x2f: {  	lr =	sadd.s32 s0, s3;
	s0 =	sld [smem:$0x3FAB]  }
0x30: {  	s3 =	sld [smem:$0x3FAE]  }
0x31: {  	[smem:$0x3FB7] =	sst s10  }
0x32: {  	s10 =	sld [smem:$0x3FB5];
	_ =	sdelay $0x3  }
0x33: {  	p0 =	seq.s32 s10, $0x1;
	s10 =	sld [smem:$0x3FB7];
	_ =	sdelay $0x3  }
0x34: {  	[smem:$0x3FB7] =	sst s10  }
0x35: {  	s10 =	sld [smem:$0x3FB6];
	_ =	sdelay $0x3  }
0x36: {  	p1 =	seq.s32 s10, $0x1;
	s10 =	sld [smem:$0x3FB7];
	_ =	sdelay $0x3  }
0x37: {  	[smem:$0x3FB7] =	sst s10  }
0x38: {  	s10 =	sld [smem:$0x3FB8]  }
0x39: {  	_ = 	snop;
	(pc) =	sbr.ind lr, $3  }
0x3a: {  	_ = 	snop  }
0x3b: {  	_ = 	snop  }
0x3c: {  	p2 =	seq.s32 s10, $0x1;
	s10 =	sld [smem:$0x3FB7]  }
0x3d: {  	_ =	shalt  }
0x3e: {  	_ =	shalt  }
0x3f: {  	_ =	shalt  }
0x40: {  	_ =	shalt  }
0x41: {  	_ =	shalt  }
0x42: {  	_ =	shalt  }
0x43: {  	_ =	shalt  }
0x44: {  	_ =	shalt  }
0x45: {  	_ =	shalt  }
0x46: {  	_ =	shalt  }
0x47: {  	_ =	shalt  }
0x48: {  	_ =	shalt  }
0x49: {  	_ =	shalt  }
0x4a: {  	_ =	shalt  }
0x4b: {  	_ =	shalt  }
0x4c: {  	_ =	shalt  }
0x4d: {  	_ =	shalt  }
0x4e: {  	_ =	shalt  }
0x4f: {  	_ =	shalt  }
0x50: {  	_ =	shalt  }
0x51: {  	_ =	shalt  }
0x52: {  	_ =	shalt  }
0x53: {  	_ =	shalt  }
0x54: {  	_ =	shalt  }
0x55: {  	_ =	shalt  }
0x56: {  	_ =	shalt  }
0x57: {  	_ =	shalt  }
0x58: {  	_ =	shalt  }
0x59: {  	_ =	shalt  }
0x5a: {  	_ =	shalt  }
0x5b: {  	_ =	shalt  }
0x5c: {  	_ =	shalt  }
0x5d: {  	_ =	shalt  }
0x5e: {  	_ =	shalt  }
0x5f: {  	_ =	shalt  }
0x60: {  	_ =	shalt  }
0x61: {  	_ =	shalt  }
0x62: {  	_ =	shalt  }
0x63: {  	_ =	shalt  }
0x64: {  	_ =	shalt  }
0x65: {  	_ =	shalt  }
0x66: {  	_ =	shalt  }
0x67: {  	_ =	shalt  }
0x68: {  	_ =	shalt  }
0x69: {  	_ =	shalt  }
0x6a: {  	_ =	shalt  }
0x6b: {  	_ =	shalt  }
0x6c: {  	_ =	shalt  }
0x6d: {  	_ =	shalt  }
0x6e: {  	_ =	shalt  }
0x6f: {  	_ =	shalt  }
0x70: {  	_ =	shalt  }
0x71: {  	_ =	shalt  }
0x72: {  	_ =	shalt  }
0x73: {  	_ =	shalt  }
0x74: {  	_ =	shalt  }
0x75: {  	_ =	shalt  }
0x76: {  	_ =	shalt  }
0x77: {  	_ =	shalt  }
0x78: {  	_ =	shalt  }
0x79: {  	_ =	shalt  }
0x7a: {  	_ =	shalt  }
0x7b: {  	_ =	shalt  }
0x7c: {  	_ =	shalt  }
0x7d: {  	_ =	shalt  }
0x7e: {  	_ =	shalt  }
0x7f: {  	_ =	shalt  }
0x80: {  	_ =	shalt  }
0x81: {  	_ =	shalt  }
0x82: {  	_ =	shalt  }
0x83: {  	_ =	shalt  }
0x84: {  	_ =	shalt  }
0x85: {  	_ =	shalt  }
0x86: {  	_ =	shalt  }
0x87: {  	_ =	shalt  }
.Lfunc_end0:
.L_simem_size_0:
called_computation_lowered:
.L_overlay_start_0:
0x88: {  	s2 =	sld [smem:$0x3FD9]  }
0x89: {  	s3 =	sld [smem:$0x3FFE];
	_ =	sdelay $0x1  }
0x8a: {  	s1 =	srdreg.scid  }
0x8b: {  	s0 =	sand.u32 $0x1, s1  }
0x8c: {  	s14 =	sshll.u32 s0, $0xA;
	s2 =	sadd.s32 s3, s2  }
0x8d: {  	s2 =	sadd.s32 s2, s14  }
0x8e: {  	[smem:$0x3FC3] =	sst s2  }
0x8f: {  	_ = 	snop  }
0x90: {  	s2 =	sld [smem:$0x3FD0];
	_ =	sdelay $0x2  }
0x91: {  	s15 =	simm.s32 $0xA;
	s4 =	simm.s32 $0x10  }
0x92: {  	[smem:s4], [sflag:s15] =	dma.local [hbm:s2], $0x1  }
0x93: {  	_ =	swait.eq [sflag:s15], $0x1  }
0x94: {  	[sflag:s15] =	ssyncset.done $0x0  }
0x95: {  	[sflag:s15] =	ssyncadd.s32 $0xFFFFFFFF  }
0x96: {  	s16 =	sld [smem:$0x11];
	(tm) =	ssettm $0x1  }
0x97: {  	s17 =	sld [smem:$0x3FFB];
	_ =	sdelay $0x3  }
0x98: {  	_ =	strace s17  }
0x99: {  	s3 =	sld [smem:$0x3FFC];
	_ =	sdelay $0x3  }
0x9a: {  	_ =	strace s3  }
0x9b: {  	s3 =	sld [smem:$0x3FFD];
	_ =	sdelay $0x3  }
0x9c: {  	_ =	strace s3  }
0x9d: {  	_ =	strace $0x8FFFFFFF  }
0x9e: {  	s18 =	sld [smem:$0x3FDB];
	_ =	sdelay $0x1  }
0x9f: {  	s19 =	simm.s32 $_scs_section_size  }
0xa0: {  	s5 =	simm.s32 $_size__tile_overlayer_lowered;
	s6 =	simm.s32 $_tile_overlayer_lowered  }
0xa1: {  	s22 =	simm.s32 $0x1BFF;
	s21 =	sshll.u32 s6, $0x1;
	s3 =	sadd.s32 s19, s18  }
0xa2: {  	s7 =	simm.s32 $0x0;
	s20 =	sshll.u32 s5, $0x1;
	s5 =	sadd.s32 s21, s3  }
0xa3: {  	[timem:s7], [sflag:s22] =	dma.local [hbm:s5], s20  }
0xa4: {  	_ =	swait.ge [sflag:s22], s20  }
0xa5: {  	s4 =	ssub.s32 $0x0, s20;
	[sflag:s22] =	ssyncset.done $0x0  }
0xa6: {  	[sflag:s22] =	ssyncadd.s32 s4;
	_ =	sdelay $0x1  }
0xa7: {  	s23 =	simm.s32 $0x1B8B  }
0xa8: {  	_ =	swait.ge [sflag:s23], $0x1  }
0xa9: {  	[sflag:s23] =	ssyncset.done $0x0  }
0xaa: {  	s25 =	simm.s32 $0x1B8E;
	s24 =	sld [smem:$0x3FFE];
	[sflag:s23] =	ssyncadd.s32 $0xFFFFFFFF  }
0xab: {  	s26 =	simm.s32 $execute0_lowered;
	[smem:$0x3FD2] =	sst s25  }
0xac: {  	s5 =	sshll.u32 s26, $0x1;
	_ =	strace $0x80000046;
	[dreg:$0x1] =	wrdreg $0xFFFFFFFF  }
0xad: {  	s28 =	simm.s32 $_size_execute0_lowered;
	s3 =	sadd.s32 s3, s5;
	[dreg:$0x0] =	wrdreg $0x0  }
0xae: {  	s5 =	sshll.u32 s28, $0x1;
	[dreg:$0x2] =	wrdreg s3  }
0xaf: {  	[dreg:$0x3] =	wrdreg s5  }
0xb0: {  	[dreg:$0x4] =	wrdreg $0xC0  }
0xb1: {  	_ =	task [dreg:s7], $0x5FFFF  }
0xb2: {  	[dreg:$0x1] =	wrdreg $0xFFFFFFFF  }
0xb3: {  	[dreg:$0x0] =	wrdreg $0x60  }
0xb4: {  	[dreg:$0x2] =	wrdreg s24  }
0xb5: {  	[dreg:$0x3] =	wrdreg s16  }
0xb6: {  	[dreg:$0x4] =	wrdreg $0x9  }
0xb7: {  	_ =	task.clear_ibuf [dreg:s7], $0x5FFFF;
	_ =	strace $0x90000046  }
0xb8: {  	s29 =	simm.s32 $0x9;
	_ =	strace $0x80000048  }
0xb9: {  	_ =	swait.ge [sflag:s29], $0x1  }
0xba: {  	[sflag:s29] =	ssyncadd.s32 $0xFFFFFFFF  }
0xbb: {  	_ =	strace $0x90000048  }
0xbc: {  	_ =	sfence  }
0xbd: {  	s30 =	sld [smem:$0x0];
	_ =	sdelay $0x2  }
0xbe: {  	s31 =	sshll.u32 s1, $0xD;
	s1 =	sshrl.u32 s1, $0x2  }
0xbf: {  	s3 =	sand.u32 $0x4000, s31;
	s1 =	sadd.s32 s1, s30  }
0xc0: {  	s0 =	sor.u32 s3, s0;
	s1 =	sshll.u32 s1, $0x11  }
0xc1: {  	s0 =	sor.u32 s1, s0  }
0xc2: {  	s0 =	sadd.s32 $0x8F2B, s0  }
0xc3: {  	[sflag:s0] =	ssyncadd.remote.s32 $0x1  }
0xc4: {  	_ =	sfence.sel $0xFFFF  }
0xc5: {  	[dreg:$0x0] =	wrdreg $0xFFFFFFFF;
	(pc) =	sbr.abs _section_cstart, $3  }
0xc6: {  	[dreg:$0x1] =	wrdreg $0xFFFFFFFF  }
0xc7: {  	_ =	task.clear_ibuf [dreg:s7], $0x2FFFF;
	_ =	strace $0x9FFFFFFF  }
0xc8: {  	(tm) =	ssettm $0x7FFFFFFF  }
0xc9: {  	_ =	shalt  }
tec
execute0_lowered:
.L_overlay_start_1:
0x0: {  	(tag) =	ssettag $0x1  }
0x1: {  	s1 =	srdreg.scid;
	s4 =	rddreg [dreg:$0x0]  }
0x2: {  	s0 =	stileid.u32;
	s2 =	rddreg [dreg:$0x1];
	s8 =	simm.s32 $0x100  }
0x3: {  	s9 =	simm.s32 $0x2100;
	s10 =	simm.s32 $0x1;
	s11 =	simm.s32 $0x900  }
0x4: {  	s12 =	simm.s32 $0x1100;
	s13 =	simm.s32 $0x1900;
	s1 =	sand.u32 $0x1, s1  }
0x5: {  	s14 =	simm.s32 $0x4100;
	s3 =	sshll.u32 s0, $0x8;
	s5 =	sshll.u32 s1, $0x7  }
0x6: {  	s15 =	simm.s32 $0x2;
	s16 =	simm.s32 $0x2900;
	s5 =	sor.u32 s5, s3  }
0x7: {  	s28 =	simm.s32 $0x7100;
	s3 =	simm.s32 $0x0;
	s6 =	sshrl.u32 s5, $0x2  }
0x8: {  	s29 =	simm.s32 $0x7900;
	[smem:$0x7FF] =	sst s3;
	s6 =	sadd.s32 s6, s4  }
0x9: {  	s5 =	sshll.u32 s5, $0x6;
	_ =	strace $0x80000047;
	s7 =	sadd.s32 $0x41000, s6  }
0xa: {  	s4 =	sadd.s32 s5, s4;
	s17 =	sadd.s32 $0x41010, s6;
	[dreg:$0x3] =	wrdreg s7  }
0xb: {  	s30 =	simm.s32 $0x6;
	s18 =	sadd.s32 $0x1000, s4;
	[dreg:$0x4] =	wrdreg s17  }
0xc: {  	s31 =	simm.s32 $0x7;
	s19 =	sadd.s32 $0x1400, s4;
	[dreg:$0x5] =	wrdreg s18  }
0xd: {  	s1 =	ssub.s32 $0x2, s1;
	s20 =	sadd.s32 $0x1800, s4;
	[dreg:$0x6] =	wrdreg s19  }
0xe: {  	s25 =	sshrl.u32 s1, $0x1;
	s21 =	sadd.s32 $0x1C00, s4;
	[dreg:$0x7] =	wrdreg s20  }
0xf: {  	s1 =	ssub.s32 s1, s25;
	s22 =	sadd.s32 $0x2000, s4;
	[dreg:$0x8] =	wrdreg s21  }
0x10: {  	s25 =	simm.s32 $0x4;
	s23 =	sadd.s32 $0x2400, s4;
	[dreg:$0x9] =	wrdreg s22  }
0x11: {  	s5 =	smax.u32 s1, $0x1;
	s24 =	sadd.s32 $0x2800, s4;
	[dreg:$0xa] =	wrdreg s23  }
0x12: {  	s1 =	simm.s32 $0x8;
	s26 =	sadd.s32 $0x2C00, s4;
	[dreg:$0xb] =	wrdreg s24  }
0x13: {  	s4 =	sadd.s32 $0x100, s2;
	s6 =	simm.s32 $0x9;
	[dreg:$0xc] =	wrdreg s26  }
0x14: {  	v2 =	vlaneseq.u32;
	s17 =	simm.s32 $0x3100;
	s18 =	simm.s32 $0x3900;
	s19 =	simm.s32 $0x6100  }
0x15: {  	vm0 =	vmmov $0xffff;
	v1 =	vshrl.u32 v2, $0x3;
	s20 =	simm.s32 $0x3;
	s21 =	simm.s32 $0x4900;
	s22 =	simm.s32 $0x5100  }
0x16: {  	v0 =	vand.u32 $0x7, v2;
	v2 =	vor.u32 $0x8, v2;
	v1 =	vmul.u32 $0x8, v1;
	s23 =	simm.s32 $0x5900;
	s24 =	simm.s32 $0x5;
	s26 =	simm.s32 $0x6900  }
.LBB2_1:
0x17: {  	s0 =	rddreg [dreg:$0x3]  }
0x18: {  	[tilespmem:s3], [sflag:$0x9] =	stream.linear.gather [hbm4b:s0+s3], $0x80, $0x38;
	[tilespmem:$0x8100] =	vst v63  }
0x19: {  	_ =	swait.ge [sflag:s6], $0x80  }
0x1a: {  	[sflag:s6] =	ssyncset.done $0x0  }
0x1b: {  	s7 =	simm.s32 $0x80;
	s0 =	rddreg [dreg:$0x4];
	[sflag:s6] =	ssyncadd.s32 $0xFFFFFF80  }
0x1c: {  	[tilespmem:s7], [sflag:$0x9] =	stream.linear.gather [hbm4b:s0+s3], $0x80, $0x38;
	[tilespmem:$0x8100] =	vst v63  }
0x1d: {  	_ =	swait.ge [sflag:s6], $0x80  }
0x1e: {  	[sflag:s6] =	ssyncset.done $0x0  }
0x1f: {  	s0 =	rddreg [dreg:$0x5];
	[sflag:s6] =	ssyncadd.s32 $0xFFFFFF80  }
0x20: {  	[tilespmem:s8], [sflag:$0x1] =	stream.linear.gather [hbm4b:s0+s3], $0x2000, $0x38;
	[tilespmem:$0x8100] =	vst v63  }
0x21: {  	s7 =	rddreg [dreg:$0x6]  }
0x22: {  	[tilespmem:s9], [sflag:$0x2] =	stream.linear.gather [hbm4b:s7+s3], $0x2000, $0x38;
	[tilespmem:$0x8100] =	vst v63  }
0x23: {  	_ =	swait.ge [sflag:s10], $0x2000  }
0x24: {  	[sflag:s10] =	ssyncset.done $0x0  }
0x25: {  	[sflag:s10] =	ssyncadd.s32 $0xFFFFE000  }
0x26: {  	v3 =	vld [tilespmem:$0x0];
	_ =	sdelay $0x4  }
0x27: {  	v4 =	vshll.u32 v3, $0x2  }
0x28: {  	v3 =	vand.u32 $0x7, v3;
	v4 =	vand.u32 $0xFFFFFFE0, v4  }
0x29: {  	v3 =	vor.u32 v3, v4  }
0x2a: {  	v27 =	vld [tilespmem:$0x80];
	v5 =	vperm.xlane v3, v0;
	_ =	sdelay $0x1  }
0x2b: {  	v5 =	vadd.s32 v1, v5;
	_ =	sdelay $0x1  }
0x2c: {  	v3 =	vperm.xlane v3, v2  }
0x2d: {  	v6 =	vshll.u32 v27, $0x2  }
0x2e: {  	v6 =	vand.u32 $0xFFFFFFE0, v6;
	v4 =	vand.u32 $0x7, v27;
	v3 =	vadd.s32 v1, v3  }
0x2f: {  	v4 =	vor.u32 v4, v6;
	[hbm4b:s2+s3] =	stream.indirect_vreg.scatter [tilespmem:s8], [sflag:$0x5], $0x80, v5, vm0, $0xb8;
	[tilespmem:$0x8100] =	vst v63  }
0x30: {  	v6 =	vperm.xlane v4, v0  }
0x31: {  	[hbm4b:s4+s3] =	stream.indirect_vreg.scatter [tilespmem:s11], [sflag:$0x5], $0x80, v5, vm0, $0xb8;
	[tilespmem:$0x8100] =	vst v63  }
0x32: {  	v28 =	vadd.s32 v1, v6  }
0x33: {  	[hbm4b:s2+s3] =	stream.indirect_vreg.scatter [tilespmem:s12], [sflag:$0x5], $0x80, v3, vm0, $0xb8;
	[tilespmem:$0x8100] =	vst v63  }
0x34: {  	v4 =	vperm.xlane v4, v2  }
0x35: {  	[hbm4b:s4+s3] =	stream.indirect_vreg.scatter [tilespmem:s13], [sflag:$0x5], $0x80, v3, vm0, $0xb8;
	[tilespmem:$0x8100] =	vst v63  }
0x36: {  	v3 =	vadd.s32 v1, v4  }
0x37: {  	[hbm4b:s2+s3] =	stream.indirect_vreg.scatter [tilespmem:s8], [sflag:$0x5], $0x80, v28, vm0, $0xb8;
	[tilespmem:$0x8100] =	vst v63  }
0x38: {  	_ = 	snop  }
0x39: {  	[hbm4b:s4+s3] =	stream.indirect_vreg.scatter [tilespmem:s11], [sflag:$0x5], $0x80, v28, vm0, $0xb8;
	[tilespmem:$0x8100] =	vst v63  }
0x3a: {  	_ = 	snop  }
0x3b: {  	[hbm4b:s2+s3] =	stream.indirect_vreg.scatter [tilespmem:s12], [sflag:$0x5], $0x80, v3, vm0, $0xb8;
	[tilespmem:$0x8100] =	vst v63  }
0x3c: {  	_ = 	snop  }
0x3d: {  	[hbm4b:s4+s3] =	stream.indirect_vreg.scatter [tilespmem:s13], [sflag:$0x5], $0x80, v3, vm0, $0xb8;
	[tilespmem:$0x8100] =	vst v63  }
0x3e: {  	s7 =	rddreg [dreg:$0x7]  }
0x3f: {  	[tilespmem:s14], [sflag:$0x3] =	stream.linear.gather [hbm4b:s7+s3], $0x2000, $0x38;
	[tilespmem:$0x8100] =	vst v63  }
0x40: {  	_ =	swait.ge [sflag:s15], $0x2000  }
0x41: {  	[sflag:s15] =	ssyncset.done $0x0  }
0x42: {  	[sflag:s15] =	ssyncadd.s32 $0xFFFFE000  }
0x43: {  	v3 =	vld [tilespmem:$0x10];
	_ =	sdelay $0x4  }
0x44: {  	v29 =	vshll.u32 v3, $0x2  }
0x45: {  	v3 =	vand.u32 $0x7, v3;
	v4 =	vand.u32 $0xFFFFFFE0, v29  }
0x46: {  	v3 =	vor.u32 v3, v4  }
0x47: {  	v30 =	vld [tilespmem:$0x90];
	v31 =	vperm.xlane v3, v0;
	_ =	sdelay $0x1  }
0x48: {  	v5 =	vadd.s32 v1, v31;
	_ =	sdelay $0x1  }
0x49: {  	v3 =	vperm.xlane v3, v2  }
0x4a: {  	v32 =	vshll.u32 v30, $0x2  }
0x4b: {  	v6 =	vand.u32 $0xFFFFFFE0, v32;
	v4 =	vand.u32 $0x7, v30;
	v3 =	vadd.s32 v1, v3  }
0x4c: {  	v4 =	vor.u32 v4, v6;
	[hbm4b:s2+s3] =	stream.indirect_vreg.scatter [tilespmem:s9], [sflag:$0x6], $0x80, v5, vm0, $0xb8;
	[tilespmem:$0x8100] =	vst v63  }
0x4d: {  	v6 =	vperm.xlane v4, v0  }
0x4e: {  	[hbm4b:s4+s3] =	stream.indirect_vreg.scatter [tilespmem:s16], [sflag:$0x6], $0x80, v5, vm0, $0xb8;
	[tilespmem:$0x8100] =	vst v63  }
0x4f: {  	v33 =	vadd.s32 v1, v6  }
0x50: {  	[hbm4b:s2+s3] =	stream.indirect_vreg.scatter [tilespmem:s17], [sflag:$0x6], $0x80, v3, vm0, $0xb8;
	[tilespmem:$0x8100] =	vst v63  }
0x51: {  	v4 =	vperm.xlane v4, v2  }
0x52: {  	[hbm4b:s4+s3] =	stream.indirect_vreg.scatter [tilespmem:s18], [sflag:$0x6], $0x80, v3, vm0, $0xb8;
	[tilespmem:$0x8100] =	vst v63  }
0x53: {  	v3 =	vadd.s32 v1, v4  }
0x54: {  	[hbm4b:s2+s3] =	stream.indirect_vreg.scatter [tilespmem:s9], [sflag:$0x6], $0x80, v33, vm0, $0xb8;
	[tilespmem:$0x8100] =	vst v63  }
0x55: {  	_ = 	snop  }
0x56: {  	[hbm4b:s4+s3] =	stream.indirect_vreg.scatter [tilespmem:s16], [sflag:$0x6], $0x80, v33, vm0, $0xb8;
	[tilespmem:$0x8100] =	vst v63  }
0x57: {  	_ = 	snop  }
0x58: {  	[hbm4b:s2+s3] =	stream.indirect_vreg.scatter [tilespmem:s17], [sflag:$0x6], $0x80, v3, vm0, $0xb8;
	[tilespmem:$0x8100] =	vst v63  }
0x59: {  	_ = 	snop  }
0x5a: {  	[hbm4b:s4+s3] =	stream.indirect_vreg.scatter [tilespmem:s18], [sflag:$0x6], $0x80, v3, vm0, $0xb8;
	[tilespmem:$0x8100] =	vst v63  }
0x5b: {  	s7 =	rddreg [dreg:$0x8]  }
0x5c: {  	[tilespmem:s19], [sflag:$0x4] =	stream.linear.gather [hbm4b:s7+s3], $0x2000, $0x38;
	[tilespmem:$0x8100] =	vst v63  }
0x5d: {  	_ =	swait.ge [sflag:s20], $0x2000  }
0x5e: {  	[sflag:s20] =	ssyncset.done $0x0  }
0x5f: {  	[sflag:s20] =	ssyncadd.s32 $0xFFFFE000  }
0x60: {  	v3 =	vld [tilespmem:$0x20];
	_ =	sdelay $0x4  }
0x61: {  	v34 =	vshll.u32 v3, $0x2  }
0x62: {  	v3 =	vand.u32 $0x7, v3;
	v4 =	vand.u32 $0xFFFFFFE0, v34  }
0x63: {  	v3 =	vor.u32 v3, v4  }
0x64: {  	v35 =	vld [tilespmem:$0xA0];
	v36 =	vperm.xlane v3, v0;
	_ =	sdelay $0x1  }
0x65: {  	v5 =	vadd.s32 v1, v36;
	_ =	sdelay $0x1  }
0x66: {  	v3 =	vperm.xlane v3, v2  }
0x67: {  	v37 =	vshll.u32 v35, $0x2  }
0x68: {  	v6 =	vand.u32 $0xFFFFFFE0, v37;
	v4 =	vand.u32 $0x7, v35;
	v3 =	vadd.s32 v1, v3  }
0x69: {  	v4 =	vor.u32 v4, v6;
	[hbm4b:s2+s3] =	stream.indirect_vreg.scatter [tilespmem:s14], [sflag:$0x7], $0x80, v5, vm0, $0xb8;
	[tilespmem:$0x8100] =	vst v63  }
0x6a: {  	v6 =	vperm.xlane v4, v0  }
0x6b: {  	[hbm4b:s4+s3] =	stream.indirect_vreg.scatter [tilespmem:s21], [sflag:$0x7], $0x80, v5, vm0, $0xb8;
	[tilespmem:$0x8100] =	vst v63  }
0x6c: {  	v38 =	vadd.s32 v1, v6  }
0x6d: {  	[hbm4b:s2+s3] =	stream.indirect_vreg.scatter [tilespmem:s22], [sflag:$0x7], $0x80, v3, vm0, $0xb8;
	[tilespmem:$0x8100] =	vst v63  }
0x6e: {  	v4 =	vperm.xlane v4, v2  }
0x6f: {  	[hbm4b:s4+s3] =	stream.indirect_vreg.scatter [tilespmem:s23], [sflag:$0x7], $0x80, v3, vm0, $0xb8;
	[tilespmem:$0x8100] =	vst v63  }
0x70: {  	v3 =	vadd.s32 v1, v4  }
0x71: {  	[hbm4b:s2+s3] =	stream.indirect_vreg.scatter [tilespmem:s14], [sflag:$0x7], $0x80, v38, vm0, $0xb8;
	[tilespmem:$0x8100] =	vst v63  }
0x72: {  	_ = 	snop  }
0x73: {  	[hbm4b:s4+s3] =	stream.indirect_vreg.scatter [tilespmem:s21], [sflag:$0x7], $0x80, v38, vm0, $0xb8;
	[tilespmem:$0x8100] =	vst v63  }
0x74: {  	_ = 	snop  }
0x75: {  	[hbm4b:s2+s3] =	stream.indirect_vreg.scatter [tilespmem:s22], [sflag:$0x7], $0x80, v3, vm0, $0xb8;
	[tilespmem:$0x8100] =	vst v63  }
0x76: {  	_ = 	snop  }
0x77: {  	[hbm4b:s4+s3] =	stream.indirect_vreg.scatter [tilespmem:s23], [sflag:$0x7], $0x80, v3, vm0, $0xb8;
	[tilespmem:$0x8100] =	vst v63  }
0x78: {  	_ =	swait.ge [sflag:s24], $0x2000  }
0x79: {  	[sflag:s24] =	ssyncset.done $0x0  }
0x7a: {  	[sflag:s24] =	ssyncadd.s32 $0xFFFFE000  }
0x7b: {  	_ =	swait.ge [sflag:s24], $0x2000  }
0x7c: {  	[sflag:s24] =	ssyncset.done $0x0  }
0x7d: {  	s7 =	rddreg [dreg:$0x9];
	[sflag:s24] =	ssyncadd.s32 $0xFFFFE000  }
0x7e: {  	[tilespmem:s8], [sflag:$0x1] =	stream.linear.gather [hbm4b:s7+s3], $0x2000, $0x38;
	[tilespmem:$0x8100] =	vst v63  }
0x7f: {  	_ =	swait.ge [sflag:s25], $0x2000  }
0x80: {  	[sflag:s25] =	ssyncset.done $0x0  }
0x81: {  	[sflag:s25] =	ssyncadd.s32 $0xFFFFE000  }
0x82: {  	v3 =	vld [tilespmem:$0x30];
	_ =	sdelay $0x4  }
0x83: {  	v39 =	vshll.u32 v3, $0x2  }
0x84: {  	v3 =	vand.u32 $0x7, v3;
	v4 =	vand.u32 $0xFFFFFFE0, v39  }
0x85: {  	v3 =	vor.u32 v3, v4  }
0x86: {  	v40 =	vld [tilespmem:$0xB0];
	v41 =	vperm.xlane v3, v0;
	_ =	sdelay $0x1  }
0x87: {  	v5 =	vadd.s32 v1, v41;
	_ =	sdelay $0x1  }
0x88: {  	v3 =	vperm.xlane v3, v2  }
0x89: {  	v42 =	vshll.u32 v40, $0x2  }
0x8a: {  	v6 =	vand.u32 $0xFFFFFFE0, v42;
	v4 =	vand.u32 $0x7, v40;
	v3 =	vadd.s32 v1, v3  }
0x8b: {  	v4 =	vor.u32 v4, v6;
	[hbm4b:s2+s3] =	stream.indirect_vreg.scatter [tilespmem:s19], [sflag:$0x8], $0x80, v5, vm0, $0xb8;
	[tilespmem:$0x8100] =	vst v63  }
0x8c: {  	v6 =	vperm.xlane v4, v0  }
0x8d: {  	[hbm4b:s4+s3] =	stream.indirect_vreg.scatter [tilespmem:s26], [sflag:$0x8], $0x80, v5, vm0, $0xb8;
	[tilespmem:$0x8100] =	vst v63  }
0x8e: {  	v43 =	vadd.s32 v1, v6  }
0x8f: {  	[hbm4b:s2+s3] =	stream.indirect_vreg.scatter [tilespmem:s28], [sflag:$0x8], $0x80, v3, vm0, $0xb8;
	[tilespmem:$0x8100] =	vst v63  }
0x90: {  	v4 =	vperm.xlane v4, v2  }
0x91: {  	[hbm4b:s4+s3] =	stream.indirect_vreg.scatter [tilespmem:s29], [sflag:$0x8], $0x80, v3, vm0, $0xb8;
	[tilespmem:$0x8100] =	vst v63  }
0x92: {  	v3 =	vadd.s32 v1, v4  }
0x93: {  	[hbm4b:s2+s3] =	stream.indirect_vreg.scatter [tilespmem:s19], [sflag:$0x8], $0x80, v43, vm0, $0xb8;
	[tilespmem:$0x8100] =	vst v63  }
0x94: {  	_ = 	snop  }
0x95: {  	[hbm4b:s4+s3] =	stream.indirect_vreg.scatter [tilespmem:s26], [sflag:$0x8], $0x80, v43, vm0, $0xb8;
	[tilespmem:$0x8100] =	vst v63  }
0x96: {  	_ = 	snop  }
0x97: {  	[hbm4b:s2+s3] =	stream.indirect_vreg.scatter [tilespmem:s28], [sflag:$0x8], $0x80, v3, vm0, $0xb8;
	[tilespmem:$0x8100] =	vst v63  }
0x98: {  	_ = 	snop  }
0x99: {  	[hbm4b:s4+s3] =	stream.indirect_vreg.scatter [tilespmem:s29], [sflag:$0x8], $0x80, v3, vm0, $0xb8;
	[tilespmem:$0x8100] =	vst v63  }
0x9a: {  	_ =	swait.ge [sflag:s30], $0x2000  }
0x9b: {  	[sflag:s30] =	ssyncset.done $0x0  }
0x9c: {  	[sflag:s30] =	ssyncadd.s32 $0xFFFFE000  }
0x9d: {  	_ =	swait.ge [sflag:s30], $0x2000  }
0x9e: {  	[sflag:s30] =	ssyncset.done $0x0  }
0x9f: {  	s7 =	rddreg [dreg:$0xa];
	[sflag:s30] =	ssyncadd.s32 $0xFFFFE000  }
0xa0: {  	[tilespmem:s9], [sflag:$0x2] =	stream.linear.gather [hbm4b:s7+s3], $0x2000, $0x38;
	[tilespmem:$0x8100] =	vst v63  }
0xa1: {  	_ =	swait.ge [sflag:s10], $0x2000  }
0xa2: {  	[sflag:s10] =	ssyncset.done $0x0  }
0xa3: {  	[sflag:s10] =	ssyncadd.s32 $0xFFFFE000  }
0xa4: {  	v3 =	vld [tilespmem:$0x40];
	_ =	sdelay $0x4  }
0xa5: {  	v44 =	vshll.u32 v3, $0x2  }
0xa6: {  	v3 =	vand.u32 $0x7, v3;
	v4 =	vand.u32 $0xFFFFFFE0, v44  }
0xa7: {  	v3 =	vor.u32 v3, v4  }
0xa8: {  	v45 =	vld [tilespmem:$0xC0];
	v46 =	vperm.xlane v3, v0;
	_ =	sdelay $0x1  }
0xa9: {  	v5 =	vadd.s32 v1, v46;
	_ =	sdelay $0x1  }
0xaa: {  	v3 =	vperm.xlane v3, v2  }
0xab: {  	v47 =	vshll.u32 v45, $0x2  }
0xac: {  	v6 =	vand.u32 $0xFFFFFFE0, v47;
	v4 =	vand.u32 $0x7, v45;
	v3 =	vadd.s32 v1, v3  }
0xad: {  	v4 =	vor.u32 v4, v6;
	[hbm4b:s2+s3] =	stream.indirect_vreg.scatter [tilespmem:s8], [sflag:$0x5], $0x80, v5, vm0, $0xb8;
	[tilespmem:$0x8100] =	vst v63  }
0xae: {  	v6 =	vperm.xlane v4, v0  }
0xaf: {  	[hbm4b:s4+s3] =	stream.indirect_vreg.scatter [tilespmem:s11], [sflag:$0x5], $0x80, v5, vm0, $0xb8;
	[tilespmem:$0x8100] =	vst v63  }
0xb0: {  	v48 =	vadd.s32 v1, v6  }
0xb1: {  	[hbm4b:s2+s3] =	stream.indirect_vreg.scatter [tilespmem:s12], [sflag:$0x5], $0x80, v3, vm0, $0xb8;
	[tilespmem:$0x8100] =	vst v63  }
0xb2: {  	v4 =	vperm.xlane v4, v2  }
0xb3: {  	[hbm4b:s4+s3] =	stream.indirect_vreg.scatter [tilespmem:s13], [sflag:$0x5], $0x80, v3, vm0, $0xb8;
	[tilespmem:$0x8100] =	vst v63  }
0xb4: {  	v3 =	vadd.s32 v1, v4  }
0xb5: {  	[hbm4b:s2+s3] =	stream.indirect_vreg.scatter [tilespmem:s8], [sflag:$0x5], $0x80, v48, vm0, $0xb8;
	[tilespmem:$0x8100] =	vst v63  }
0xb6: {  	_ = 	snop  }
0xb7: {  	[hbm4b:s4+s3] =	stream.indirect_vreg.scatter [tilespmem:s11], [sflag:$0x5], $0x80, v48, vm0, $0xb8;
	[tilespmem:$0x8100] =	vst v63  }
0xb8: {  	_ = 	snop  }
0xb9: {  	[hbm4b:s2+s3] =	stream.indirect_vreg.scatter [tilespmem:s12], [sflag:$0x5], $0x80, v3, vm0, $0xb8;
	[tilespmem:$0x8100] =	vst v63  }
0xba: {  	_ = 	snop  }
0xbb: {  	[hbm4b:s4+s3] =	stream.indirect_vreg.scatter [tilespmem:s13], [sflag:$0x5], $0x80, v3, vm0, $0xb8;
	[tilespmem:$0x8100] =	vst v63  }
0xbc: {  	_ =	swait.ge [sflag:s31], $0x2000  }
0xbd: {  	[sflag:s31] =	ssyncset.done $0x0  }
0xbe: {  	[sflag:s31] =	ssyncadd.s32 $0xFFFFE000  }
0xbf: {  	_ =	swait.ge [sflag:s31], $0x2000  }
0xc0: {  	[sflag:s31] =	ssyncset.done $0x0  }
0xc1: {  	s7 =	rddreg [dreg:$0xb];
	[sflag:s31] =	ssyncadd.s32 $0xFFFFE000  }
0xc2: {  	[tilespmem:s14], [sflag:$0x3] =	stream.linear.gather [hbm4b:s7+s3], $0x2000, $0x38;
	[tilespmem:$0x8100] =	vst v63  }
0xc3: {  	_ =	swait.ge [sflag:s15], $0x2000  }
0xc4: {  	[sflag:s15] =	ssyncset.done $0x0  }
0xc5: {  	[sflag:s15] =	ssyncadd.s32 $0xFFFFE000  }
0xc6: {  	v3 =	vld [tilespmem:$0x50];
	_ =	sdelay $0x4  }
0xc7: {  	v49 =	vshll.u32 v3, $0x2  }
0xc8: {  	v3 =	vand.u32 $0x7, v3;
	v4 =	vand.u32 $0xFFFFFFE0, v49  }
0xc9: {  	v3 =	vor.u32 v3, v4  }
0xca: {  	v50 =	vld [tilespmem:$0xD0];
	v51 =	vperm.xlane v3, v0;
	_ =	sdelay $0x1  }
0xcb: {  	v5 =	vadd.s32 v1, v51;
	_ =	sdelay $0x1  }
0xcc: {  	v3 =	vperm.xlane v3, v2  }
0xcd: {  	v52 =	vshll.u32 v50, $0x2  }
0xce: {  	v6 =	vand.u32 $0xFFFFFFE0, v52;
	v4 =	vand.u32 $0x7, v50;
	v3 =	vadd.s32 v1, v3  }
0xcf: {  	v4 =	vor.u32 v4, v6;
	[hbm4b:s2+s3] =	stream.indirect_vreg.scatter [tilespmem:s9], [sflag:$0x6], $0x80, v5, vm0, $0xb8;
	[tilespmem:$0x8100] =	vst v63  }
0xd0: {  	v6 =	vperm.xlane v4, v0  }
0xd1: {  	[hbm4b:s4+s3] =	stream.indirect_vreg.scatter [tilespmem:s16], [sflag:$0x6], $0x80, v5, vm0, $0xb8;
	[tilespmem:$0x8100] =	vst v63  }
0xd2: {  	v53 =	vadd.s32 v1, v6  }
0xd3: {  	[hbm4b:s2+s3] =	stream.indirect_vreg.scatter [tilespmem:s17], [sflag:$0x6], $0x80, v3, vm0, $0xb8;
	[tilespmem:$0x8100] =	vst v63  }
0xd4: {  	v4 =	vperm.xlane v4, v2  }
0xd5: {  	[hbm4b:s4+s3] =	stream.indirect_vreg.scatter [tilespmem:s18], [sflag:$0x6], $0x80, v3, vm0, $0xb8;
	[tilespmem:$0x8100] =	vst v63  }
0xd6: {  	v3 =	vadd.s32 v1, v4  }
0xd7: {  	[hbm4b:s2+s3] =	stream.indirect_vreg.scatter [tilespmem:s9], [sflag:$0x6], $0x80, v53, vm0, $0xb8;
	[tilespmem:$0x8100] =	vst v63  }
0xd8: {  	_ = 	snop  }
0xd9: {  	[hbm4b:s4+s3] =	stream.indirect_vreg.scatter [tilespmem:s16], [sflag:$0x6], $0x80, v53, vm0, $0xb8;
	[tilespmem:$0x8100] =	vst v63  }
0xda: {  	_ = 	snop  }
0xdb: {  	[hbm4b:s2+s3] =	stream.indirect_vreg.scatter [tilespmem:s17], [sflag:$0x6], $0x80, v3, vm0, $0xb8;
	[tilespmem:$0x8100] =	vst v63  }
0xdc: {  	_ = 	snop  }
0xdd: {  	[hbm4b:s4+s3] =	stream.indirect_vreg.scatter [tilespmem:s18], [sflag:$0x6], $0x80, v3, vm0, $0xb8;
	[tilespmem:$0x8100] =	vst v63  }
0xde: {  	_ =	swait.ge [sflag:s1], $0x2000  }
0xdf: {  	[sflag:s1] =	ssyncset.done $0x0  }
0xe0: {  	[sflag:s1] =	ssyncadd.s32 $0xFFFFE000  }
0xe1: {  	_ =	swait.ge [sflag:s1], $0x2000  }
0xe2: {  	[sflag:s1] =	ssyncset.done $0x0  }
0xe3: {  	s7 =	rddreg [dreg:$0xc];
	[sflag:s1] =	ssyncadd.s32 $0xFFFFE000  }
0xe4: {  	[tilespmem:s19], [sflag:$0x4] =	stream.linear.gather [hbm4b:s7+s3], $0x2000, $0x38;
	[tilespmem:$0x8100] =	vst v63  }
0xe5: {  	_ =	swait.ge [sflag:s20], $0x2000  }
0xe6: {  	[sflag:s20] =	ssyncset.done $0x0  }
0xe7: {  	[sflag:s20] =	ssyncadd.s32 $0xFFFFE000  }
0xe8: {  	v3 =	vld [tilespmem:$0x60];
	_ =	sdelay $0x4  }
0xe9: {  	v54 =	vshll.u32 v3, $0x2  }
0xea: {  	v3 =	vand.u32 $0x7, v3;
	v4 =	vand.u32 $0xFFFFFFE0, v54  }
0xeb: {  	v3 =	vor.u32 v3, v4  }
0xec: {  	v55 =	vld [tilespmem:$0xE0];
	v56 =	vperm.xlane v3, v0;
	_ =	sdelay $0x1  }
0xed: {  	v5 =	vadd.s32 v1, v56;
	_ =	sdelay $0x1  }
0xee: {  	v3 =	vperm.xlane v3, v2  }
0xef: {  	v57 =	vshll.u32 v55, $0x2  }
0xf0: {  	v6 =	vand.u32 $0xFFFFFFE0, v57;
	v4 =	vand.u32 $0x7, v55;
	v3 =	vadd.s32 v1, v3  }
0xf1: {  	v4 =	vor.u32 v4, v6;
	[hbm4b:s2+s3] =	stream.indirect_vreg.scatter [tilespmem:s14], [sflag:$0x7], $0x80, v5, vm0, $0xb8;
	[tilespmem:$0x8100] =	vst v63  }
0xf2: {  	v6 =	vperm.xlane v4, v0  }
0xf3: {  	[hbm4b:s4+s3] =	stream.indirect_vreg.scatter [tilespmem:s21], [sflag:$0x7], $0x80, v5, vm0, $0xb8;
	[tilespmem:$0x8100] =	vst v63  }
0xf4: {  	v58 =	vadd.s32 v1, v6  }
0xf5: {  	[hbm4b:s2+s3] =	stream.indirect_vreg.scatter [tilespmem:s22], [sflag:$0x7], $0x80, v3, vm0, $0xb8;
	[tilespmem:$0x8100] =	vst v63  }
0xf6: {  	v4 =	vperm.xlane v4, v2  }
0xf7: {  	[hbm4b:s4+s3] =	stream.indirect_vreg.scatter [tilespmem:s23], [sflag:$0x7], $0x80, v3, vm0, $0xb8;
	[tilespmem:$0x8100] =	vst v63  }
0xf8: {  	v3 =	vadd.s32 v1, v4  }
0xf9: {  	[hbm4b:s2+s3] =	stream.indirect_vreg.scatter [tilespmem:s14], [sflag:$0x7], $0x80, v58, vm0, $0xb8;
	[tilespmem:$0x8100] =	vst v63  }
0xfa: {  	_ = 	snop  }
0xfb: {  	[hbm4b:s4+s3] =	stream.indirect_vreg.scatter [tilespmem:s21], [sflag:$0x7], $0x80, v58, vm0, $0xb8;
	[tilespmem:$0x8100] =	vst v63  }
0xfc: {  	_ = 	snop  }
0xfd: {  	[hbm4b:s2+s3] =	stream.indirect_vreg.scatter [tilespmem:s22], [sflag:$0x7], $0x80, v3, vm0, $0xb8;
	[tilespmem:$0x8100] =	vst v63  }
0xfe: {  	_ = 	snop  }
0xff: {  	[hbm4b:s4+s3] =	stream.indirect_vreg.scatter [tilespmem:s23], [sflag:$0x7], $0x80, v3, vm0, $0xb8;
	[tilespmem:$0x8100] =	vst v63  }
0x100: {  	_ =	swait.ge [sflag:s25], $0x2000  }
0x101: {  	[sflag:s25] =	ssyncset.done $0x0  }
0x102: {  	[sflag:s25] =	ssyncadd.s32 $0xFFFFE000  }
0x103: {  	v3 =	vld [tilespmem:$0x70];
	_ =	sdelay $0x4  }
0x104: {  	v59 =	vshll.u32 v3, $0x2  }
0x105: {  	v3 =	vand.u32 $0x7, v3;
	v4 =	vand.u32 $0xFFFFFFE0, v59  }
0x106: {  	v3 =	vor.u32 v3, v4  }
0x107: {  	v60 =	vld [tilespmem:$0xF0];
	v61 =	vperm.xlane v3, v0;
	_ =	sdelay $0x1  }
0x108: {  	v5 =	vadd.s32 v1, v61;
	_ =	sdelay $0x1  }
0x109: {  	v3 =	vperm.xlane v3, v2  }
0x10a: {  	v62 =	vshll.u32 v60, $0x2  }
0x10b: {  	v6 =	vand.u32 $0xFFFFFFE0, v62;
	v4 =	vand.u32 $0x7, v60;
	v3 =	vadd.s32 v1, v3  }
0x10c: {  	v4 =	vor.u32 v4, v6;
	[hbm4b:s2+s3] =	stream.indirect_vreg.scatter [tilespmem:s19], [sflag:$0x8], $0x80, v5, vm0, $0xb8;
	[tilespmem:$0x8100] =	vst v63  }
0x10d: {  	v6 =	vperm.xlane v4, v0  }
0x10e: {  	[hbm4b:s4+s3] =	stream.indirect_vreg.scatter [tilespmem:s26], [sflag:$0x8], $0x80, v5, vm0, $0xb8;
	[tilespmem:$0x8100] =	vst v63  }
0x10f: {  	v63 =	vadd.s32 v1, v6  }
0x110: {  	[hbm4b:s2+s3] =	stream.indirect_vreg.scatter [tilespmem:s28], [sflag:$0x8], $0x80, v3, vm0, $0xb8;
	[tilespmem:$0x8100] =	vst v63  }
0x111: {  	v4 =	vperm.xlane v4, v2  }
0x112: {  	[hbm4b:s4+s3] =	stream.indirect_vreg.scatter [tilespmem:s29], [sflag:$0x8], $0x80, v3, vm0, $0xb8;
	[tilespmem:$0x8100] =	vst v63  }
0x113: {  	v3 =	vadd.s32 v1, v4  }
0x114: {  	[hbm4b:s2+s3] =	stream.indirect_vreg.scatter [tilespmem:s19], [sflag:$0x8], $0x80, v63, vm0, $0xb8;
	[tilespmem:$0x8100] =	vst v63  }
0x115: {  	_ = 	snop  }
0x116: {  	[hbm4b:s4+s3] =	stream.indirect_vreg.scatter [tilespmem:s26], [sflag:$0x8], $0x80, v63, vm0, $0xb8;
	[tilespmem:$0x8100] =	vst v63  }
0x117: {  	_ = 	snop  }
0x118: {  	[hbm4b:s2+s3] =	stream.indirect_vreg.scatter [tilespmem:s28], [sflag:$0x8], $0x80, v3, vm0, $0xb8;
	[tilespmem:$0x8100] =	vst v63  }
0x119: {  	_ = 	snop  }
0x11a: {  	[hbm4b:s4+s3] =	stream.indirect_vreg.scatter [tilespmem:s29], [sflag:$0x8], $0x80, v3, vm0, $0xb8;
	[tilespmem:$0x8100] =	vst v63  }
0x11b: {  	_ =	swait.ge [sflag:s24], $0x2000  }
0x11c: {  	[sflag:s24] =	ssyncset.done $0x0  }
0x11d: {  	[sflag:s24] =	ssyncadd.s32 $0xFFFFE000  }
0x11e: {  	_ =	swait.ge [sflag:s24], $0x2000  }
0x11f: {  	[sflag:s24] =	ssyncset.done $0x0  }
0x120: {  	[sflag:s24] =	ssyncadd.s32 $0xFFFFE000  }
0x121: {  	_ =	swait.ge [sflag:s30], $0x2000  }
0x122: {  	[sflag:s30] =	ssyncset.done $0x0  }
0x123: {  	[sflag:s30] =	ssyncadd.s32 $0xFFFFE000  }
0x124: {  	_ =	swait.ge [sflag:s30], $0x2000  }
0x125: {  	[sflag:s30] =	ssyncset.done $0x0  }
0x126: {  	[sflag:s30] =	ssyncadd.s32 $0xFFFFE000  }
0x127: {  	_ =	swait.ge [sflag:s31], $0x2000  }
0x128: {  	[sflag:s31] =	ssyncset.done $0x0  }
0x129: {  	[sflag:s31] =	ssyncadd.s32 $0xFFFFE000  }
0x12a: {  	_ =	swait.ge [sflag:s31], $0x2000  }
0x12b: {  	[sflag:s31] =	ssyncset.done $0x0  }
0x12c: {  	[sflag:s31] =	ssyncadd.s32 $0xFFFFE000  }
0x12d: {  	p0 =	sne.s32 s5, $0x1;
	_ =	swait.ge [sflag:s1], $0x2000  }
.Ltmp0:
0x12e: {  	[sflag:s1] =	ssyncset.done $0x0;
	(pc) =	sbr.rel @p0 .LBB2_1-.Ltmp0, $4  }
0x12f: {  	[sflag:s1] =	ssyncadd.s32 $0xFFFFE000  }
0x130: {  	_ =	swait.ge [sflag:s1], $0x2000  }
0x131: {  	[sflag:s1] =	ssyncset.done $0x0  }
0x132: {  	s5 =	sadd.s32 $0xFFFFFFFF, s5;
	[sflag:s1] =	ssyncadd.s32 $0xFFFFE000  }
0x133: {  	_ =	sfence.sel $0x180000  }
0x134: {  	[bflag:$0x0] =	sbarrier.arrive $0xFFFF  }
0x135: {  	_ =	strace $0x90000047  }
0x136: {  	s0 =	stileid.u32;
	[bflag:$0x2] =	sbarrier.arrive $0xFFFF  }
0x137: {  	p0 =	sne.s32 s0, $0x0;
	s0 =	rddreg [dreg:$0x2]  }
0x138: {  	s0 =	sadd.s32 @!p0 $0x100000, s0  }
0x139: {  	[sflag:s0] =	ssyncadd.tile.s32 @!p0 $0x1;
	_ =	shalt  }
.Lfunc_end2:
_tile_overlayer_lowered:
.L_overlay_start_2:
0x13a: {  	(tag) =	ssettag $0x2  }
0x13b: {  	s0 =	rddreg [dreg:$0x0];
	s2 =	stileid.u32  }
0x13c: {  	s1 =	rddreg [dreg:$0x1];
	p0 =	sne.s32 s2, $0x0  }
0x13d: {  	s3 =	rddreg [dreg:$0x2];
	[bflag:$0x3] =	sbarrier.arrive $0xFFFF;
	s2 =	simm.s32 @!p0 $0x1C09  }
0x13e: {  	[timem:s3], [sflag:s2] =	dma.local @!p0 [hbm:s0], s1  }
0x13f: {  	s0 =	simm.s32 @!p0 $0x9  }
0x140: {  	_ =	swait.ge @!p0 [sflag:s0], s1  }
0x141: {  	s1 =	ssub.s32 @!p0 $0x0, s1;
	[sflag:s0] =	ssyncset.done @!p0 $0x0  }
0x142: {  	[sflag:s0] =	ssyncadd.s32 @!p0 s1  }
0x143: {  	[bflag:$0x3] =	sbarrier.arrive $0xFFFF  }
0x144: {  	_ =	shalt  }

// kernel: _moe.9.cloned.1.call-start
scs
__scs_entry_jumppad:
0x0: {  	(pc) =	sbr.rel $0x88, $3  }
0x1: {  	(tag) =	ssettag $0x0;
	lr =	simm.s32 $0x1  }
0x2: {  	[smem:$0x3F9C] =	sst lr;
	_ =	strace $0xD0000000  }
0x3: {  	_ = 	snop  }
0x4: {  	_ = 	snop  }
0x5: {  	_ = 	snop  }
0x6: {  	_ = 	snop  }
0x7: {  	_ = 	snop  }
__scs_overlays_trampoline_lowered:
0x8: {  	[smem:$0x3FAB] =	sst s0  }
0x9: {  	[smem:$0x3FAC] =	sst s1  }
0xa: {  	[smem:$0x3FAD] =	sst s2  }
0xb: {  	[smem:$0x3FAE] =	sst s3  }
0xc: {  	[smem:$0x3FAF] =	sst s4  }
0xd: {  	[smem:$0x3FB0] =	sst s5  }
0xe: {  	[smem:$0x3FB1] =	sst s6  }
0xf: {  	[smem:$0x3FB2] =	sst s7  }
0x10: {  	[smem:$0x3FB3] =	sst s8  }
0x11: {  	[smem:$0x3FB4] =	sst s9;
	s0 =	simm.s32 @!p0 $0x0  }
0x12: {  	s1 =	sld [smem:$0x3F9A];
	s0 =	simm.s32 @p0 $0x1  }
0x13: {  	[smem:$0x3FB5] =	sst s0;
	s0 =	simm.s32 @!p1 $0x0  }
0x14: {  	s2 =	sld [smem:$0x3F99];
	s0 =	simm.s32 @p1 $0x1  }
0x15: {  	[smem:$0x3FB6] =	sst s0;
	s0 =	simm.s32 @!p2 $0x0  }
0x16: {  	s3 =	sld [smem:$0x3FDB];
	s0 =	simm.s32 @p2 $0x1  }
0x17: {  	s4 =	simm.s32 $0x1BF5;
	[smem:$0x3FB8] =	sst s0  }
0x18: {  	s0 =	sld [smem:$0x3F9B];
	_ =	swait.ge [sflag:s4], $0x0  }
0x19: {  	s7 =	sld [smem:$0x3F9C]  }
0x1a: {  	s8 =	sadd.s32 $0xFFFFE003, lr  }
0x1b: {  	s9 =	sadd.s32 $0xFFFFFEF7, lr;
	s5 =	simm.s32 $0xFFFFFFFF;
	p2 =	slt.u32 s8, $0xFFFFF086  }
0x1c: {  	p1 =	slt.u32 s9, $0xF7A;
	s5 =	simm.s32 @!p2 $0x0  }
0x1d: {  	s5 =	simm.s32 @p1 $0x1;
	p0 =	seq.s32 s7, s2  }
0x1e: {  	s7 =	smul.u32 @!p0 $0xF7A, s2;
	p2 =	seq.s32 @!p0 s5, $0x0  }
0x1f: {  	s9 =	smul.u32 $0xF7A, s1;
	s8 =	simm.s32 @!p0 $0x1BF5;
	p2 =	por !p2, p0  }
0x20: {  	[sflag:s8] =	ssyncset.s32 @!p0 $0xFFFFF086;
	s6 =	sadd.s32 @!p0 s3, s7;
	s7 =	simm.s32 @!p0 $0x108  }
0x21: {  	s3 =	sadd.s32 s3, s9;
	s6 =	sadd.s32 @!p0 $0x88, s6;
	s7 =	simm.s32 @p2 $0x1082  }
0x22: {  	[simem:s7], [sflag:s8] =	dma.local @!p0 [hbm:s6], $0xF7A  }
0x23: {  	s9 =	sor.u32 $0xD0000000, s2;
	s6 =	simm.s32 $0x108;
	_ =	swait.ge @!p0 [sflag:s8], $0x0  }
0x24: {  	s3 =	sadd.s32 $0x88, s3;
	s6 =	simm.s32 @!p1 $0x1082;
	[sflag:s4] =	ssyncset.s32 $0xFFFFF086  }
0x25: {  	[simem:s6], [sflag:s4] =	dma.local [hbm:s3], $0xF7A  }
0x26: {  	[smem:$0x3F9C] =	sst s1;
	(tag) =	ssettag s2;
	_ =	strace s9  }
0x27: {  	s1 =	sld [smem:$0x3FAC]  }
0x28: {  	s2 =	sld [smem:$0x3FAD]  }
0x29: {  	s4 =	sld [smem:$0x3FAF]  }
0x2a: {  	p0 =	seq.s32 s5, $0x0;
	s5 =	sld [smem:$0x3FB0]  }
0x2b: {  	s6 =	sld [smem:$0x3FB1]  }
0x2c: {  	s7 =	sld [smem:$0x3FB2]  }
0x2d: {  	s3 =	simm.s32 $0x108;
	s8 =	sld [smem:$0x3FB3]  }
0x2e: {  	s3 =	simm.s32 @!p0 $0x1082;
	s9 =	sld [smem:$0x3FB4]  }
0x2f: {  	lr =	sadd.s32 s0, s3;
	s0 =	sld [smem:$0x3FAB]  }
0x30: {  	s3 =	sld [smem:$0x3FAE]  }
0x31: {  	[smem:$0x3FB7] =	sst s10  }
0x32: {  	s10 =	sld [smem:$0x3FB5];
	_ =	sdelay $0x3  }
0x33: {  	p0 =	seq.s32 s10, $0x1;
	s10 =	sld [smem:$0x3FB7];
	_ =	sdelay $0x3  }
0x34: {  	[smem:$0x3FB7] =	sst s10  }
0x35: {  	s10 =	sld [smem:$0x3FB6];
	_ =	sdelay $0x3  }
0x36: {  	p1 =	seq.s32 s10, $0x1;
	s10 =	sld [smem:$0x3FB7];
	_ =	sdelay $0x3  }
0x37: {  	[smem:$0x3FB7] =	sst s10  }
0x38: {  	s10 =	sld [smem:$0x3FB8]  }
0x39: {  	_ = 	snop;
	(pc) =	sbr.ind lr, $3  }
0x3a: {  	_ = 	snop  }
0x3b: {  	_ = 	snop  }
0x3c: {  	p2 =	seq.s32 s10, $0x1;
	s10 =	sld [smem:$0x3FB7]  }
0x3d: {  	_ =	shalt  }
0x3e: {  	_ =	shalt  }
0x3f: {  	_ =	shalt  }
0x40: {  	_ =	shalt  }
0x41: {  	_ =	shalt  }
0x42: {  	_ =	shalt  }
0x43: {  	_ =	shalt  }
0x44: {  	_ =	shalt  }
0x45: {  	_ =	shalt  }
0x46: {  	_ =	shalt  }
0x47: {  	_ =	shalt  }
0x48: {  	_ =	shalt  }
0x49: {  	_ =	shalt  }
0x4a: {  	_ =	shalt  }
0x4b: {  	_ =	shalt  }
0x4c: {  	_ =	shalt  }
0x4d: {  	_ =	shalt  }
0x4e: {  	_ =	shalt  }
0x4f: {  	_ =	shalt  }
0x50: {  	_ =	shalt  }
0x51: {  	_ =	shalt  }
0x52: {  	_ =	shalt  }
0x53: {  	_ =	shalt  }
0x54: {  	_ =	shalt  }
0x55: {  	_ =	shalt  }
0x56: {  	_ =	shalt  }
0x57: {  	_ =	shalt  }
0x58: {  	_ =	shalt  }
0x59: {  	_ =	shalt  }
0x5a: {  	_ =	shalt  }
0x5b: {  	_ =	shalt  }
0x5c: {  	_ =	shalt  }
0x5d: {  	_ =	shalt  }
0x5e: {  	_ =	shalt  }
0x5f: {  	_ =	shalt  }
0x60: {  	_ =	shalt  }
0x61: {  	_ =	shalt  }
0x62: {  	_ =	shalt  }
0x63: {  	_ =	shalt  }
0x64: {  	_ =	shalt  }
0x65: {  	_ =	shalt  }
0x66: {  	_ =	shalt  }
0x67: {  	_ =	shalt  }
0x68: {  	_ =	shalt  }
0x69: {  	_ =	shalt  }
0x6a: {  	_ =	shalt  }
0x6b: {  	_ =	shalt  }
0x6c: {  	_ =	shalt  }
0x6d: {  	_ =	shalt  }
0x6e: {  	_ =	shalt  }
0x6f: {  	_ =	shalt  }
0x70: {  	_ =	shalt  }
0x71: {  	_ =	shalt  }
0x72: {  	_ =	shalt  }
0x73: {  	_ =	shalt  }
0x74: {  	_ =	shalt  }
0x75: {  	_ =	shalt  }
0x76: {  	_ =	shalt  }
0x77: {  	_ =	shalt  }
0x78: {  	_ =	shalt  }
0x79: {  	_ =	shalt  }
0x7a: {  	_ =	shalt  }
0x7b: {  	_ =	shalt  }
0x7c: {  	_ =	shalt  }
0x7d: {  	_ =	shalt  }
0x7e: {  	_ =	shalt  }
0x7f: {  	_ =	shalt  }
0x80: {  	_ =	shalt  }
0x81: {  	_ =	shalt  }
0x82: {  	_ =	shalt  }
0x83: {  	_ =	shalt  }
0x84: {  	_ =	shalt  }
0x85: {  	_ =	shalt  }
0x86: {  	_ =	shalt  }
0x87: {  	_ =	shalt  }
.Lfunc_end0:
.L_simem_size_0:
called_computation.1_lowered:
.L_overlay_start_0:
0x88: {  	s2 =	sld [smem:$0x3FD9]  }
0x89: {  	s3 =	sld [smem:$0x3FFE];
	_ =	sdelay $0x1  }
0x8a: {  	s1 =	srdreg.scid  }
0x8b: {  	s0 =	sand.u32 $0x1, s1  }
0x8c: {  	s16 =	sshll.u32 s0, $0xA;
	s2 =	sadd.s32 s3, s2  }
0x8d: {  	s2 =	sadd.s32 s2, s16  }
0x8e: {  	[smem:$0x3FC3] =	sst s2  }
0x8f: {  	_ = 	snop  }
0x90: {  	(tm) =	ssettm $0x1  }
0x91: {  	s17 =	sld [smem:$0x3FFB];
	_ =	sdelay $0x3  }
0x92: {  	_ =	strace s17  }
0x93: {  	s2 =	sld [smem:$0x3FFC];
	_ =	sdelay $0x3  }
0x94: {  	_ =	strace s2  }
0x95: {  	s2 =	sld [smem:$0x3FFD];
	_ =	sdelay $0x3  }
0x96: {  	_ =	strace s2  }
0x97: {  	_ =	strace $0x8FFFFFFF  }
0x98: {  	s18 =	sld [smem:$0x3FDB];
	_ =	sdelay $0x1  }
0x99: {  	s19 =	simm.s32 $_scs_section_size  }
0x9a: {  	s4 =	simm.s32 $_size__tile_overlayer_lowered;
	s5 =	simm.s32 $_tile_overlayer_lowered  }
0x9b: {  	s22 =	simm.s32 $0x1BFF;
	s21 =	sshll.u32 s5, $0x1;
	s2 =	sadd.s32 s19, s18  }
0x9c: {  	s6 =	simm.s32 $0x0;
	s20 =	sshll.u32 s4, $0x1;
	s4 =	sadd.s32 s21, s2  }
0x9d: {  	[timem:s6], [sflag:s22] =	dma.local [hbm:s4], s20  }
0x9e: {  	_ =	swait.ge [sflag:s22], s20  }
0x9f: {  	s3 =	ssub.s32 $0x0, s20;
	[sflag:s22] =	ssyncset.done $0x0  }
0xa0: {  	[sflag:s22] =	ssyncadd.s32 s3;
	_ =	sdelay $0x1  }
0xa1: {  	s23 =	simm.s32 $0x1B8B  }
0xa2: {  	_ =	swait.ge [sflag:s23], $0x1  }
0xa3: {  	[sflag:s23] =	ssyncset.done $0x0  }
0xa4: {  	s25 =	simm.s32 $0x1B8E;
	s24 =	sld [smem:$0x3FFE];
	[sflag:s23] =	ssyncadd.s32 $0xFFFFFFFF  }
0xa5: {  	s26 =	simm.s32 $execute0_lowered;
	[smem:$0x3FD2] =	sst s25  }
0xa6: {  	s4 =	sshll.u32 s26, $0x1;
	_ =	strace $0x80000049;
	[dreg:$0x1] =	wrdreg $0xFFFFFFFF  }
0xa7: {  	s28 =	simm.s32 $_size_execute0_lowered;
	s2 =	sadd.s32 s2, s4;
	[dreg:$0x0] =	wrdreg $0x0  }
0xa8: {  	s4 =	sshll.u32 s28, $0x1;
	[dreg:$0x2] =	wrdreg s2  }
0xa9: {  	[dreg:$0x3] =	wrdreg s4  }
0xaa: {  	[dreg:$0x4] =	wrdreg $0xC0  }
0xab: {  	_ =	task [dreg:s6], $0x5FFFF  }
0xac: {  	[dreg:$0x1] =	wrdreg $0xFFFFFFFF  }
0xad: {  	[dreg:$0x0] =	wrdreg $0x60  }
0xae: {  	[dreg:$0x2] =	wrdreg s24  }
0xaf: {  	[dreg:$0x3] =	wrdreg $0x9  }
0xb0: {  	_ =	task.clear_ibuf [dreg:s6], $0x4FFFF;
	_ =	strace $0x90000049  }
0xb1: {  	s29 =	simm.s32 $0x9;
	_ =	strace $0x8000004B  }
0xb2: {  	_ =	swait.ge [sflag:s29], $0x1  }
0xb3: {  	[sflag:s29] =	ssyncadd.s32 $0xFFFFFFFF  }
0xb4: {  	_ =	strace $0x9000004B  }
0xb5: {  	_ =	sfence  }
0xb6: {  	s30 =	sld [smem:$0x0];
	_ =	sdelay $0x2  }
0xb7: {  	s31 =	sshll.u32 s1, $0xD;
	s1 =	sshrl.u32 s1, $0x2  }
0xb8: {  	s3 =	sand.u32 $0x4000, s31;
	s1 =	sadd.s32 s1, s30  }
0xb9: {  	s0 =	sor.u32 s3, s0;
	s1 =	sshll.u32 s1, $0x11  }
0xba: {  	s0 =	sor.u32 s1, s0  }
0xbb: {  	s0 =	sadd.s32 $0x8F2B, s0  }
0xbc: {  	[sflag:s0] =	ssyncadd.remote.s32 $0x1  }
0xbd: {  	_ =	sfence.sel $0xFFFF  }
0xbe: {  	[dreg:$0x0] =	wrdreg $0xFFFFFFFF;
	(pc) =	sbr.abs _section_cstart, $3  }
0xbf: {  	[dreg:$0x1] =	wrdreg $0xFFFFFFFF  }
0xc0: {  	_ =	task.clear_ibuf [dreg:s6], $0x2FFFF;
	_ =	strace $0x9FFFFFFF  }
0xc1: {  	(tm) =	ssettm $0x7FFFFFFF  }
tec
execute0_lowered:
.L_overlay_start_1:
0x0: {  	(tag) =	ssettag $0x1  }
0x1: {  	s0 =	srdreg.scid  }
0x2: {  	s1 =	stileid.u32;
	s0 =	sand.u32 $0x1, s0  }
0x3: {  	s1 =	sshll.u32 s1, $0x8;
	s2 =	sshll.u32 s0, $0x7  }
0x4: {  	v1 =	vlaneseq.u32;
	s1 =	sor.u32 s2, s1  }
0x5: {  	v2 =	vshll.u32 v1, $0x1;
	v0 =	vor.u32 s1, v1  }
0x6: {  	vm0 =	vmmov $0xffff;
	v2 =	vand.u32 $0x6, v2;
	s2 =	sor.u32 $0x10, s1;
	s30 =	sor.u32 $0x70, s1;
	v0 =	vshll.u32 v0, $0x4  }
0x7: {  	v3 =	vor.u32 s2, v1;
	v10 =	vor.u32 s30, v1;
	v0 =	vand.u32 $0x7FFFF8C0, v0  }
0x8: {  	s24 =	sor.u32 $0x20, s1;
	v11 =	vshll.u32 v10, $0x1;
	v10 =	vshll.u32 v10, $0x4;
	v4 =	vor.u32 v2, v0  }
0x9: {  	v0 =	vshll.u32 v3, $0x1;
	v2 =	vor.u32 s24, v1;
	v3 =	vshll.u32 v3, $0x4  }
0xa: {  	v11 =	vand.u32 $0x6, v11;
	v10 =	vand.u32 $0x7FFFFFC0, v10;
	v0 =	vand.u32 $0x6, v0  }
0xb: {  	v6 =	vshll.u32 v2, $0x1;
	v2 =	vshll.u32 v2, $0x4;
	v3 =	vand.u32 $0x7FFFFFC0, v3  }
0xc: {  	s25 =	sor.u32 $0x30, s1;
	s26 =	sor.u32 $0x40, s1;
	v6 =	vand.u32 $0x6, v6;
	v2 =	vand.u32 $0x7FFFFFC0, v2;
	v7 =	vor.u32 v0, v3  }
0xd: {  	v0 =	vor.u32 s25, v1;
	v3 =	vor.u32 s26, v1;
	v9 =	vor.u32 v6, v2  }
0xe: {  	v2 =	vshll.u32 v0, $0x1;
	v0 =	vshll.u32 v0, $0x4;
	v6 =	vshll.u32 v3, $0x1  }
0xf: {  	v3 =	vshll.u32 v3, $0x4;
	v2 =	vand.u32 $0x6, v2;
	v0 =	vand.u32 $0x7FFFFFC0, v0  }
0x10: {  	s29 =	sor.u32 $0x60, s1;
	v14 =	vor.u32 v2, v0;
	v0 =	vand.u32 $0x6, v6;
	v2 =	vand.u32 $0x7FFFFFC0, v3  }
0x11: {  	s28 =	sor.u32 $0x50, s1;
	v5 =	vor.u32 $0x1, v4;
	v3 =	vor.u32 s29, v1;
	v19 =	vor.u32 v0, v2  }
0x12: {  	v0 =	vor.u32 s28, v1;
	v6 =	vshll.u32 v3, $0x1;
	v3 =	vshll.u32 v3, $0x4  }
0x13: {  	v2 =	vshll.u32 v0, $0x1;
	v0 =	vshll.u32 v0, $0x4;
	v6 =	vand.u32 $0x6, v6  }
0x14: {  	v3 =	vand.u32 $0x7FFFFFC0, v3;
	v2 =	vand.u32 $0x6, v2;
	v0 =	vand.u32 $0x7FFFFFC0, v0  }
0x15: {  	v26 =	vor.u32 v6, v3;
	v21 =	vor.u32 v2, v0;
	v0 =	vand.u32 $0x7, v1  }
0x16: {  	v2 =	vshrl.u32 v1, $0x3;
	v1 =	vor.u32 $0x8, v1;
	v3 =	vperm.xlane v4, v0  }
0x17: {  	v28 =	vor.u32 v11, v10;
	v4 =	vperm.xlane v4, v1;
	v6 =	vperm.xlane v5, v0  }
0x18: {  	v8 =	vor.u32 $0x1, v7;
	v10 =	vperm.xlane v5, v1;
	v11 =	vperm.xlane v7, v0  }
0x19: {  	v13 =	vor.u32 $0x1, v9;
	v12 =	vperm.xlane v8, v1;
	v16 =	vperm.xlane v9, v0  }
0x1a: {  	v15 =	vor.u32 $0x1, v14;
	v17 =	vperm.xlane v9, v1;
	v18 =	vperm.xlane v13, v0  }
0x1b: {  	v29 =	vor.u32 $0x1, v28;
	v22 =	vperm.xlane v15, v0;
	v23 =	vperm.xlane v15, v1  }
0x1c: {  	v20 =	vor.u32 $0x1, v19;
	v24 =	vperm.xlane v19, v0;
	v30 =	vperm.xlane v21, v0  }
0x1d: {  	v27 =	vor.u32 $0x1, v26;
	v31 =	vperm.xlane v21, v1;
	v63 =	vperm.xlane v26, v1  }
0x1e: {  	v2 =	vmul.u32 $0x8, v2;
	v33 =	vperm.xlane v27, v1;
	v34 =	vperm.xlane v28, v1  }
0x1f: {  	v25 =	vor.u32 $0x1, v21;
	v35 =	vperm.xlane v29, v0;
	v36 =	vperm.xlane v29, v1  }
0x20: {  	v5 =	vadd.s32 v2, v6;
	v6 =	vadd.s32 v2, v10;
	v10 =	vperm.xlane v7, v1  }
0x21: {  	v32 =	vperm.xlane v25, v0;
	v7 =	vadd.s32 v2, v11;
	v11 =	vperm.xlane v8, v0  }
0x22: {  	v3 =	vadd.s32 v2, v3;
	v4 =	vadd.s32 v2, v4;
	v8 =	vadd.s32 v2, v10  }
0x23: {  	v9 =	vadd.s32 v2, v11;
	v11 =	vadd.s32 v2, v16;
	v16 =	vperm.xlane v13, v1  }
0x24: {  	v10 =	vadd.s32 v2, v12;
	v12 =	vadd.s32 v2, v17;
	v17 =	vperm.xlane v14, v0  }
0x25: {  	v13 =	vadd.s32 v2, v18;
	v18 =	vperm.xlane v14, v1;
	v14 =	vadd.s32 v2, v16  }
0x26: {  	s10 =	rddreg [dreg:$0x0];
	v15 =	vadd.s32 v2, v17;
	v17 =	vadd.s32 v2, v22;
	v22 =	vperm.xlane v19, v1  }
0x27: {  	s31 =	simm.s32 $0x80;
	s3 =	sadd.s32 $0x41400, s10;
	s4 =	sadd.s32 $0x1C1400, s10;
	v16 =	vadd.s32 v2, v18;
	v18 =	vadd.s32 v2, v23;
	v23 =	vperm.xlane v20, v0  }
0x28: {  	s7 =	sadd.s32 $0x41700, s10;
	s8 =	sadd.s32 $0x1C1500, s10;
	s0 =	ssub.s32 $0x2, s0;
	v19 =	vadd.s32 v2, v24;
	v24 =	vperm.xlane v20, v1;
	v20 =	vadd.s32 v2, v22  }
0x29: {  	s9 =	sadd.s32 $0x1C1600, s10;
	s6 =	sshrl.u32 s0, $0x1;
	s1 =	sshrl.u32 s1, $0x2;
	v21 =	vadd.s32 v2, v23;
	v23 =	vadd.s32 v2, v30;
	v30 =	vperm.xlane v25, v1  }
0x2a: {  	s0 =	ssub.s32 s0, s6;
	s2 =	simm.s32 $0x0;
	s1 =	sadd.s32 s1, s10;
	v22 =	vadd.s32 v2, v24;
	v24 =	vadd.s32 v2, v31;
	v31 =	vperm.xlane v26, v0  }
0x2b: {  	s6 =	sadd.s32 $0x41600, s10;
	[smem:$0x7FF] =	sst s2;
	s5 =	sadd.s32 $0x41000, s1;
	v25 =	vadd.s32 v2, v32;
	v26 =	vadd.s32 v2, v30;
	v30 =	vperm.xlane v27, v0  }
0x2c: {  	s1 =	sadd.s32 $0x41010, s1;
	_ =	strace $0x8000004A;
	[dreg:$0x2] =	wrdreg s5;
	v32 =	vadd.s32 v2, v34;
	v27 =	vadd.s32 v2, v31;
	v31 =	vperm.xlane v28, v0  }
0x2d: {  	s0 =	smax.u32 s0, $0x1;
	[dreg:$0x3] =	wrdreg s1;
	s5 =	sadd.s32 $0x41500, s10;
	v34 =	vadd.s32 v2, v36;
	v28 =	vadd.s32 v2, v63;
	v29 =	vadd.s32 v2, v30  }
0x2e: {  	s10 =	sadd.s32 $0x1C1700, s10;
	[dreg:$0x4] =	wrdreg s31;
	s26 =	simm.s32 $0x2;
	v30 =	vadd.s32 v2, v33;
	v31 =	vadd.s32 v2, v31;
	v33 =	vadd.s32 v2, v35  }
.LBB2_1:
0x2f: {  	[dreg:$0x5] =	wrdreg s0  }
0x30: {  	s31 =	rddreg [dreg:$0x2];
	s12 =	simm.s32 $0x7  }
0x31: {  	[tilespmem:s2], [sflag:$0x7] =	stream.linear.gather [hbm4b:s31+s2], $0x80, $0x38;
	[tilespmem:$0x18100] =	vst v63  }
0x32: {  	_ =	swait.ge [sflag:s12], $0x80  }
0x33: {  	s13 =	rddreg [dreg:$0x3];
	[sflag:s12] =	ssyncset.done $0x0  }
0x34: {  	s1 =	rddreg [dreg:$0x4];
	[sflag:s12] =	ssyncadd.s32 $0xFFFFFF80  }
0x35: {  	[tilespmem:s1], [sflag:$0x7] =	stream.linear.gather [hbm4b:s13+s2], $0x80, $0x38;
	[tilespmem:$0x18100] =	vst v63  }
0x36: {  	_ =	swait.ge [sflag:s12], $0x80  }
0x37: {  	[sflag:s12] =	ssyncset.done $0x0  }
0x38: {  	[sflag:s12] =	ssyncadd.s32 $0xFFFFFF80  }
0x39: {  	v35 =	vld [tilespmem:$0x0];
	_ =	sdelay $0x4  }
0x3a: {  	v36 =	vshll.u32 v35, $0x3  }
0x3b: {  	v35 =	vand.u32 $0x7, v35;
	v36 =	vand.u32 $0xFFFFFFC0, v36  }
0x3c: {  	v35 =	vor.u32 v35, v36  }
0x3d: {  	v36 =	vperm.xlane v35, v0;
	_ =	sdelay $0x1  }
0x3e: {  	v36 =	vadd.s32 v2, v36;
	_ =	sdelay $0x3  }
0x3f: {  	s14 =	simm.s32 $0x100  }
0x40: {  	v37 =	vld [tilespmem:$0x80];
	[tilespmem:s14], [sflag:$0x1] =	stream.indirect_vreg.gather [hbm4b:s3+s2], $0x80, v36, vm0, $0xb8  }
0x41: {  	s15 =	simm.s32 $0x900;
	v35 =	vperm.xlane v35, v1  }
0x42: {  	[tilespmem:s15], [sflag:$0x1] =	stream.indirect_vreg.gather [hbm4b:s5+s2], $0x80, v36, vm0, $0xb8;
	[tilespmem:$0x18100] =	vst v63  }
0x43: {  	s16 =	simm.s32 $0x1100;
	v35 =	vadd.s32 v2, v35  }
0x44: {  	[tilespmem:s16], [sflag:$0x1] =	stream.indirect_vreg.gather [hbm4b:s6+s2], $0x80, v36, vm0, $0xb8;
	[tilespmem:$0x18100] =	vst v63  }
0x45: {  	s17 =	simm.s32 $0x1900  }
0x46: {  	v53 =	vshll.u32 v37, $0x3;
	[tilespmem:s17], [sflag:$0x1] =	stream.indirect_vreg.gather [hbm4b:s7+s2], $0x80, v36, vm0, $0xb8;
	[tilespmem:$0x18100] =	vst v63  }
0x47: {  	v37 =	vand.u32 $0x7, v37;
	s14 =	simm.s32 $0x2100;
	v36 =	vand.u32 $0xFFFFFFC0, v53  }
0x48: {  	v36 =	vor.u32 v37, v36;
	[tilespmem:s14], [sflag:$0x1] =	stream.indirect_vreg.gather [hbm4b:s3+s2], $0x80, v35, vm0, $0xb8;
	[tilespmem:$0x18100] =	vst v63  }
0x49: {  	s15 =	simm.s32 $0x2900;
	v37 =	vperm.xlane v36, v0  }
0x4a: {  	[tilespmem:s15], [sflag:$0x1] =	stream.indirect_vreg.gather [hbm4b:s5+s2], $0x80, v35, vm0, $0xb8;
	[tilespmem:$0x18100] =	vst v63  }
0x4b: {  	s18 =	simm.s32 $0x3100;
	v37 =	vadd.s32 v2, v37  }
0x4c: {  	[tilespmem:s18], [sflag:$0x1] =	stream.indirect_vreg.gather [hbm4b:s6+s2], $0x80, v35, vm0, $0xb8;
	[tilespmem:$0x18100] =	vst v63  }
0x4d: {  	s19 =	simm.s32 $0x3900  }
0x4e: {  	[tilespmem:s19], [sflag:$0x1] =	stream.indirect_vreg.gather [hbm4b:s7+s2], $0x80, v35, vm0, $0xb8;
	[tilespmem:$0x18100] =	vst v63  }
0x4f: {  	s20 =	simm.s32 $0xC100  }
0x50: {  	[tilespmem:s20], [sflag:$0x1] =	stream.indirect_vreg.gather [hbm4b:s3+s2], $0x80, v37, vm0, $0xb8;
	[tilespmem:$0x18100] =	vst v63  }
0x51: {  	s21 =	simm.s32 $0xC900;
	v54 =	vperm.xlane v36, v1  }
0x52: {  	[tilespmem:s21], [sflag:$0x1] =	stream.indirect_vreg.gather [hbm4b:s5+s2], $0x80, v37, vm0, $0xb8;
	[tilespmem:$0x18100] =	vst v63  }
0x53: {  	s23 =	simm.s32 $0xD100;
	v35 =	vadd.s32 v2, v54  }
0x54: {  	[tilespmem:s23], [sflag:$0x1] =	stream.indirect_vreg.gather [hbm4b:s6+s2], $0x80, v37, vm0, $0xb8;
	[tilespmem:$0x18100] =	vst v63  }
0x55: {  	s25 =	simm.s32 $0xD900  }
0x56: {  	[tilespmem:s25], [sflag:$0x1] =	stream.indirect_vreg.gather [hbm4b:s7+s2], $0x80, v37, vm0, $0xb8;
	[tilespmem:$0x18100] =	vst v63  }
0x57: {  	s28 =	simm.s32 $0xE100  }
0x58: {  	[tilespmem:s28], [sflag:$0x1] =	stream.indirect_vreg.gather [hbm4b:s3+s2], $0x80, v35, vm0, $0xb8;
	[tilespmem:$0x18100] =	vst v63  }
0x59: {  	s29 =	simm.s32 $0xE900  }
0x5a: {  	[tilespmem:s29], [sflag:$0x1] =	stream.indirect_vreg.gather [hbm4b:s5+s2], $0x80, v35, vm0, $0xb8;
	[tilespmem:$0x18100] =	vst v63  }
0x5b: {  	s30 =	simm.s32 $0xF100  }
0x5c: {  	[tilespmem:s30], [sflag:$0x1] =	stream.indirect_vreg.gather [hbm4b:s6+s2], $0x80, v35, vm0, $0xb8;
	[tilespmem:$0x18100] =	vst v63  }
0x5d: {  	s1 =	simm.s32 $0xF900  }
0x5e: {  	[tilespmem:s1], [sflag:$0x1] =	stream.indirect_vreg.gather [hbm4b:s7+s2], $0x80, v35, vm0, $0xb8;
	[tilespmem:$0x18100] =	vst v63  }
0x5f: {  	v35 =	vld [tilespmem:$0x10];
	_ =	sdelay $0x4  }
0x60: {  	v55 =	vshll.u32 v35, $0x3  }
0x61: {  	v35 =	vand.u32 $0x7, v35;
	v36 =	vand.u32 $0xFFFFFFC0, v55  }
0x62: {  	v35 =	vor.u32 v35, v36  }
0x63: {  	v36 =	vperm.xlane v35, v0;
	_ =	sdelay $0x1  }
0x64: {  	v36 =	vadd.s32 v2, v36;
	_ =	sdelay $0x3  }
0x65: {  	s25 =	simm.s32 $0x4100  }
0x66: {  	v37 =	vld [tilespmem:$0x90];
	[tilespmem:s25], [sflag:$0x2] =	stream.indirect_vreg.gather [hbm4b:s3+s2], $0x80, v36, vm0, $0xb8  }
0x67: {  	s28 =	simm.s32 $0x4900;
	v35 =	vperm.xlane v35, v1  }
0x68: {  	[tilespmem:s28], [sflag:$0x2] =	stream.indirect_vreg.gather [hbm4b:s5+s2], $0x80, v36, vm0, $0xb8;
	[tilespmem:$0x18100] =	vst v63  }
0x69: {  	s29 =	simm.s32 $0x5100;
	v35 =	vadd.s32 v2, v35  }
0x6a: {  	[tilespmem:s29], [sflag:$0x2] =	stream.indirect_vreg.gather [hbm4b:s6+s2], $0x80, v36, vm0, $0xb8;
	[tilespmem:$0x18100] =	vst v63  }
0x6b: {  	s30 =	simm.s32 $0x5900  }
0x6c: {  	v56 =	vshll.u32 v37, $0x3;
	[tilespmem:s30], [sflag:$0x2] =	stream.indirect_vreg.gather [hbm4b:s7+s2], $0x80, v36, vm0, $0xb8;
	[tilespmem:$0x18100] =	vst v63  }
0x6d: {  	v37 =	vand.u32 $0x7, v37;
	s25 =	simm.s32 $0x6100;
	v36 =	vand.u32 $0xFFFFFFC0, v56  }
0x6e: {  	v36 =	vor.u32 v37, v36;
	[tilespmem:s25], [sflag:$0x2] =	stream.indirect_vreg.gather [hbm4b:s3+s2], $0x80, v35, vm0, $0xb8;
	[tilespmem:$0x18100] =	vst v63  }
0x6f: {  	s28 =	simm.s32 $0x6900;
	v37 =	vperm.xlane v36, v0  }
0x70: {  	[tilespmem:s28], [sflag:$0x2] =	stream.indirect_vreg.gather [hbm4b:s5+s2], $0x80, v35, vm0, $0xb8;
	[tilespmem:$0x18100] =	vst v63  }
0x71: {  	s30 =	simm.s32 $0x7100;
	v37 =	vadd.s32 v2, v37  }
0x72: {  	[tilespmem:s30], [sflag:$0x2] =	stream.indirect_vreg.gather [hbm4b:s6+s2], $0x80, v35, vm0, $0xb8;
	[tilespmem:$0x18100] =	vst v63  }
0x73: {  	s25 =	simm.s32 $0x7900  }
0x74: {  	[tilespmem:s25], [sflag:$0x2] =	stream.indirect_vreg.gather [hbm4b:s7+s2], $0x80, v35, vm0, $0xb8;
	[tilespmem:$0x18100] =	vst v63  }
0x75: {  	s28 =	simm.s32 $0x10100  }
0x76: {  	[tilespmem:s28], [sflag:$0x2] =	stream.indirect_vreg.gather [hbm4b:s3+s2], $0x80, v37, vm0, $0xb8;
	[tilespmem:$0x18100] =	vst v63  }
0x77: {  	v57 =	vperm.xlane v36, v1;
	s30 =	simm.s32 $0x10900  }
0x78: {  	[tilespmem:s30], [sflag:$0x2] =	stream.indirect_vreg.gather [hbm4b:s5+s2], $0x80, v37, vm0, $0xb8;
	[tilespmem:$0x18100] =	vst v63  }
0x79: {  	v35 =	vadd.s32 v2, v57;
	s25 =	simm.s32 $0x11100  }
0x7a: {  	[tilespmem:s25], [sflag:$0x2] =	stream.indirect_vreg.gather [hbm4b:s6+s2], $0x80, v37, vm0, $0xb8;
	[tilespmem:$0x18100] =	vst v63  }
0x7b: {  	s28 =	simm.s32 $0x11900  }
0x7c: {  	[tilespmem:s28], [sflag:$0x2] =	stream.indirect_vreg.gather [hbm4b:s7+s2], $0x80, v37, vm0, $0xb8;
	[tilespmem:$0x18100] =	vst v63  }
0x7d: {  	s30 =	simm.s32 $0x12100  }
0x7e: {  	[tilespmem:s30], [sflag:$0x2] =	stream.indirect_vreg.gather [hbm4b:s3+s2], $0x80, v35, vm0, $0xb8;
	[tilespmem:$0x18100] =	vst v63  }
0x7f: {  	s25 =	simm.s32 $0x12900  }
0x80: {  	[tilespmem:s25], [sflag:$0x2] =	stream.indirect_vreg.gather [hbm4b:s5+s2], $0x80, v35, vm0, $0xb8;
	[tilespmem:$0x18100] =	vst v63  }
0x81: {  	s28 =	simm.s32 $0x13100  }
0x82: {  	[tilespmem:s28], [sflag:$0x2] =	stream.indirect_vreg.gather [hbm4b:s6+s2], $0x80, v35, vm0, $0xb8;
	[tilespmem:$0x18100] =	vst v63  }
0x83: {  	s30 =	simm.s32 $0x13900;
	s25 =	simm.s32 $0x1  }
0x84: {  	[tilespmem:s30], [sflag:$0x2] =	stream.indirect_vreg.gather [hbm4b:s7+s2], $0x80, v35, vm0, $0xb8;
	[tilespmem:$0x18100] =	vst v63  }
0x85: {  	_ =	swait.ge [sflag:s25], $0x4000  }
0x86: {  	[sflag:s25] =	ssyncset.done $0x0  }
0x87: {  	[sflag:s25] =	ssyncadd.s32 $0xFFFFC000  }
0x88: {  	_ =	swait.ge [sflag:s25], $0x4000  }
0x89: {  	[sflag:s25] =	ssyncset.done $0x0  }
0x8a: {  	s22 =	simm.s32 $0x100;
	[sflag:s25] =	ssyncadd.s32 $0xFFFFC000  }
0x8b: {  	[hbm4b:s4+s2] =	stream.indirect_vreg.scatter [tilespmem:s22], [sflag:$0x4], $0x80, v3, vm0, $0xb8;
	[tilespmem:$0x18100] =	vst v63  }
0x8c: {  	s12 =	simm.s32 $0x900  }
0x8d: {  	[hbm4b:s8+s2] =	stream.indirect_vreg.scatter [tilespmem:s12], [sflag:$0x4], $0x80, v3, vm0, $0xb8;
	[tilespmem:$0x18100] =	vst v63  }
0x8e: {  	s13 =	simm.s32 $0x1100  }
0x8f: {  	[hbm4b:s9+s2] =	stream.indirect_vreg.scatter [tilespmem:s13], [sflag:$0x4], $0x80, v3, vm0, $0xb8;
	[tilespmem:$0x18100] =	vst v63  }
0x90: {  	s0 =	simm.s32 $0x1900  }
0x91: {  	[hbm4b:s10+s2] =	stream.indirect_vreg.scatter [tilespmem:s0], [sflag:$0x4], $0x80, v3, vm0, $0xb8;
	[tilespmem:$0x18100] =	vst v63  }
0x92: {  	s14 =	simm.s32 $0x2100  }
0x93: {  	[hbm4b:s4+s2] =	stream.indirect_vreg.scatter [tilespmem:s14], [sflag:$0x4], $0x80, v4, vm0, $0xb8;
	[tilespmem:$0x18100] =	vst v63  }
0x94: {  	s24 =	simm.s32 $0x2900  }
0x95: {  	[hbm4b:s8+s2] =	stream.indirect_vreg.scatter [tilespmem:s24], [sflag:$0x4], $0x80, v4, vm0, $0xb8;
	[tilespmem:$0x18100] =	vst v63  }
0x96: {  	s16 =	simm.s32 $0x3100  }
0x97: {  	[hbm4b:s9+s2] =	stream.indirect_vreg.scatter [tilespmem:s16], [sflag:$0x4], $0x80, v4, vm0, $0xb8;
	[tilespmem:$0x18100] =	vst v63  }
0x98: {  	s17 =	simm.s32 $0x3900  }
0x99: {  	[hbm4b:s10+s2] =	stream.indirect_vreg.scatter [tilespmem:s17], [sflag:$0x4], $0x80, v4, vm0, $0xb8;
	[tilespmem:$0x18100] =	vst v63  }
0x9a: {  	s19 =	simm.s32 $0xC100  }
0x9b: {  	[hbm4b:s4+s2] =	stream.indirect_vreg.scatter [tilespmem:s19], [sflag:$0x4], $0x80, v5, vm0, $0xb8;
	[tilespmem:$0x18100] =	vst v63  }
0x9c: {  	s20 =	simm.s32 $0xC900  }
0x9d: {  	[hbm4b:s8+s2] =	stream.indirect_vreg.scatter [tilespmem:s20], [sflag:$0x4], $0x80, v5, vm0, $0xb8;
	[tilespmem:$0x18100] =	vst v63  }
0x9e: {  	s21 =	simm.s32 $0xD100  }
0x9f: {  	[hbm4b:s9+s2] =	stream.indirect_vreg.scatter [tilespmem:s21], [sflag:$0x4], $0x80, v5, vm0, $0xb8;
	[tilespmem:$0x18100] =	vst v63  }
0xa0: {  	s18 =	simm.s32 $0xD900  }
0xa1: {  	[hbm4b:s10+s2] =	stream.indirect_vreg.scatter [tilespmem:s18], [sflag:$0x4], $0x80, v5, vm0, $0xb8;
	[tilespmem:$0x18100] =	vst v63  }
0xa2: {  	s23 =	simm.s32 $0xE100  }
0xa3: {  	[hbm4b:s4+s2] =	stream.indirect_vreg.scatter [tilespmem:s23], [sflag:$0x4], $0x80, v6, vm0, $0xb8;
	[tilespmem:$0x18100] =	vst v63  }
0xa4: {  	s31 =	simm.s32 $0xE900  }
0xa5: {  	[hbm4b:s8+s2] =	stream.indirect_vreg.scatter [tilespmem:s31], [sflag:$0x4], $0x80, v6, vm0, $0xb8;
	[tilespmem:$0x18100] =	vst v63  }
0xa6: {  	s11 =	simm.s32 $0xF100  }
0xa7: {  	[hbm4b:s9+s2] =	stream.indirect_vreg.scatter [tilespmem:s11], [sflag:$0x4], $0x80, v6, vm0, $0xb8;
	[tilespmem:$0x18100] =	vst v63  }
0xa8: {  	s15 =	simm.s32 $0xF900  }
0xa9: {  	[hbm4b:s10+s2] =	stream.indirect_vreg.scatter [tilespmem:s15], [sflag:$0x4], $0x80, v6, vm0, $0xb8;
	[tilespmem:$0x18100] =	vst v63  }
0xaa: {  	v58 =	vld [tilespmem:$0x20];
	_ =	sdelay $0x4  }
0xab: {  	v59 =	vshll.u32 v58, $0x3  }
0xac: {  	v35 =	vand.u32 $0x7, v58;
	v36 =	vand.u32 $0xFFFFFFC0, v59  }
0xad: {  	v35 =	vor.u32 v35, v36  }
0xae: {  	v36 =	vperm.xlane v35, v0;
	_ =	sdelay $0x1  }
0xaf: {  	v36 =	vadd.s32 v2, v36;
	_ =	sdelay $0x3  }
0xb0: {  	s31 =	simm.s32 $0x8100  }
0xb1: {  	v60 =	vld [tilespmem:$0xA0];
	[tilespmem:s31], [sflag:$0x3] =	stream.indirect_vreg.gather [hbm4b:s3+s2], $0x80, v36, vm0, $0xb8  }
0xb2: {  	s1 =	simm.s32 $0x8900;
	v35 =	vperm.xlane v35, v1  }
0xb3: {  	[tilespmem:s1], [sflag:$0x3] =	stream.indirect_vreg.gather [hbm4b:s5+s2], $0x80, v36, vm0, $0xb8;
	[tilespmem:$0x18100] =	vst v63  }
0xb4: {  	s11 =	simm.s32 $0x9100;
	v35 =	vadd.s32 v2, v35  }
0xb5: {  	[tilespmem:s11], [sflag:$0x3] =	stream.indirect_vreg.gather [hbm4b:s6+s2], $0x80, v36, vm0, $0xb8;
	[tilespmem:$0x18100] =	vst v63  }
0xb6: {  	s12 =	simm.s32 $0x9900  }
0xb7: {  	v61 =	vshll.u32 v60, $0x3;
	[tilespmem:s12], [sflag:$0x3] =	stream.indirect_vreg.gather [hbm4b:s7+s2], $0x80, v36, vm0, $0xb8;
	[tilespmem:$0x18100] =	vst v63  }
0xb8: {  	s14 =	simm.s32 $0xA100;
	v37 =	vand.u32 $0x7, v60;
	v36 =	vand.u32 $0xFFFFFFC0, v61  }
0xb9: {  	v36 =	vor.u32 v37, v36;
	[tilespmem:s14], [sflag:$0x3] =	stream.indirect_vreg.gather [hbm4b:s3+s2], $0x80, v35, vm0, $0xb8;
	[tilespmem:$0x18100] =	vst v63  }
0xba: {  	s16 =	simm.s32 $0xA900;
	v37 =	vperm.xlane v36, v0  }
0xbb: {  	[tilespmem:s16], [sflag:$0x3] =	stream.indirect_vreg.gather [hbm4b:s5+s2], $0x80, v35, vm0, $0xb8;
	[tilespmem:$0x18100] =	vst v63  }
0xbc: {  	s17 =	simm.s32 $0xB100;
	v37 =	vadd.s32 v2, v37  }
0xbd: {  	[tilespmem:s17], [sflag:$0x3] =	stream.indirect_vreg.gather [hbm4b:s6+s2], $0x80, v35, vm0, $0xb8;
	[tilespmem:$0x18100] =	vst v63  }
0xbe: {  	s18 =	simm.s32 $0xB900  }
0xbf: {  	[tilespmem:s18], [sflag:$0x3] =	stream.indirect_vreg.gather [hbm4b:s7+s2], $0x80, v35, vm0, $0xb8;
	[tilespmem:$0x18100] =	vst v63  }
0xc0: {  	s24 =	simm.s32 $0x14100  }
0xc1: {  	[tilespmem:s24], [sflag:$0x3] =	stream.indirect_vreg.gather [hbm4b:s3+s2], $0x80, v37, vm0, $0xb8;
	[tilespmem:$0x18100] =	vst v63  }
0xc2: {  	s1 =	simm.s32 $0x14900;
	v62 =	vperm.xlane v36, v1  }
0xc3: {  	[tilespmem:s1], [sflag:$0x3] =	stream.indirect_vreg.gather [hbm4b:s5+s2], $0x80, v37, vm0, $0xb8;
	[tilespmem:$0x18100] =	vst v63  }
0xc4: {  	s11 =	simm.s32 $0x15100;
	v35 =	vadd.s32 v2, v62  }
0xc5: {  	[tilespmem:s11], [sflag:$0x3] =	stream.indirect_vreg.gather [hbm4b:s6+s2], $0x80, v37, vm0, $0xb8;
	[tilespmem:$0x18100] =	vst v63  }
0xc6: {  	s12 =	simm.s32 $0x15900  }
0xc7: {  	[tilespmem:s12], [sflag:$0x3] =	stream.indirect_vreg.gather [hbm4b:s7+s2], $0x80, v37, vm0, $0xb8;
	[tilespmem:$0x18100] =	vst v63  }
0xc8: {  	s14 =	simm.s32 $0x16100  }
0xc9: {  	[tilespmem:s14], [sflag:$0x3] =	stream.indirect_vreg.gather [hbm4b:s3+s2], $0x80, v35, vm0, $0xb8;
	[tilespmem:$0x18100] =	vst v63  }
0xca: {  	s16 =	simm.s32 $0x16900  }
0xcb: {  	[tilespmem:s16], [sflag:$0x3] =	stream.indirect_vreg.gather [hbm4b:s5+s2], $0x80, v35, vm0, $0xb8;
	[tilespmem:$0x18100] =	vst v63  }
0xcc: {  	s17 =	simm.s32 $0x17100  }
0xcd: {  	[tilespmem:s17], [sflag:$0x3] =	stream.indirect_vreg.gather [hbm4b:s6+s2], $0x80, v35, vm0, $0xb8;
	[tilespmem:$0x18100] =	vst v63  }
0xce: {  	s18 =	simm.s32 $0x17900  }
0xcf: {  	[tilespmem:s18], [sflag:$0x3] =	stream.indirect_vreg.gather [hbm4b:s7+s2], $0x80, v35, vm0, $0xb8;
	[tilespmem:$0x18100] =	vst v63  }
0xd0: {  	_ =	swait.ge [sflag:s26], $0x4000  }
0xd1: {  	[sflag:s26] =	ssyncset.done $0x0  }
0xd2: {  	[sflag:s26] =	ssyncadd.s32 $0xFFFFC000  }
0xd3: {  	_ =	swait.ge [sflag:s26], $0x4000  }
0xd4: {  	[sflag:s26] =	ssyncset.done $0x0  }
0xd5: {  	s11 =	simm.s32 $0x4100;
	[sflag:s26] =	ssyncadd.s32 $0xFFFFC000  }
0xd6: {  	[hbm4b:s4+s2] =	stream.indirect_vreg.scatter [tilespmem:s11], [sflag:$0x5], $0x80, v7, vm0, $0xb8;
	[tilespmem:$0x18100] =	vst v63  }
0xd7: {  	s0 =	simm.s32 $0x4900  }
0xd8: {  	[hbm4b:s8+s2] =	stream.indirect_vreg.scatter [tilespmem:s0], [sflag:$0x5], $0x80, v7, vm0, $0xb8;
	[tilespmem:$0x18100] =	vst v63  }
0xd9: {  	s12 =	simm.s32 $0x5100  }
0xda: {  	[hbm4b:s9+s2] =	stream.indirect_vreg.scatter [tilespmem:s12], [sflag:$0x5], $0x80, v7, vm0, $0xb8;
	[tilespmem:$0x18100] =	vst v63  }
0xdb: {  	s29 =	simm.s32 $0x5900  }
0xdc: {  	[hbm4b:s10+s2] =	stream.indirect_vreg.scatter [tilespmem:s29], [sflag:$0x5], $0x80, v7, vm0, $0xb8;
	[tilespmem:$0x18100] =	vst v63  }
0xdd: {  	s24 =	simm.s32 $0x6100  }
0xde: {  	[hbm4b:s4+s2] =	stream.indirect_vreg.scatter [tilespmem:s24], [sflag:$0x5], $0x80, v8, vm0, $0xb8;
	[tilespmem:$0x18100] =	vst v63  }
0xdf: {  	s14 =	simm.s32 $0x6900  }
0xe0: {  	[hbm4b:s8+s2] =	stream.indirect_vreg.scatter [tilespmem:s14], [sflag:$0x5], $0x80, v8, vm0, $0xb8;
	[tilespmem:$0x18100] =	vst v63  }
0xe1: {  	s24 =	simm.s32 $0x7100  }
0xe2: {  	[hbm4b:s9+s2] =	stream.indirect_vreg.scatter [tilespmem:s24], [sflag:$0x5], $0x80, v8, vm0, $0xb8;
	[tilespmem:$0x18100] =	vst v63  }
0xe3: {  	s16 =	simm.s32 $0x7900  }
0xe4: {  	[hbm4b:s10+s2] =	stream.indirect_vreg.scatter [tilespmem:s16], [sflag:$0x5], $0x80, v8, vm0, $0xb8;
	[tilespmem:$0x18100] =	vst v63  }
0xe5: {  	s17 =	simm.s32 $0x10100  }
0xe6: {  	[hbm4b:s4+s2] =	stream.indirect_vreg.scatter [tilespmem:s17], [sflag:$0x5], $0x80, v9, vm0, $0xb8;
	[tilespmem:$0x18100] =	vst v63  }
0xe7: {  	s18 =	simm.s32 $0x10900  }
0xe8: {  	[hbm4b:s8+s2] =	stream.indirect_vreg.scatter [tilespmem:s18], [sflag:$0x5], $0x80, v9, vm0, $0xb8;
	[tilespmem:$0x18100] =	vst v63  }
0xe9: {  	s29 =	simm.s32 $0x11100  }
0xea: {  	[hbm4b:s9+s2] =	stream.indirect_vreg.scatter [tilespmem:s29], [sflag:$0x5], $0x80, v9, vm0, $0xb8;
	[tilespmem:$0x18100] =	vst v63  }
0xeb: {  	s29 =	simm.s32 $0x11900  }
0xec: {  	[hbm4b:s10+s2] =	stream.indirect_vreg.scatter [tilespmem:s29], [sflag:$0x5], $0x80, v9, vm0, $0xb8;
	[tilespmem:$0x18100] =	vst v63  }
0xed: {  	s29 =	simm.s32 $0x12100  }
0xee: {  	[hbm4b:s4+s2] =	stream.indirect_vreg.scatter [tilespmem:s29], [sflag:$0x5], $0x80, v10, vm0, $0xb8;
	[tilespmem:$0x18100] =	vst v63  }
0xef: {  	s29 =	simm.s32 $0x12900  }
0xf0: {  	[hbm4b:s8+s2] =	stream.indirect_vreg.scatter [tilespmem:s29], [sflag:$0x5], $0x80, v10, vm0, $0xb8;
	[tilespmem:$0x18100] =	vst v63  }
0xf1: {  	s29 =	simm.s32 $0x13100  }
0xf2: {  	[hbm4b:s9+s2] =	stream.indirect_vreg.scatter [tilespmem:s29], [sflag:$0x5], $0x80, v10, vm0, $0xb8;
	[tilespmem:$0x18100] =	vst v63  }
0xf3: {  	s29 =	simm.s32 $0x13900  }
0xf4: {  	[hbm4b:s10+s2] =	stream.indirect_vreg.scatter [tilespmem:s29], [sflag:$0x5], $0x80, v10, vm0, $0xb8;
	[tilespmem:$0x18100] =	vst v63  }
0xf5: {  	s29 =	simm.s32 $0x4  }
0xf6: {  	_ =	swait.ge [sflag:s29], $0x4000  }
0xf7: {  	[sflag:s29] =	ssyncset.done $0x0  }
0xf8: {  	[sflag:s29] =	ssyncadd.s32 $0xFFFFC000  }
0xf9: {  	_ =	swait.ge [sflag:s29], $0x4000  }
0xfa: {  	[sflag:s29] =	ssyncset.done $0x0  }
0xfb: {  	[sflag:s29] =	ssyncadd.s32 $0xFFFFC000  }
0xfc: {  	v63 =	vld [tilespmem:$0x30];
	_ =	sdelay $0x4  }
0xfd: {  	v40 =	vshll.u32 v63, $0x3  }
0xfe: {  	v35 =	vand.u32 $0x7, v63;
	v36 =	vand.u32 $0xFFFFFFC0, v40  }
0xff: {  	v35 =	vor.u32 v35, v36  }
0x100: {  	v36 =	vperm.xlane v35, v0;
	_ =	sdelay $0x1  }
0x101: {  	v36 =	vadd.s32 v2, v36;
	_ =	sdelay $0x3  }
0x102: {  	s1 =	simm.s32 $0x100  }
0x103: {  	v41 =	vld [tilespmem:$0xB0];
	[tilespmem:s1], [sflag:$0x1] =	stream.indirect_vreg.gather [hbm4b:s3+s2], $0x80, v36, vm0, $0xb8  }
0x104: {  	v35 =	vperm.xlane v35, v1;
	s1 =	simm.s32 $0x900  }
0x105: {  	[tilespmem:s1], [sflag:$0x1] =	stream.indirect_vreg.gather [hbm4b:s5+s2], $0x80, v36, vm0, $0xb8;
	[tilespmem:$0x18100] =	vst v63  }
0x106: {  	v35 =	vadd.s32 v2, v35;
	s1 =	simm.s32 $0x1100  }
0x107: {  	[tilespmem:s1], [sflag:$0x1] =	stream.indirect_vreg.gather [hbm4b:s6+s2], $0x80, v36, vm0, $0xb8;
	[tilespmem:$0x18100] =	vst v63  }
0x108: {  	s1 =	simm.s32 $0x1900  }
0x109: {  	v42 =	vshll.u32 v41, $0x3;
	[tilespmem:s1], [sflag:$0x1] =	stream.indirect_vreg.gather [hbm4b:s7+s2], $0x80, v36, vm0, $0xb8;
	[tilespmem:$0x18100] =	vst v63  }
0x10a: {  	v37 =	vand.u32 $0x7, v41;
	v36 =	vand.u32 $0xFFFFFFC0, v42;
	s1 =	simm.s32 $0x2100  }
0x10b: {  	v36 =	vor.u32 v37, v36;
	[tilespmem:s1], [sflag:$0x1] =	stream.indirect_vreg.gather [hbm4b:s3+s2], $0x80, v35, vm0, $0xb8;
	[tilespmem:$0x18100] =	vst v63  }
0x10c: {  	v37 =	vperm.xlane v36, v0;
	s1 =	simm.s32 $0x2900  }
0x10d: {  	[tilespmem:s1], [sflag:$0x1] =	stream.indirect_vreg.gather [hbm4b:s5+s2], $0x80, v35, vm0, $0xb8;
	[tilespmem:$0x18100] =	vst v63  }
0x10e: {  	s30 =	simm.s32 $0x3100;
	v37 =	vadd.s32 v2, v37  }
0x10f: {  	[tilespmem:s30], [sflag:$0x1] =	stream.indirect_vreg.gather [hbm4b:s6+s2], $0x80, v35, vm0, $0xb8;
	[tilespmem:$0x18100] =	vst v63  }
0x110: {  	s30 =	simm.s32 $0x3900  }
0x111: {  	[tilespmem:s30], [sflag:$0x1] =	stream.indirect_vreg.gather [hbm4b:s7+s2], $0x80, v35, vm0, $0xb8;
	[tilespmem:$0x18100] =	vst v63  }
0x112: {  	s30 =	simm.s32 $0xC100  }
0x113: {  	[tilespmem:s30], [sflag:$0x1] =	stream.indirect_vreg.gather [hbm4b:s3+s2], $0x80, v37, vm0, $0xb8;
	[tilespmem:$0x18100] =	vst v63  }
0x114: {  	s28 =	simm.s32 $0xC900;
	v43 =	vperm.xlane v36, v1  }
0x115: {  	[tilespmem:s28], [sflag:$0x1] =	stream.indirect_vreg.gather [hbm4b:s5+s2], $0x80, v37, vm0, $0xb8;
	[tilespmem:$0x18100] =	vst v63  }
0x116: {  	s13 =	simm.s32 $0xD100;
	v35 =	vadd.s32 v2, v43  }
0x117: {  	[tilespmem:s13], [sflag:$0x1] =	stream.indirect_vreg.gather [hbm4b:s6+s2], $0x80, v37, vm0, $0xb8;
	[tilespmem:$0x18100] =	vst v63  }
0x118: {  	s19 =	simm.s32 $0xD900  }
0x119: {  	[tilespmem:s19], [sflag:$0x1] =	stream.indirect_vreg.gather [hbm4b:s7+s2], $0x80, v37, vm0, $0xb8;
	[tilespmem:$0x18100] =	vst v63  }
0x11a: {  	s20 =	simm.s32 $0xE100  }
0x11b: {  	[tilespmem:s20], [sflag:$0x1] =	stream.indirect_vreg.gather [hbm4b:s3+s2], $0x80, v35, vm0, $0xb8;
	[tilespmem:$0x18100] =	vst v63  }
0x11c: {  	s21 =	simm.s32 $0xE900  }
0x11d: {  	[tilespmem:s21], [sflag:$0x1] =	stream.indirect_vreg.gather [hbm4b:s5+s2], $0x80, v35, vm0, $0xb8;
	[tilespmem:$0x18100] =	vst v63  }
0x11e: {  	s22 =	simm.s32 $0xF100  }
0x11f: {  	[tilespmem:s22], [sflag:$0x1] =	stream.indirect_vreg.gather [hbm4b:s6+s2], $0x80, v35, vm0, $0xb8;
	[tilespmem:$0x18100] =	vst v63  }
0x120: {  	s15 =	simm.s32 $0xF900;
	s30 =	simm.s32 $0x3  }
0x121: {  	[tilespmem:s15], [sflag:$0x1] =	stream.indirect_vreg.gather [hbm4b:s7+s2], $0x80, v35, vm0, $0xb8;
	[tilespmem:$0x18100] =	vst v63  }
0x122: {  	_ =	swait.ge [sflag:s30], $0x4000  }
0x123: {  	[sflag:s30] =	ssyncset.done $0x0  }
0x124: {  	[sflag:s30] =	ssyncadd.s32 $0xFFFFC000  }
0x125: {  	_ =	swait.ge [sflag:s30], $0x4000  }
0x126: {  	[sflag:s30] =	ssyncset.done $0x0  }
0x127: {  	s28 =	simm.s32 $0x8100;
	[sflag:s30] =	ssyncadd.s32 $0xFFFFC000  }
0x128: {  	[hbm4b:s4+s2] =	stream.indirect_vreg.scatter [tilespmem:s28], [sflag:$0x6], $0x80, v11, vm0, $0xb8;
	[tilespmem:$0x18100] =	vst v63  }
0x129: {  	s22 =	simm.s32 $0x8900  }
0x12a: {  	[hbm4b:s8+s2] =	stream.indirect_vreg.scatter [tilespmem:s22], [sflag:$0x6], $0x80, v11, vm0, $0xb8;
	[tilespmem:$0x18100] =	vst v63  }
0x12b: {  	s13 =	simm.s32 $0x9100  }
0x12c: {  	[hbm4b:s9+s2] =	stream.indirect_vreg.scatter [tilespmem:s13], [sflag:$0x6], $0x80, v11, vm0, $0xb8;
	[tilespmem:$0x18100] =	vst v63  }
0x12d: {  	s23 =	simm.s32 $0x9900  }
0x12e: {  	[hbm4b:s10+s2] =	stream.indirect_vreg.scatter [tilespmem:s23], [sflag:$0x6], $0x80, v11, vm0, $0xb8;
	[tilespmem:$0x18100] =	vst v63  }
0x12f: {  	s31 =	simm.s32 $0xA100  }
0x130: {  	[hbm4b:s4+s2] =	stream.indirect_vreg.scatter [tilespmem:s31], [sflag:$0x6], $0x80, v12, vm0, $0xb8;
	[tilespmem:$0x18100] =	vst v63  }
0x131: {  	s15 =	simm.s32 $0xA900  }
0x132: {  	[hbm4b:s8+s2] =	stream.indirect_vreg.scatter [tilespmem:s15], [sflag:$0x6], $0x80, v12, vm0, $0xb8;
	[tilespmem:$0x18100] =	vst v63  }
0x133: {  	s19 =	simm.s32 $0xB100  }
0x134: {  	[hbm4b:s9+s2] =	stream.indirect_vreg.scatter [tilespmem:s19], [sflag:$0x6], $0x80, v12, vm0, $0xb8;
	[tilespmem:$0x18100] =	vst v63  }
0x135: {  	s20 =	simm.s32 $0xB900  }
0x136: {  	[hbm4b:s10+s2] =	stream.indirect_vreg.scatter [tilespmem:s20], [sflag:$0x6], $0x80, v12, vm0, $0xb8;
	[tilespmem:$0x18100] =	vst v63  }
0x137: {  	s21 =	simm.s32 $0x14100  }
0x138: {  	[hbm4b:s4+s2] =	stream.indirect_vreg.scatter [tilespmem:s21], [sflag:$0x6], $0x80, v13, vm0, $0xb8;
	[tilespmem:$0x18100] =	vst v63  }
0x139: {  	s23 =	simm.s32 $0x14900  }
0x13a: {  	[hbm4b:s8+s2] =	stream.indirect_vreg.scatter [tilespmem:s23], [sflag:$0x6], $0x80, v13, vm0, $0xb8;
	[tilespmem:$0x18100] =	vst v63  }
0x13b: {  	s1 =	simm.s32 $0x15100  }
0x13c: {  	[hbm4b:s9+s2] =	stream.indirect_vreg.scatter [tilespmem:s1], [sflag:$0x6], $0x80, v13, vm0, $0xb8;
	[tilespmem:$0x18100] =	vst v63  }
0x13d: {  	s1 =	simm.s32 $0x15900  }
0x13e: {  	[hbm4b:s10+s2] =	stream.indirect_vreg.scatter [tilespmem:s1], [sflag:$0x6], $0x80, v13, vm0, $0xb8;
	[tilespmem:$0x18100] =	vst v63  }
0x13f: {  	s1 =	simm.s32 $0x16100  }
0x140: {  	[hbm4b:s4+s2] =	stream.indirect_vreg.scatter [tilespmem:s1], [sflag:$0x6], $0x80, v14, vm0, $0xb8;
	[tilespmem:$0x18100] =	vst v63  }
0x141: {  	s1 =	simm.s32 $0x16900  }
0x142: {  	[hbm4b:s8+s2] =	stream.indirect_vreg.scatter [tilespmem:s1], [sflag:$0x6], $0x80, v14, vm0, $0xb8;
	[tilespmem:$0x18100] =	vst v63  }
0x143: {  	s1 =	simm.s32 $0x17100  }
0x144: {  	[hbm4b:s9+s2] =	stream.indirect_vreg.scatter [tilespmem:s1], [sflag:$0x6], $0x80, v14, vm0, $0xb8;
	[tilespmem:$0x18100] =	vst v63  }
0x145: {  	s31 =	simm.s32 $0x17900;
	s1 =	simm.s32 $0x5  }
0x146: {  	[hbm4b:s10+s2] =	stream.indirect_vreg.scatter [tilespmem:s31], [sflag:$0x6], $0x80, v14, vm0, $0xb8;
	[tilespmem:$0x18100] =	vst v63  }
0x147: {  	_ =	swait.ge [sflag:s1], $0x4000  }
0x148: {  	[sflag:s1] =	ssyncset.done $0x0  }
0x149: {  	[sflag:s1] =	ssyncadd.s32 $0xFFFFC000  }
0x14a: {  	_ =	swait.ge [sflag:s1], $0x4000  }
0x14b: {  	[sflag:s1] =	ssyncset.done $0x0  }
0x14c: {  	[sflag:s1] =	ssyncadd.s32 $0xFFFFC000  }
0x14d: {  	v44 =	vld [tilespmem:$0x40];
	_ =	sdelay $0x4  }
0x14e: {  	v45 =	vshll.u32 v44, $0x3  }
0x14f: {  	v35 =	vand.u32 $0x7, v44;
	v36 =	vand.u32 $0xFFFFFFC0, v45  }
0x150: {  	v35 =	vor.u32 v35, v36  }
0x151: {  	v36 =	vperm.xlane v35, v0;
	_ =	sdelay $0x1  }
0x152: {  	v36 =	vadd.s32 v2, v36;
	_ =	sdelay $0x4  }
0x153: {  	v46 =	vld [tilespmem:$0xC0];
	[tilespmem:s11], [sflag:$0x2] =	stream.indirect_vreg.gather [hbm4b:s3+s2], $0x80, v36, vm0, $0xb8  }
0x154: {  	v35 =	vperm.xlane v35, v1  }
0x155: {  	[tilespmem:s0], [sflag:$0x2] =	stream.indirect_vreg.gather [hbm4b:s5+s2], $0x80, v36, vm0, $0xb8;
	[tilespmem:$0x18100] =	vst v63  }
0x156: {  	v35 =	vadd.s32 v2, v35  }
0x157: {  	[tilespmem:s12], [sflag:$0x2] =	stream.indirect_vreg.gather [hbm4b:s6+s2], $0x80, v36, vm0, $0xb8;
	[tilespmem:$0x18100] =	vst v63  }
0x158: {  	s11 =	simm.s32 $0x5900  }
0x159: {  	v47 =	vshll.u32 v46, $0x3;
	[tilespmem:s11], [sflag:$0x2] =	stream.indirect_vreg.gather [hbm4b:s7+s2], $0x80, v36, vm0, $0xb8;
	[tilespmem:$0x18100] =	vst v63  }
0x15a: {  	v37 =	vand.u32 $0x7, v46;
	s12 =	simm.s32 $0x6100;
	v36 =	vand.u32 $0xFFFFFFC0, v47  }
0x15b: {  	v36 =	vor.u32 v37, v36;
	[tilespmem:s12], [sflag:$0x2] =	stream.indirect_vreg.gather [hbm4b:s3+s2], $0x80, v35, vm0, $0xb8;
	[tilespmem:$0x18100] =	vst v63  }
0x15c: {  	v37 =	vperm.xlane v36, v0  }
0x15d: {  	[tilespmem:s14], [sflag:$0x2] =	stream.indirect_vreg.gather [hbm4b:s5+s2], $0x80, v35, vm0, $0xb8;
	[tilespmem:$0x18100] =	vst v63  }
0x15e: {  	v37 =	vadd.s32 v2, v37  }
0x15f: {  	[tilespmem:s24], [sflag:$0x2] =	stream.indirect_vreg.gather [hbm4b:s6+s2], $0x80, v35, vm0, $0xb8;
	[tilespmem:$0x18100] =	vst v63  }
0x160: {  	_ = 	snop  }
0x161: {  	[tilespmem:s16], [sflag:$0x2] =	stream.indirect_vreg.gather [hbm4b:s7+s2], $0x80, v35, vm0, $0xb8;
	[tilespmem:$0x18100] =	vst v63  }
0x162: {  	_ = 	snop  }
0x163: {  	[tilespmem:s17], [sflag:$0x2] =	stream.indirect_vreg.gather [hbm4b:s3+s2], $0x80, v37, vm0, $0xb8;
	[tilespmem:$0x18100] =	vst v63  }
0x164: {  	v48 =	vperm.xlane v36, v1  }
0x165: {  	[tilespmem:s18], [sflag:$0x2] =	stream.indirect_vreg.gather [hbm4b:s5+s2], $0x80, v37, vm0, $0xb8;
	[tilespmem:$0x18100] =	vst v63  }
0x166: {  	s14 =	simm.s32 $0x11100;
	v35 =	vadd.s32 v2, v48  }
0x167: {  	[tilespmem:s14], [sflag:$0x2] =	stream.indirect_vreg.gather [hbm4b:s6+s2], $0x80, v37, vm0, $0xb8;
	[tilespmem:$0x18100] =	vst v63  }
0x168: {  	s16 =	simm.s32 $0x11900  }
0x169: {  	[tilespmem:s16], [sflag:$0x2] =	stream.indirect_vreg.gather [hbm4b:s7+s2], $0x80, v37, vm0, $0xb8;
	[tilespmem:$0x18100] =	vst v63  }
0x16a: {  	s17 =	simm.s32 $0x12100  }
0x16b: {  	[tilespmem:s17], [sflag:$0x2] =	stream.indirect_vreg.gather [hbm4b:s3+s2], $0x80, v35, vm0, $0xb8;
	[tilespmem:$0x18100] =	vst v63  }
0x16c: {  	s18 =	simm.s32 $0x12900  }
0x16d: {  	[tilespmem:s18], [sflag:$0x2] =	stream.indirect_vreg.gather [hbm4b:s5+s2], $0x80, v35, vm0, $0xb8;
	[tilespmem:$0x18100] =	vst v63  }
0x16e: {  	s24 =	simm.s32 $0x13100  }
0x16f: {  	[tilespmem:s24], [sflag:$0x2] =	stream.indirect_vreg.gather [hbm4b:s6+s2], $0x80, v35, vm0, $0xb8;
	[tilespmem:$0x18100] =	vst v63  }
0x170: {  	s11 =	simm.s32 $0x13900  }
0x171: {  	[tilespmem:s11], [sflag:$0x2] =	stream.indirect_vreg.gather [hbm4b:s7+s2], $0x80, v35, vm0, $0xb8;
	[tilespmem:$0x18100] =	vst v63  }
0x172: {  	_ =	swait.ge [sflag:s25], $0x4000  }
0x173: {  	[sflag:s25] =	ssyncset.done $0x0  }
0x174: {  	[sflag:s25] =	ssyncadd.s32 $0xFFFFC000  }
0x175: {  	_ =	swait.ge [sflag:s25], $0x4000  }
0x176: {  	[sflag:s25] =	ssyncset.done $0x0  }
0x177: {  	s12 =	simm.s32 $0x100;
	[sflag:s25] =	ssyncadd.s32 $0xFFFFC000  }
0x178: {  	[hbm4b:s4+s2] =	stream.indirect_vreg.scatter [tilespmem:s12], [sflag:$0x4], $0x80, v15, vm0, $0xb8;
	[tilespmem:$0x18100] =	vst v63  }
0x179: {  	s14 =	simm.s32 $0x900  }
0x17a: {  	[hbm4b:s8+s2] =	stream.indirect_vreg.scatter [tilespmem:s14], [sflag:$0x4], $0x80, v15, vm0, $0xb8;
	[tilespmem:$0x18100] =	vst v63  }
0x17b: {  	s16 =	simm.s32 $0x1100  }
0x17c: {  	[hbm4b:s9+s2] =	stream.indirect_vreg.scatter [tilespmem:s16], [sflag:$0x4], $0x80, v15, vm0, $0xb8;
	[tilespmem:$0x18100] =	vst v63  }
0x17d: {  	s17 =	simm.s32 $0x1900  }
0x17e: {  	[hbm4b:s10+s2] =	stream.indirect_vreg.scatter [tilespmem:s17], [sflag:$0x4], $0x80, v15, vm0, $0xb8;
	[tilespmem:$0x18100] =	vst v63  }
0x17f: {  	s18 =	simm.s32 $0x2100  }
0x180: {  	[hbm4b:s4+s2] =	stream.indirect_vreg.scatter [tilespmem:s18], [sflag:$0x4], $0x80, v16, vm0, $0xb8;
	[tilespmem:$0x18100] =	vst v63  }
0x181: {  	s24 =	simm.s32 $0x2900  }
0x182: {  	[hbm4b:s8+s2] =	stream.indirect_vreg.scatter [tilespmem:s24], [sflag:$0x4], $0x80, v16, vm0, $0xb8;
	[tilespmem:$0x18100] =	vst v63  }
0x183: {  	s11 =	simm.s32 $0x3100  }
0x184: {  	[hbm4b:s9+s2] =	stream.indirect_vreg.scatter [tilespmem:s11], [sflag:$0x4], $0x80, v16, vm0, $0xb8;
	[tilespmem:$0x18100] =	vst v63  }
0x185: {  	s12 =	simm.s32 $0x3900  }
0x186: {  	[hbm4b:s10+s2] =	stream.indirect_vreg.scatter [tilespmem:s12], [sflag:$0x4], $0x80, v16, vm0, $0xb8;
	[tilespmem:$0x18100] =	vst v63  }
0x187: {  	s14 =	simm.s32 $0xC100  }
0x188: {  	[hbm4b:s4+s2] =	stream.indirect_vreg.scatter [tilespmem:s14], [sflag:$0x4], $0x80, v17, vm0, $0xb8;
	[tilespmem:$0x18100] =	vst v63  }
0x189: {  	s16 =	simm.s32 $0xC900  }
0x18a: {  	[hbm4b:s8+s2] =	stream.indirect_vreg.scatter [tilespmem:s16], [sflag:$0x4], $0x80, v17, vm0, $0xb8;
	[tilespmem:$0x18100] =	vst v63  }
0x18b: {  	s14 =	simm.s32 $0xD100  }
0x18c: {  	[hbm4b:s9+s2] =	stream.indirect_vreg.scatter [tilespmem:s14], [sflag:$0x4], $0x80, v17, vm0, $0xb8;
	[tilespmem:$0x18100] =	vst v63  }
0x18d: {  	s17 =	simm.s32 $0xD900  }
0x18e: {  	[hbm4b:s10+s2] =	stream.indirect_vreg.scatter [tilespmem:s17], [sflag:$0x4], $0x80, v17, vm0, $0xb8;
	[tilespmem:$0x18100] =	vst v63  }
0x18f: {  	s24 =	simm.s32 $0xE100  }
0x190: {  	[hbm4b:s4+s2] =	stream.indirect_vreg.scatter [tilespmem:s24], [sflag:$0x4], $0x80, v18, vm0, $0xb8;
	[tilespmem:$0x18100] =	vst v63  }
0x191: {  	s18 =	simm.s32 $0xE900  }
0x192: {  	[hbm4b:s8+s2] =	stream.indirect_vreg.scatter [tilespmem:s18], [sflag:$0x4], $0x80, v18, vm0, $0xb8;
	[tilespmem:$0x18100] =	vst v63  }
0x193: {  	s17 =	simm.s32 $0xF100  }
0x194: {  	[hbm4b:s9+s2] =	stream.indirect_vreg.scatter [tilespmem:s17], [sflag:$0x4], $0x80, v18, vm0, $0xb8;
	[tilespmem:$0x18100] =	vst v63  }
0x195: {  	s12 =	simm.s32 $0x6;
	s18 =	simm.s32 $0xF900  }
0x196: {  	[hbm4b:s10+s2] =	stream.indirect_vreg.scatter [tilespmem:s18], [sflag:$0x4], $0x80, v18, vm0, $0xb8;
	[tilespmem:$0x18100] =	vst v63  }
0x197: {  	_ =	swait.ge [sflag:s12], $0x4000  }
0x198: {  	[sflag:s12] =	ssyncset.done $0x0  }
0x199: {  	[sflag:s12] =	ssyncadd.s32 $0xFFFFC000  }
0x19a: {  	_ =	swait.ge [sflag:s12], $0x4000  }
0x19b: {  	[sflag:s12] =	ssyncset.done $0x0  }
0x19c: {  	[sflag:s12] =	ssyncadd.s32 $0xFFFFC000  }
0x19d: {  	v49 =	vld [tilespmem:$0x50];
	_ =	sdelay $0x4  }
0x19e: {  	v50 =	vshll.u32 v49, $0x3  }
0x19f: {  	v35 =	vand.u32 $0x7, v49;
	v36 =	vand.u32 $0xFFFFFFC0, v50  }
0x1a0: {  	v35 =	vor.u32 v35, v36  }
0x1a1: {  	v36 =	vperm.xlane v35, v0;
	_ =	sdelay $0x1  }
0x1a2: {  	v36 =	vadd.s32 v2, v36;
	_ =	sdelay $0x4  }
0x1a3: {  	v51 =	vld [tilespmem:$0xD0];
	[tilespmem:s28], [sflag:$0x3] =	stream.indirect_vreg.gather [hbm4b:s3+s2], $0x80, v36, vm0, $0xb8  }
0x1a4: {  	v35 =	vperm.xlane v35, v1  }
0x1a5: {  	[tilespmem:s22], [sflag:$0x3] =	stream.indirect_vreg.gather [hbm4b:s5+s2], $0x80, v36, vm0, $0xb8;
	[tilespmem:$0x18100] =	vst v63  }
0x1a6: {  	v35 =	vadd.s32 v2, v35  }
0x1a7: {  	[tilespmem:s13], [sflag:$0x3] =	stream.indirect_vreg.gather [hbm4b:s6+s2], $0x80, v36, vm0, $0xb8;
	[tilespmem:$0x18100] =	vst v63  }
0x1a8: {  	s16 =	simm.s32 $0x9900  }
0x1a9: {  	v52 =	vshll.u32 v51, $0x3;
	[tilespmem:s16], [sflag:$0x3] =	stream.indirect_vreg.gather [hbm4b:s7+s2], $0x80, v36, vm0, $0xb8;
	[tilespmem:$0x18100] =	vst v63  }
0x1aa: {  	s0 =	simm.s32 $0xA100;
	v37 =	vand.u32 $0x7, v51;
	v36 =	vand.u32 $0xFFFFFFC0, v52  }
0x1ab: {  	v36 =	vor.u32 v37, v36;
	[tilespmem:s0], [sflag:$0x3] =	stream.indirect_vreg.gather [hbm4b:s3+s2], $0x80, v35, vm0, $0xb8;
	[tilespmem:$0x18100] =	vst v63  }
0x1ac: {  	v37 =	vperm.xlane v36, v0  }
0x1ad: {  	[tilespmem:s15], [sflag:$0x3] =	stream.indirect_vreg.gather [hbm4b:s5+s2], $0x80, v35, vm0, $0xb8;
	[tilespmem:$0x18100] =	vst v63  }
0x1ae: {  	v37 =	vadd.s32 v2, v37  }
0x1af: {  	[tilespmem:s19], [sflag:$0x3] =	stream.indirect_vreg.gather [hbm4b:s6+s2], $0x80, v35, vm0, $0xb8;
	[tilespmem:$0x18100] =	vst v63  }
0x1b0: {  	_ = 	snop  }
0x1b1: {  	[tilespmem:s20], [sflag:$0x3] =	stream.indirect_vreg.gather [hbm4b:s7+s2], $0x80, v35, vm0, $0xb8;
	[tilespmem:$0x18100] =	vst v63  }
0x1b2: {  	_ = 	snop  }
0x1b3: {  	[tilespmem:s21], [sflag:$0x3] =	stream.indirect_vreg.gather [hbm4b:s3+s2], $0x80, v37, vm0, $0xb8;
	[tilespmem:$0x18100] =	vst v63  }
0x1b4: {  	v53 =	vperm.xlane v36, v1  }
0x1b5: {  	[tilespmem:s23], [sflag:$0x3] =	stream.indirect_vreg.gather [hbm4b:s5+s2], $0x80, v37, vm0, $0xb8;
	[tilespmem:$0x18100] =	vst v63  }
0x1b6: {  	s11 =	simm.s32 $0x15100;
	v35 =	vadd.s32 v2, v53  }
0x1b7: {  	[tilespmem:s11], [sflag:$0x3] =	stream.indirect_vreg.gather [hbm4b:s6+s2], $0x80, v37, vm0, $0xb8;
	[tilespmem:$0x18100] =	vst v63  }
0x1b8: {  	s13 =	simm.s32 $0x15900  }
0x1b9: {  	[tilespmem:s13], [sflag:$0x3] =	stream.indirect_vreg.gather [hbm4b:s7+s2], $0x80, v37, vm0, $0xb8;
	[tilespmem:$0x18100] =	vst v63  }
0x1ba: {  	s15 =	simm.s32 $0x16100  }
0x1bb: {  	[tilespmem:s15], [sflag:$0x3] =	stream.indirect_vreg.gather [hbm4b:s3+s2], $0x80, v35, vm0, $0xb8;
	[tilespmem:$0x18100] =	vst v63  }
0x1bc: {  	s19 =	simm.s32 $0x16900  }
0x1bd: {  	[tilespmem:s19], [sflag:$0x3] =	stream.indirect_vreg.gather [hbm4b:s5+s2], $0x80, v35, vm0, $0xb8;
	[tilespmem:$0x18100] =	vst v63  }
0x1be: {  	s15 =	simm.s32 $0x17100  }
0x1bf: {  	[tilespmem:s15], [sflag:$0x3] =	stream.indirect_vreg.gather [hbm4b:s6+s2], $0x80, v35, vm0, $0xb8;
	[tilespmem:$0x18100] =	vst v63  }
0x1c0: {  	_ = 	snop  }
0x1c1: {  	[tilespmem:s31], [sflag:$0x3] =	stream.indirect_vreg.gather [hbm4b:s7+s2], $0x80, v35, vm0, $0xb8;
	[tilespmem:$0x18100] =	vst v63  }
0x1c2: {  	_ =	swait.ge [sflag:s26], $0x4000  }
0x1c3: {  	[sflag:s26] =	ssyncset.done $0x0  }
0x1c4: {  	[sflag:s26] =	ssyncadd.s32 $0xFFFFC000  }
0x1c5: {  	_ =	swait.ge [sflag:s26], $0x4000  }
0x1c6: {  	[sflag:s26] =	ssyncset.done $0x0  }
0x1c7: {  	s15 =	simm.s32 $0x4100;
	[sflag:s26] =	ssyncadd.s32 $0xFFFFC000  }
0x1c8: {  	[hbm4b:s4+s2] =	stream.indirect_vreg.scatter [tilespmem:s15], [sflag:$0x5], $0x80, v19, vm0, $0xb8;
	[tilespmem:$0x18100] =	vst v63  }
0x1c9: {  	s15 =	simm.s32 $0x4900  }
0x1ca: {  	[hbm4b:s8+s2] =	stream.indirect_vreg.scatter [tilespmem:s15], [sflag:$0x5], $0x80, v19, vm0, $0xb8;
	[tilespmem:$0x18100] =	vst v63  }
0x1cb: {  	s15 =	simm.s32 $0x5100  }
0x1cc: {  	[hbm4b:s9+s2] =	stream.indirect_vreg.scatter [tilespmem:s15], [sflag:$0x5], $0x80, v19, vm0, $0xb8;
	[tilespmem:$0x18100] =	vst v63  }
0x1cd: {  	s15 =	simm.s32 $0x5900  }
0x1ce: {  	[hbm4b:s10+s2] =	stream.indirect_vreg.scatter [tilespmem:s15], [sflag:$0x5], $0x80, v19, vm0, $0xb8;
	[tilespmem:$0x18100] =	vst v63  }
0x1cf: {  	s15 =	simm.s32 $0x6100  }
0x1d0: {  	[hbm4b:s4+s2] =	stream.indirect_vreg.scatter [tilespmem:s15], [sflag:$0x5], $0x80, v20, vm0, $0xb8;
	[tilespmem:$0x18100] =	vst v63  }
0x1d1: {  	s15 =	simm.s32 $0x6900  }
0x1d2: {  	[hbm4b:s8+s2] =	stream.indirect_vreg.scatter [tilespmem:s15], [sflag:$0x5], $0x80, v20, vm0, $0xb8;
	[tilespmem:$0x18100] =	vst v63  }
0x1d3: {  	s15 =	simm.s32 $0x7100  }
0x1d4: {  	[hbm4b:s9+s2] =	stream.indirect_vreg.scatter [tilespmem:s15], [sflag:$0x5], $0x80, v20, vm0, $0xb8;
	[tilespmem:$0x18100] =	vst v63  }
0x1d5: {  	s15 =	simm.s32 $0x7900  }
0x1d6: {  	[hbm4b:s10+s2] =	stream.indirect_vreg.scatter [tilespmem:s15], [sflag:$0x5], $0x80, v20, vm0, $0xb8;
	[tilespmem:$0x18100] =	vst v63  }
0x1d7: {  	s15 =	simm.s32 $0x10100  }
0x1d8: {  	[hbm4b:s4+s2] =	stream.indirect_vreg.scatter [tilespmem:s15], [sflag:$0x5], $0x80, v21, vm0, $0xb8;
	[tilespmem:$0x18100] =	vst v63  }
0x1d9: {  	s15 =	simm.s32 $0x10900  }
0x1da: {  	[hbm4b:s8+s2] =	stream.indirect_vreg.scatter [tilespmem:s15], [sflag:$0x5], $0x80, v21, vm0, $0xb8;
	[tilespmem:$0x18100] =	vst v63  }
0x1db: {  	s15 =	simm.s32 $0x11100  }
0x1dc: {  	[hbm4b:s9+s2] =	stream.indirect_vreg.scatter [tilespmem:s15], [sflag:$0x5], $0x80, v21, vm0, $0xb8;
	[tilespmem:$0x18100] =	vst v63  }
0x1dd: {  	s15 =	simm.s32 $0x11900  }
0x1de: {  	[hbm4b:s10+s2] =	stream.indirect_vreg.scatter [tilespmem:s15], [sflag:$0x5], $0x80, v21, vm0, $0xb8;
	[tilespmem:$0x18100] =	vst v63  }
0x1df: {  	s15 =	simm.s32 $0x12100  }
0x1e0: {  	[hbm4b:s4+s2] =	stream.indirect_vreg.scatter [tilespmem:s15], [sflag:$0x5], $0x80, v22, vm0, $0xb8;
	[tilespmem:$0x18100] =	vst v63  }
0x1e1: {  	s15 =	simm.s32 $0x12900  }
0x1e2: {  	[hbm4b:s8+s2] =	stream.indirect_vreg.scatter [tilespmem:s15], [sflag:$0x5], $0x80, v22, vm0, $0xb8;
	[tilespmem:$0x18100] =	vst v63  }
0x1e3: {  	s15 =	simm.s32 $0x13100  }
0x1e4: {  	[hbm4b:s9+s2] =	stream.indirect_vreg.scatter [tilespmem:s15], [sflag:$0x5], $0x80, v22, vm0, $0xb8;
	[tilespmem:$0x18100] =	vst v63  }
0x1e5: {  	s15 =	simm.s32 $0x13900  }
0x1e6: {  	[hbm4b:s10+s2] =	stream.indirect_vreg.scatter [tilespmem:s15], [sflag:$0x5], $0x80, v22, vm0, $0xb8;
	[tilespmem:$0x18100] =	vst v63  }
0x1e7: {  	_ =	swait.ge [sflag:s29], $0x4000  }
0x1e8: {  	[sflag:s29] =	ssyncset.done $0x0  }
0x1e9: {  	[sflag:s29] =	ssyncadd.s32 $0xFFFFC000  }
0x1ea: {  	_ =	swait.ge [sflag:s29], $0x4000  }
0x1eb: {  	[sflag:s29] =	ssyncset.done $0x0  }
0x1ec: {  	[sflag:s29] =	ssyncadd.s32 $0xFFFFC000  }
0x1ed: {  	v54 =	vld [tilespmem:$0x60];
	_ =	sdelay $0x4  }
0x1ee: {  	v55 =	vshll.u32 v54, $0x3  }
0x1ef: {  	v35 =	vand.u32 $0x7, v54;
	v36 =	vand.u32 $0xFFFFFFC0, v55  }
0x1f0: {  	v35 =	vor.u32 v35, v36  }
0x1f1: {  	v36 =	vperm.xlane v35, v0;
	_ =	sdelay $0x1  }
0x1f2: {  	v36 =	vadd.s32 v2, v36;
	_ =	sdelay $0x3  }
0x1f3: {  	s15 =	simm.s32 $0x100  }
0x1f4: {  	v56 =	vld [tilespmem:$0xE0];
	[tilespmem:s15], [sflag:$0x1] =	stream.indirect_vreg.gather [hbm4b:s3+s2], $0x80, v36, vm0, $0xb8  }
0x1f5: {  	v35 =	vperm.xlane v35, v1;
	s15 =	simm.s32 $0x900  }
0x1f6: {  	[tilespmem:s15], [sflag:$0x1] =	stream.indirect_vreg.gather [hbm4b:s5+s2], $0x80, v36, vm0, $0xb8;
	[tilespmem:$0x18100] =	vst v63  }
0x1f7: {  	v35 =	vadd.s32 v2, v35;
	s15 =	simm.s32 $0x1100  }
0x1f8: {  	[tilespmem:s15], [sflag:$0x1] =	stream.indirect_vreg.gather [hbm4b:s6+s2], $0x80, v36, vm0, $0xb8;
	[tilespmem:$0x18100] =	vst v63  }
0x1f9: {  	s15 =	simm.s32 $0x1900  }
0x1fa: {  	v57 =	vshll.u32 v56, $0x3;
	[tilespmem:s15], [sflag:$0x1] =	stream.indirect_vreg.gather [hbm4b:s7+s2], $0x80, v36, vm0, $0xb8;
	[tilespmem:$0x18100] =	vst v63  }
0x1fb: {  	v37 =	vand.u32 $0x7, v56;
	v36 =	vand.u32 $0xFFFFFFC0, v57;
	s15 =	simm.s32 $0x2100  }
0x1fc: {  	v36 =	vor.u32 v37, v36;
	[tilespmem:s15], [sflag:$0x1] =	stream.indirect_vreg.gather [hbm4b:s3+s2], $0x80, v35, vm0, $0xb8;
	[tilespmem:$0x18100] =	vst v63  }
0x1fd: {  	v37 =	vperm.xlane v36, v0;
	s15 =	simm.s32 $0x2900  }
0x1fe: {  	[tilespmem:s15], [sflag:$0x1] =	stream.indirect_vreg.gather [hbm4b:s5+s2], $0x80, v35, vm0, $0xb8;
	[tilespmem:$0x18100] =	vst v63  }
0x1ff: {  	v37 =	vadd.s32 v2, v37;
	s15 =	simm.s32 $0x3100  }
0x200: {  	[tilespmem:s15], [sflag:$0x1] =	stream.indirect_vreg.gather [hbm4b:s6+s2], $0x80, v35, vm0, $0xb8;
	[tilespmem:$0x18100] =	vst v63  }
0x201: {  	s15 =	simm.s32 $0x3900  }
0x202: {  	[tilespmem:s15], [sflag:$0x1] =	stream.indirect_vreg.gather [hbm4b:s7+s2], $0x80, v35, vm0, $0xb8;
	[tilespmem:$0x18100] =	vst v63  }
0x203: {  	s15 =	simm.s32 $0xC100  }
0x204: {  	[tilespmem:s15], [sflag:$0x1] =	stream.indirect_vreg.gather [hbm4b:s3+s2], $0x80, v37, vm0, $0xb8;
	[tilespmem:$0x18100] =	vst v63  }
0x205: {  	v58 =	vperm.xlane v36, v1;
	s15 =	simm.s32 $0xC900  }
0x206: {  	[tilespmem:s15], [sflag:$0x1] =	stream.indirect_vreg.gather [hbm4b:s5+s2], $0x80, v37, vm0, $0xb8;
	[tilespmem:$0x18100] =	vst v63  }
0x207: {  	v35 =	vadd.s32 v2, v58  }
0x208: {  	[tilespmem:s14], [sflag:$0x1] =	stream.indirect_vreg.gather [hbm4b:s6+s2], $0x80, v37, vm0, $0xb8;
	[tilespmem:$0x18100] =	vst v63  }
0x209: {  	s15 =	simm.s32 $0xD900  }
0x20a: {  	[tilespmem:s15], [sflag:$0x1] =	stream.indirect_vreg.gather [hbm4b:s7+s2], $0x80, v37, vm0, $0xb8;
	[tilespmem:$0x18100] =	vst v63  }
0x20b: {  	_ = 	snop  }
0x20c: {  	[tilespmem:s24], [sflag:$0x1] =	stream.indirect_vreg.gather [hbm4b:s3+s2], $0x80, v35, vm0, $0xb8;
	[tilespmem:$0x18100] =	vst v63  }
0x20d: {  	s24 =	simm.s32 $0xE900  }
0x20e: {  	[tilespmem:s24], [sflag:$0x1] =	stream.indirect_vreg.gather [hbm4b:s5+s2], $0x80, v35, vm0, $0xb8;
	[tilespmem:$0x18100] =	vst v63  }
0x20f: {  	_ = 	snop  }
0x210: {  	[tilespmem:s17], [sflag:$0x1] =	stream.indirect_vreg.gather [hbm4b:s6+s2], $0x80, v35, vm0, $0xb8;
	[tilespmem:$0x18100] =	vst v63  }
0x211: {  	_ = 	snop  }
0x212: {  	[tilespmem:s18], [sflag:$0x1] =	stream.indirect_vreg.gather [hbm4b:s7+s2], $0x80, v35, vm0, $0xb8;
	[tilespmem:$0x18100] =	vst v63  }
0x213: {  	_ =	swait.ge [sflag:s30], $0x4000  }
0x214: {  	[sflag:s30] =	ssyncset.done $0x0  }
0x215: {  	[sflag:s30] =	ssyncadd.s32 $0xFFFFC000  }
0x216: {  	_ =	swait.ge [sflag:s30], $0x4000  }
0x217: {  	[sflag:s30] =	ssyncset.done $0x0  }
0x218: {  	s15 =	simm.s32 $0x8100;
	[sflag:s30] =	ssyncadd.s32 $0xFFFFC000  }
0x219: {  	[hbm4b:s4+s2] =	stream.indirect_vreg.scatter [tilespmem:s15], [sflag:$0x6], $0x80, v23, vm0, $0xb8;
	[tilespmem:$0x18100] =	vst v63  }
0x21a: {  	s17 =	simm.s32 $0x8900  }
0x21b: {  	[hbm4b:s8+s2] =	stream.indirect_vreg.scatter [tilespmem:s17], [sflag:$0x6], $0x80, v23, vm0, $0xb8;
	[tilespmem:$0x18100] =	vst v63  }
0x21c: {  	s18 =	simm.s32 $0x9100  }
0x21d: {  	[hbm4b:s9+s2] =	stream.indirect_vreg.scatter [tilespmem:s18], [sflag:$0x6], $0x80, v23, vm0, $0xb8;
	[tilespmem:$0x18100] =	vst v63  }
0x21e: {  	_ = 	snop  }
0x21f: {  	[hbm4b:s10+s2] =	stream.indirect_vreg.scatter [tilespmem:s16], [sflag:$0x6], $0x80, v23, vm0, $0xb8;
	[tilespmem:$0x18100] =	vst v63  }
0x220: {  	_ = 	snop  }
0x221: {  	[hbm4b:s4+s2] =	stream.indirect_vreg.scatter [tilespmem:s0], [sflag:$0x6], $0x80, v24, vm0, $0xb8;
	[tilespmem:$0x18100] =	vst v63  }
0x222: {  	s24 =	simm.s32 $0xA900  }
0x223: {  	[hbm4b:s8+s2] =	stream.indirect_vreg.scatter [tilespmem:s24], [sflag:$0x6], $0x80, v24, vm0, $0xb8;
	[tilespmem:$0x18100] =	vst v63  }
0x224: {  	s30 =	simm.s32 $0xB100  }
0x225: {  	[hbm4b:s9+s2] =	stream.indirect_vreg.scatter [tilespmem:s30], [sflag:$0x6], $0x80, v24, vm0, $0xb8;
	[tilespmem:$0x18100] =	vst v63  }
0x226: {  	s20 =	simm.s32 $0xB900  }
0x227: {  	[hbm4b:s10+s2] =	stream.indirect_vreg.scatter [tilespmem:s20], [sflag:$0x6], $0x80, v24, vm0, $0xb8;
	[tilespmem:$0x18100] =	vst v63  }
0x228: {  	s21 =	simm.s32 $0x14100  }
0x229: {  	[hbm4b:s4+s2] =	stream.indirect_vreg.scatter [tilespmem:s21], [sflag:$0x6], $0x80, v25, vm0, $0xb8;
	[tilespmem:$0x18100] =	vst v63  }
0x22a: {  	s23 =	simm.s32 $0x14900  }
0x22b: {  	[hbm4b:s8+s2] =	stream.indirect_vreg.scatter [tilespmem:s23], [sflag:$0x6], $0x80, v25, vm0, $0xb8;
	[tilespmem:$0x18100] =	vst v63  }
0x22c: {  	s28 =	simm.s32 $0x15100  }
0x22d: {  	[hbm4b:s9+s2] =	stream.indirect_vreg.scatter [tilespmem:s28], [sflag:$0x6], $0x80, v25, vm0, $0xb8;
	[tilespmem:$0x18100] =	vst v63  }
0x22e: {  	s22 =	simm.s32 $0x15900  }
0x22f: {  	[hbm4b:s10+s2] =	stream.indirect_vreg.scatter [tilespmem:s22], [sflag:$0x6], $0x80, v25, vm0, $0xb8;
	[tilespmem:$0x18100] =	vst v63  }
0x230: {  	s11 =	simm.s32 $0x16100  }
0x231: {  	[hbm4b:s4+s2] =	stream.indirect_vreg.scatter [tilespmem:s11], [sflag:$0x6], $0x80, v26, vm0, $0xb8;
	[tilespmem:$0x18100] =	vst v63  }
0x232: {  	s19 =	simm.s32 $0x16900  }
0x233: {  	[hbm4b:s8+s2] =	stream.indirect_vreg.scatter [tilespmem:s19], [sflag:$0x6], $0x80, v26, vm0, $0xb8;
	[tilespmem:$0x18100] =	vst v63  }
0x234: {  	s13 =	simm.s32 $0x17100  }
0x235: {  	[hbm4b:s9+s2] =	stream.indirect_vreg.scatter [tilespmem:s13], [sflag:$0x6], $0x80, v26, vm0, $0xb8;
	[tilespmem:$0x18100] =	vst v63  }
0x236: {  	s31 =	simm.s32 $0x17900  }
0x237: {  	[hbm4b:s10+s2] =	stream.indirect_vreg.scatter [tilespmem:s31], [sflag:$0x6], $0x80, v26, vm0, $0xb8;
	[tilespmem:$0x18100] =	vst v63  }
0x238: {  	s0 =	rddreg [dreg:$0x5];
	_ =	swait.ge [sflag:s1], $0x4000  }
0x239: {  	[sflag:s1] =	ssyncset.done $0x0  }
0x23a: {  	[sflag:s1] =	ssyncadd.s32 $0xFFFFC000  }
0x23b: {  	_ =	swait.ge [sflag:s1], $0x4000  }
0x23c: {  	[sflag:s1] =	ssyncset.done $0x0  }
0x23d: {  	[sflag:s1] =	ssyncadd.s32 $0xFFFFC000  }
0x23e: {  	v59 =	vld [tilespmem:$0x70];
	_ =	sdelay $0x4  }
0x23f: {  	v60 =	vshll.u32 v59, $0x3  }
0x240: {  	v35 =	vand.u32 $0x7, v59;
	v36 =	vand.u32 $0xFFFFFFC0, v60  }
0x241: {  	v35 =	vor.u32 v35, v36  }
0x242: {  	v36 =	vperm.xlane v35, v0;
	_ =	sdelay $0x1  }
0x243: {  	v36 =	vadd.s32 v2, v36;
	_ =	sdelay $0x3  }
0x244: {  	s15 =	simm.s32 $0x4100  }
0x245: {  	v61 =	vld [tilespmem:$0xF0];
	[tilespmem:s15], [sflag:$0x2] =	stream.indirect_vreg.gather [hbm4b:s3+s2], $0x80, v36, vm0, $0xb8  }
0x246: {  	s14 =	simm.s32 $0x4900;
	v35 =	vperm.xlane v35, v1  }
0x247: {  	[tilespmem:s14], [sflag:$0x2] =	stream.indirect_vreg.gather [hbm4b:s5+s2], $0x80, v36, vm0, $0xb8;
	[tilespmem:$0x18100] =	vst v63  }
0x248: {  	s13 =	simm.s32 $0x5100;
	v35 =	vadd.s32 v2, v35  }
0x249: {  	[tilespmem:s13], [sflag:$0x2] =	stream.indirect_vreg.gather [hbm4b:s6+s2], $0x80, v36, vm0, $0xb8;
	[tilespmem:$0x18100] =	vst v63  }
0x24a: {  	s19 =	simm.s32 $0x5900  }
0x24b: {  	v62 =	vshll.u32 v61, $0x3;
	[tilespmem:s19], [sflag:$0x2] =	stream.indirect_vreg.gather [hbm4b:s7+s2], $0x80, v36, vm0, $0xb8;
	[tilespmem:$0x18100] =	vst v63  }
0x24c: {  	s20 =	simm.s32 $0x6100;
	v37 =	vand.u32 $0x7, v61;
	v36 =	vand.u32 $0xFFFFFFC0, v62  }
0x24d: {  	v36 =	vor.u32 v37, v36;
	[tilespmem:s20], [sflag:$0x2] =	stream.indirect_vreg.gather [hbm4b:s3+s2], $0x80, v35, vm0, $0xb8;
	[tilespmem:$0x18100] =	vst v63  }
0x24e: {  	s21 =	simm.s32 $0x6900;
	v37 =	vperm.xlane v36, v0  }
0x24f: {  	[tilespmem:s21], [sflag:$0x2] =	stream.indirect_vreg.gather [hbm4b:s5+s2], $0x80, v35, vm0, $0xb8;
	[tilespmem:$0x18100] =	vst v63  }
0x250: {  	s23 =	simm.s32 $0x7100;
	v37 =	vadd.s32 v2, v37  }
0x251: {  	[tilespmem:s23], [sflag:$0x2] =	stream.indirect_vreg.gather [hbm4b:s6+s2], $0x80, v35, vm0, $0xb8;
	[tilespmem:$0x18100] =	vst v63  }
0x252: {  	s28 =	simm.s32 $0x7900  }
0x253: {  	[tilespmem:s28], [sflag:$0x2] =	stream.indirect_vreg.gather [hbm4b:s7+s2], $0x80, v35, vm0, $0xb8;
	[tilespmem:$0x18100] =	vst v63  }
0x254: {  	s30 =	simm.s32 $0x10100  }
0x255: {  	[tilespmem:s30], [sflag:$0x2] =	stream.indirect_vreg.gather [hbm4b:s3+s2], $0x80, v37, vm0, $0xb8;
	[tilespmem:$0x18100] =	vst v63  }
0x256: {  	s31 =	simm.s32 $0x10900;
	v63 =	vperm.xlane v36, v1  }
0x257: {  	[tilespmem:s31], [sflag:$0x2] =	stream.indirect_vreg.gather [hbm4b:s5+s2], $0x80, v37, vm0, $0xb8;
	[tilespmem:$0x18100] =	vst v63  }
0x258: {  	s24 =	simm.s32 $0x11100;
	v35 =	vadd.s32 v2, v63  }
0x259: {  	[tilespmem:s24], [sflag:$0x2] =	stream.indirect_vreg.gather [hbm4b:s6+s2], $0x80, v37, vm0, $0xb8;
	[tilespmem:$0x18100] =	vst v63  }
0x25a: {  	s16 =	simm.s32 $0x11900  }
0x25b: {  	[tilespmem:s16], [sflag:$0x2] =	stream.indirect_vreg.gather [hbm4b:s7+s2], $0x80, v37, vm0, $0xb8;
	[tilespmem:$0x18100] =	vst v63  }
0x25c: {  	s17 =	simm.s32 $0x12100  }
0x25d: {  	[tilespmem:s17], [sflag:$0x2] =	stream.indirect_vreg.gather [hbm4b:s3+s2], $0x80, v35, vm0, $0xb8;
	[tilespmem:$0x18100] =	vst v63  }
0x25e: {  	s18 =	simm.s32 $0x12900  }
0x25f: {  	[tilespmem:s18], [sflag:$0x2] =	stream.indirect_vreg.gather [hbm4b:s5+s2], $0x80, v35, vm0, $0xb8;
	[tilespmem:$0x18100] =	vst v63  }
0x260: {  	s22 =	simm.s32 $0x13100  }
0x261: {  	[tilespmem:s22], [sflag:$0x2] =	stream.indirect_vreg.gather [hbm4b:s6+s2], $0x80, v35, vm0, $0xb8;
	[tilespmem:$0x18100] =	vst v63  }
0x262: {  	s11 =	simm.s32 $0x13900  }
0x263: {  	[tilespmem:s11], [sflag:$0x2] =	stream.indirect_vreg.gather [hbm4b:s7+s2], $0x80, v35, vm0, $0xb8;
	[tilespmem:$0x18100] =	vst v63  }
0x264: {  	_ =	swait.ge [sflag:s25], $0x4000  }
0x265: {  	[sflag:s25] =	ssyncset.done $0x0  }
0x266: {  	[sflag:s25] =	ssyncadd.s32 $0xFFFFC000  }
0x267: {  	_ =	swait.ge [sflag:s25], $0x4000  }
0x268: {  	[sflag:s25] =	ssyncset.done $0x0  }
0x269: {  	[sflag:s25] =	ssyncadd.s32 $0xFFFFC000;
	s25 =	simm.s32 $0x100  }
0x26a: {  	[hbm4b:s4+s2] =	stream.indirect_vreg.scatter [tilespmem:s25], [sflag:$0x4], $0x80, v27, vm0, $0xb8;
	[tilespmem:$0x18100] =	vst v63  }
0x26b: {  	s25 =	simm.s32 $0x900  }
0x26c: {  	[hbm4b:s8+s2] =	stream.indirect_vreg.scatter [tilespmem:s25], [sflag:$0x4], $0x80, v27, vm0, $0xb8;
	[tilespmem:$0x18100] =	vst v63  }
0x26d: {  	s25 =	simm.s32 $0x1100  }
0x26e: {  	[hbm4b:s9+s2] =	stream.indirect_vreg.scatter [tilespmem:s25], [sflag:$0x4], $0x80, v27, vm0, $0xb8;
	[tilespmem:$0x18100] =	vst v63  }
0x26f: {  	s25 =	simm.s32 $0x1900  }
0x270: {  	[hbm4b:s10+s2] =	stream.indirect_vreg.scatter [tilespmem:s25], [sflag:$0x4], $0x80, v27, vm0, $0xb8;
	[tilespmem:$0x18100] =	vst v63  }
0x271: {  	s25 =	simm.s32 $0x2100  }
0x272: {  	[hbm4b:s4+s2] =	stream.indirect_vreg.scatter [tilespmem:s25], [sflag:$0x4], $0x80, v28, vm0, $0xb8;
	[tilespmem:$0x18100] =	vst v63  }
0x273: {  	s25 =	simm.s32 $0x2900  }
0x274: {  	[hbm4b:s8+s2] =	stream.indirect_vreg.scatter [tilespmem:s25], [sflag:$0x4], $0x80, v28, vm0, $0xb8;
	[tilespmem:$0x18100] =	vst v63  }
0x275: {  	s25 =	simm.s32 $0x3100  }
0x276: {  	[hbm4b:s9+s2] =	stream.indirect_vreg.scatter [tilespmem:s25], [sflag:$0x4], $0x80, v28, vm0, $0xb8;
	[tilespmem:$0x18100] =	vst v63  }
0x277: {  	s25 =	simm.s32 $0x3900  }
0x278: {  	[hbm4b:s10+s2] =	stream.indirect_vreg.scatter [tilespmem:s25], [sflag:$0x4], $0x80, v28, vm0, $0xb8;
	[tilespmem:$0x18100] =	vst v63  }
0x279: {  	s25 =	simm.s32 $0xC100  }
0x27a: {  	[hbm4b:s4+s2] =	stream.indirect_vreg.scatter [tilespmem:s25], [sflag:$0x4], $0x80, v29, vm0, $0xb8;
	[tilespmem:$0x18100] =	vst v63  }
0x27b: {  	s25 =	simm.s32 $0xC900  }
0x27c: {  	[hbm4b:s8+s2] =	stream.indirect_vreg.scatter [tilespmem:s25], [sflag:$0x4], $0x80, v29, vm0, $0xb8;
	[tilespmem:$0x18100] =	vst v63  }
0x27d: {  	s25 =	simm.s32 $0xD100  }
0x27e: {  	[hbm4b:s9+s2] =	stream.indirect_vreg.scatter [tilespmem:s25], [sflag:$0x4], $0x80, v29, vm0, $0xb8;
	[tilespmem:$0x18100] =	vst v63  }
0x27f: {  	s25 =	simm.s32 $0xD900  }
0x280: {  	[hbm4b:s10+s2] =	stream.indirect_vreg.scatter [tilespmem:s25], [sflag:$0x4], $0x80, v29, vm0, $0xb8;
	[tilespmem:$0x18100] =	vst v63  }
0x281: {  	s25 =	simm.s32 $0xE100  }
0x282: {  	[hbm4b:s4+s2] =	stream.indirect_vreg.scatter [tilespmem:s25], [sflag:$0x4], $0x80, v30, vm0, $0xb8;
	[tilespmem:$0x18100] =	vst v63  }
0x283: {  	s25 =	simm.s32 $0xE900  }
0x284: {  	[hbm4b:s8+s2] =	stream.indirect_vreg.scatter [tilespmem:s25], [sflag:$0x4], $0x80, v30, vm0, $0xb8;
	[tilespmem:$0x18100] =	vst v63  }
0x285: {  	s25 =	simm.s32 $0xF100  }
0x286: {  	[hbm4b:s9+s2] =	stream.indirect_vreg.scatter [tilespmem:s25], [sflag:$0x4], $0x80, v30, vm0, $0xb8;
	[tilespmem:$0x18100] =	vst v63  }
0x287: {  	s25 =	simm.s32 $0xF900  }
0x288: {  	[hbm4b:s10+s2] =	stream.indirect_vreg.scatter [tilespmem:s25], [sflag:$0x4], $0x80, v30, vm0, $0xb8;
	[tilespmem:$0x18100] =	vst v63  }
0x289: {  	_ =	swait.ge [sflag:s26], $0x4000  }
0x28a: {  	[sflag:s26] =	ssyncset.done $0x0  }
0x28b: {  	[sflag:s26] =	ssyncadd.s32 $0xFFFFC000  }
0x28c: {  	_ =	swait.ge [sflag:s26], $0x4000  }
0x28d: {  	[sflag:s26] =	ssyncset.done $0x0  }
0x28e: {  	[sflag:s26] =	ssyncadd.s32 $0xFFFFC000  }
0x28f: {  	[hbm4b:s4+s2] =	stream.indirect_vreg.scatter [tilespmem:s15], [sflag:$0x5], $0x80, v31, vm0, $0xb8;
	[tilespmem:$0x18100] =	vst v63  }
0x290: {  	_ = 	snop  }
0x291: {  	[hbm4b:s8+s2] =	stream.indirect_vreg.scatter [tilespmem:s14], [sflag:$0x5], $0x80, v31, vm0, $0xb8;
	[tilespmem:$0x18100] =	vst v63  }
0x292: {  	_ = 	snop  }
0x293: {  	[hbm4b:s9+s2] =	stream.indirect_vreg.scatter [tilespmem:s13], [sflag:$0x5], $0x80, v31, vm0, $0xb8;
	[tilespmem:$0x18100] =	vst v63  }
0x294: {  	_ = 	snop  }
0x295: {  	[hbm4b:s10+s2] =	stream.indirect_vreg.scatter [tilespmem:s19], [sflag:$0x5], $0x80, v31, vm0, $0xb8;
	[tilespmem:$0x18100] =	vst v63  }
0x296: {  	_ = 	snop  }
0x297: {  	[hbm4b:s4+s2] =	stream.indirect_vreg.scatter [tilespmem:s20], [sflag:$0x5], $0x80, v32, vm0, $0xb8;
	[tilespmem:$0x18100] =	vst v63  }
0x298: {  	_ = 	snop  }
0x299: {  	[hbm4b:s8+s2] =	stream.indirect_vreg.scatter [tilespmem:s21], [sflag:$0x5], $0x80, v32, vm0, $0xb8;
	[tilespmem:$0x18100] =	vst v63  }
0x29a: {  	_ = 	snop  }
0x29b: {  	[hbm4b:s9+s2] =	stream.indirect_vreg.scatter [tilespmem:s23], [sflag:$0x5], $0x80, v32, vm0, $0xb8;
	[tilespmem:$0x18100] =	vst v63  }
0x29c: {  	_ = 	snop  }
0x29d: {  	[hbm4b:s10+s2] =	stream.indirect_vreg.scatter [tilespmem:s28], [sflag:$0x5], $0x80, v32, vm0, $0xb8;
	[tilespmem:$0x18100] =	vst v63  }
0x29e: {  	_ = 	snop  }
0x29f: {  	[hbm4b:s4+s2] =	stream.indirect_vreg.scatter [tilespmem:s30], [sflag:$0x5], $0x80, v33, vm0, $0xb8;
	[tilespmem:$0x18100] =	vst v63  }
0x2a0: {  	_ = 	snop  }
0x2a1: {  	[hbm4b:s8+s2] =	stream.indirect_vreg.scatter [tilespmem:s31], [sflag:$0x5], $0x80, v33, vm0, $0xb8;
	[tilespmem:$0x18100] =	vst v63  }
0x2a2: {  	_ = 	snop  }
0x2a3: {  	[hbm4b:s9+s2] =	stream.indirect_vreg.scatter [tilespmem:s24], [sflag:$0x5], $0x80, v33, vm0, $0xb8;
	[tilespmem:$0x18100] =	vst v63  }
0x2a4: {  	_ = 	snop  }
0x2a5: {  	[hbm4b:s10+s2] =	stream.indirect_vreg.scatter [tilespmem:s16], [sflag:$0x5], $0x80, v33, vm0, $0xb8;
	[tilespmem:$0x18100] =	vst v63  }
0x2a6: {  	_ = 	snop  }
0x2a7: {  	[hbm4b:s4+s2] =	stream.indirect_vreg.scatter [tilespmem:s17], [sflag:$0x5], $0x80, v34, vm0, $0xb8;
	[tilespmem:$0x18100] =	vst v63  }
0x2a8: {  	_ = 	snop  }
0x2a9: {  	[hbm4b:s8+s2] =	stream.indirect_vreg.scatter [tilespmem:s18], [sflag:$0x5], $0x80, v34, vm0, $0xb8;
	[tilespmem:$0x18100] =	vst v63  }
0x2aa: {  	_ = 	snop  }
0x2ab: {  	[hbm4b:s9+s2] =	stream.indirect_vreg.scatter [tilespmem:s22], [sflag:$0x5], $0x80, v34, vm0, $0xb8;
	[tilespmem:$0x18100] =	vst v63  }
0x2ac: {  	_ = 	snop  }
0x2ad: {  	[hbm4b:s10+s2] =	stream.indirect_vreg.scatter [tilespmem:s11], [sflag:$0x5], $0x80, v34, vm0, $0xb8;
	[tilespmem:$0x18100] =	vst v63  }
0x2ae: {  	_ =	swait.ge [sflag:s12], $0x4000  }
0x2af: {  	[sflag:s12] =	ssyncset.done $0x0  }
0x2b0: {  	[sflag:s12] =	ssyncadd.s32 $0xFFFFC000  }
0x2b1: {  	_ =	swait.ge [sflag:s12], $0x4000  }
0x2b2: {  	[sflag:s12] =	ssyncset.done $0x0  }
0x2b3: {  	[sflag:s12] =	ssyncadd.s32 $0xFFFFC000  }
0x2b4: {  	_ =	swait.ge [sflag:s29], $0x4000  }
0x2b5: {  	[sflag:s29] =	ssyncset.done $0x0  }
0x2b6: {  	[sflag:s29] =	ssyncadd.s32 $0xFFFFC000  }
0x2b7: {  	_ =	swait.ge [sflag:s29], $0x4000  }
0x2b8: {  	[sflag:s29] =	ssyncset.done $0x0  }
0x2b9: {  	[sflag:s29] =	ssyncadd.s32 $0xFFFFC000  }
0x2ba: {  	p0 =	sne.s32 s0, $0x1;
	_ =	swait.ge [sflag:s1], $0x4000  }
.Ltmp0:
0x2bb: {  	[sflag:s1] =	ssyncset.done $0x0;
	(pc) =	sbr.rel @p0 .LBB2_1-.Ltmp0, $4  }
0x2bc: {  	[sflag:s1] =	ssyncadd.s32 $0xFFFFC000  }
0x2bd: {  	_ =	swait.ge [sflag:s1], $0x4000  }
0x2be: {  	[sflag:s1] =	ssyncset.done $0x0  }
0x2bf: {  	s0 =	sadd.s32 $0xFFFFFFFF, s0;
	[sflag:s1] =	ssyncadd.s32 $0xFFFFC000  }
0x2c0: {  	_ =	sfence.sel $0x180000  }
0x2c1: {  	[bflag:$0x0] =	sbarrier.arrive $0xFFFF  }
0x2c2: {  	_ =	strace $0x9000004A  }
0x2c3: {  	s0 =	stileid.u32;
	[bflag:$0x2] =	sbarrier.arrive $0xFFFF  }
0x2c4: {  	p0 =	sne.s32 s0, $0x0;
	s0 =	rddreg [dreg:$0x1]  }
0x2c5: {  	s0 =	sadd.s32 @!p0 $0x100000, s0  }
0x2c6: {  	[sflag:s0] =	ssyncadd.tile.s32 @!p0 $0x1;
	_ =	shalt  }
.Lfunc_end2:
_tile_overlayer_lowered:
.L_overlay_start_2:
0x2c7: {  	(tag) =	ssettag $0x2  }
0x2c8: {  	s0 =	rddreg [dreg:$0x0];
	s2 =	stileid.u32  }
0x2c9: {  	s1 =	rddreg [dreg:$0x1];
	p0 =	sne.s32 s2, $0x0  }
0x2ca: {  	s3 =	rddreg [dreg:$0x2];
	[bflag:$0x3] =	sbarrier.arrive $0xFFFF;
	s2 =	simm.s32 @!p0 $0x1C07  }
0x2cb: {  	[timem:s3], [sflag:s2] =	dma.local @!p0 [hbm:s0], s1  }
0x2cc: {  	s0 =	simm.s32 @!p0 $0x7  }
0x2cd: {  	_ =	swait.ge @!p0 [sflag:s0], s1  }
0x2ce: {  	s1 =	ssub.s32 @!p0 $0x0, s1;
	[sflag:s0] =	ssyncset.done @!p0 $0x0  }
0x2cf: {  	[sflag:s0] =	ssyncadd.s32 @!p0 s1  }
0x2d0: {  	[bflag:$0x3] =	sbarrier.arrive $0xFFFF  }
0x2d1: {  	_ =	shalt  }

</sc_bundles>
